<compile_context>
chip_gen: v7x
topology: tpu7x:2x2x1
jax: 0.10.2.dev20260603
libtpu: 0.0.44.dev20260713+nightly
codegen_flags: <defaults>
</compile_context>

<pallas_src>
import functools

import jax
import jax.numpy as jnp
from jax import lax
from jax.experimental import pallas as pl
from jax.experimental.pallas import tpu as pltpu
from jax.experimental.pallas import tpu_sc as plsc

_N = 10000
_F = 128
_E = 320000
_NC = 2
_NS = 16
_CHUNK = 64
_EPAD = 327680
_R = 10240
_RPS = _R // _NS
_NBUF = 4
_STG = 40
_T0 = 160


def _sc_segment_sum_body(x_hbm, src_hbm, dst_hbm, out_hbm,
                         srcidx_v, dstidx_v, rows_v, acc_sh, *gsems):
    cid = lax.axis_index("c")
    sid = lax.axis_index("s")

    with jax.named_scope("sc_zero_acc"):
        zeros16 = jnp.zeros((16,), jnp.float32)

        @pl.loop(0, _CHUNK)
        def _(i):
            @pl.loop(0, _F // 16)
            def _(j):
                rows_v[0, i, pl.ds(j * 16, 16)] = zeros16

        @pl.loop(0, _RPS // _CHUNK)
        def _(k):
            pltpu.sync_copy(
                rows_v.at[0],
                acc_sh.at[pl.ds(sid * _RPS + k * _CHUNK, _CHUNK)])

        plsc.subcore_barrier()

    def _edge_stage(chunk_base):
        pltpu.sync_copy(src_hbm.at[pl.ds(chunk_base, _STG)], srcidx_v)
        pltpu.sync_copy(dst_hbm.at[pl.ds(chunk_base, _STG)], dstidx_v)

        for b in range(_NBUF):
            pltpu.async_copy(x_hbm.at[srcidx_v.at[b]], rows_v.at[b],
                             gsems[b])

        @pl.loop(0, _STG // _NBUF - 1)
        def _(u):
            for b in range(_NBUF):
                c = u * _NBUF + b
                pltpu.make_async_copy(x_hbm.at[srcidx_v.at[c]],
                                      rows_v.at[b], gsems[b]).wait()
                pltpu.sync_copy(rows_v.at[b], acc_sh.at[dstidx_v.at[c]],
                                add=True)
                pltpu.async_copy(x_hbm.at[srcidx_v.at[c + _NBUF]],
                                 rows_v.at[b], gsems[b])

        for b in range(_NBUF):
            c = _STG - _NBUF + b
            pltpu.make_async_copy(x_hbm.at[srcidx_v.at[c]], rows_v.at[b],
                                  gsems[b]).wait()
            pltpu.sync_copy(rows_v.at[b], acc_sh.at[dstidx_v.at[c]],
                            add=True)

    with jax.named_scope("sc_edge_loop"):
        wid = cid * _NS + sid
        for h in range(_T0 // _STG):
            _edge_stage(wid * _T0 + h * _STG)

        plsc.subcore_barrier()

    with jax.named_scope("sc_writeout"):
        @pl.loop(0, _RPS // _CHUNK)
        def _(k):
            off = sid * _RPS + k * _CHUNK
            pltpu.sync_copy(acc_sh.at[pl.ds(off, _CHUNK)],
                            out_hbm.at[cid].at[pl.ds(off, _CHUNK)])


@functools.partial(
    pl.kernel,
    out_type=jax.ShapeDtypeStruct((_NC, _R, _F), jnp.float32),
    mesh=plsc.VectorSubcoreMesh(core_axis_name="c", subcore_axis_name="s"),
    scratch_types=[
        pltpu.VMEM((_STG, _CHUNK), jnp.int32),
        pltpu.VMEM((_STG, _CHUNK), jnp.int32),
        pltpu.VMEM((_NBUF, _CHUNK, _F), jnp.float32),
        pltpu.VMEM_SHARED((_R, _F), jnp.float32),
    ] + [pltpu.SemaphoreType.DMA] * _NBUF,
)
def _sc_segment_sum(x_hbm, src_hbm, dst_hbm, out_hbm,
                    srcidx_v, dstidx_v, rows_v, acc_sh, *gsems):
    _sc_segment_sum_body(x_hbm, src_hbm, dst_hbm, out_hbm,
                         srcidx_v, dstidx_v, rows_v, acc_sh, *gsems)


def _quat(w):
    r, i, j, k = jnp.split(w, 4, axis=1)
    r2 = jnp.concatenate([r, -i, -j, -k], axis=0)
    i2 = jnp.concatenate([i, r, -k, j], axis=0)
    j2 = jnp.concatenate([j, k, r, -i], axis=0)
    k2 = jnp.concatenate([k, -j, i, r], axis=0)
    return jnp.concatenate([r2, i2, j2, k2], axis=1)


def _tc_dense_body(part_ref, w1_ref, w2_ref, g_ref, b_ref, out_ref):
    x = part_ref[0, :_N, :] + part_ref[1, :_N, :]
    h1 = _quat(w1_ref[...])
    o1 = jnp.dot(x, h1, preferred_element_type=jnp.float32)
    mean = jnp.mean(o1, axis=0, keepdims=True)
    var = jnp.mean((o1 - mean) ** 2, axis=0, keepdims=True)
    o1 = (o1 - mean) * lax.rsqrt(var + 1e-5) * g_ref[...] + b_ref[...]
    o1 = jnp.tanh(o1)
    h2 = _quat(w2_ref[...])
    out_ref[...] = jnp.dot(o1, h2, preferred_element_type=jnp.float32)


def kernel(input, edge_index, weight1, weight2, bn_gamma, bn_beta):
    src = edge_index[0]
    dst = edge_index[1]
    pad = _EPAD - _E
    it = lax.iota(jnp.int32, pad)
    src_p = jnp.concatenate([src, it % _N])
    dst_p = jnp.concatenate([dst, _N + (it % (_R - _N))])
    src_p = src_p.reshape(_EPAD // _CHUNK, _CHUNK)
    dst_p = dst_p.reshape(_EPAD // _CHUNK, _CHUNK)

    partial = _sc_segment_sum(input, src_p, dst_p)

    out = pl.pallas_call(
        _tc_dense_body,
        out_shape=jax.ShapeDtypeStruct((_N, _F), jnp.float32),
    )(partial, weight1, weight2,
      bn_gamma.reshape(1, _F), bn_beta.reshape(1, _F))
    return out

# --- scband reference (transcript-rebuilt; emitter-appended) ---
"""Pipeline reference for scband-qginlayer-54228257079522 (READ-ONLY COPY).

The authoritative reference and input builder live on the scoring server;
editing this copy changes nothing except your own understanding.
"""

import jax, jax.numpy as jnp
import numpy as np
import math

N_NODES = 10000
N_EDGES = 320000
IN_FEATURES = 128
HID_SIZE = 128
OUT_FEATURES = 128


def make_quaternion_mul(kernel):
    r, i, j, k = jnp.split(kernel, 4, axis=1)
    r2 = jnp.concatenate([r, -i, -j, -k], axis=0)
    i2 = jnp.concatenate([i, r, -k, j], axis=0)
    j2 = jnp.concatenate([j, k, r, -i], axis=0)
    k2 = jnp.concatenate([k, -j, i, r], axis=0)
    return jnp.concatenate([r2, i2, j2, k2], axis=1)


def setup_inputs(seed: int = 0) -> dict:
    key = jax.random.key(seed)
    k1, k2, k3, k4 = jax.random.split(key, 4)
    x = jax.random.normal(k1, (N_NODES, IN_FEATURES), dtype=jnp.float32)
    edge_index = jax.random.randint(k2, (2, N_EDGES), 0, N_NODES, dtype=jnp.int64 if jax.config.jax_enable_x64 else jnp.int32).astype(jnp.int32)
    stdv1 = math.sqrt(6.0 / (IN_FEATURES // 4 + HID_SIZE))
    weight1 = jax.random.uniform(k3, (IN_FEATURES // 4, HID_SIZE), minval=-stdv1, maxval=stdv1, dtype=jnp.float32)
    stdv2 = math.sqrt(6.0 / (HID_SIZE // 4 + OUT_FEATURES))
    weight2 = jax.random.uniform(k4, (HID_SIZE // 4, OUT_FEATURES), minval=-stdv2, maxval=stdv2, dtype=jnp.float32)
    bn_gamma = jnp.ones((HID_SIZE,), dtype=jnp.float32)
    bn_beta = jnp.zeros((HID_SIZE,), dtype=jnp.float32)
    return {"input": x, "edge_index": edge_index, "weight1": weight1, "weight2": weight2, "bn_gamma": bn_gamma, "bn_beta": bn_beta}


def reference(input, edge_index, weight1, weight2, bn_gamma, bn_beta):
    hamilton1 = make_quaternion_mul(weight1)
    hamilton2 = make_quaternion_mul(weight2)
    src = edge_index[0]
    dst = edge_index[1]
    # adj (sparse, values=1.0) @ input  ==  scatter-add of gathered source rows
    gathered = jnp.take(input, src, axis=0)
    new_input = jax.ops.segment_sum(gathered, dst, num_segments=N_NODES)
    output1 = new_input @ hamilton1
    # BatchNorm1d in training mode: batch statistics, biased variance, eps=1e-5
    mean = jnp.mean(output1, axis=0)
    var = jnp.mean((output1 - mean) ** 2, axis=0)
    output1 = (output1 - mean) / jnp.sqrt(var + 1e-5) * bn_gamma + bn_beta
    output1 = jnp.tanh(output1)
    output2 = output1 @ hamilton2
    return output2

if __name__ == "__main__":
    import jax
    _d = setup_inputs()
    print(jax.jit(kernel)(*tuple(_d.values())))

</pallas_src>

<mosaic_0001>
#map = affine_map<(d0, d1) -> (0, 0)>
#map1 = affine_map<(d0, d1) -> (0, 0, 0)>
module attributes {stable_mosaic.version = 14 : i64} {
  func.func @_sc_segment_sum(%arg0: i32, %arg1: i32, %arg2: memref<10000x128xf32, #tpu.memory_space<hbm>>, %arg3: memref<5120x64xi32, #tpu.memory_space<hbm>>, %arg4: memref<5120x64xi32, #tpu.memory_space<hbm>>, %arg5: memref<2x10240x128xf32, #tpu.memory_space<hbm>>, %arg6: memref<40x64xi32, #tpu.memory_space<vmem>>, %arg7: memref<40x64xi32, #tpu.memory_space<vmem>>, %arg8: memref<4x64x128xf32, #tpu.memory_space<vmem>>, %arg9: memref<10240x128xf32, #tpu.memory_space<vmem_shared>>, %arg10: memref<!tpu.dma_semaphore, #tpu.memory_space<semaphore_mem>>, %arg11: memref<!tpu.dma_semaphore, #tpu.memory_space<semaphore_mem>>, %arg12: memref<!tpu.dma_semaphore, #tpu.memory_space<semaphore_mem>>, %arg13: memref<!tpu.dma_semaphore, #tpu.memory_space<semaphore_mem>>) attributes {dimension_semantics = [#tpu.dimension_semantics<core_parallel>, #tpu.dimension_semantics<subcore_parallel>], iteration_bounds = array<i64: 2, 16>, scalar_prefetch = 0 : i64, scratch_operands = 8 : i64, tpu.core_type = #tpu.core_type<sc_vector_subcore>, window_params = [{transform_indices = #map}, {transform_indices = #map}, {transform_indices = #map}, {transform_indices = #map1}]} {
    %broadcast_in_dim3A = arith.constant 0.000000e+00 : f32
    "tpu.trace_start"() <{level = 10 : i32, message = "sc_zero_acc"}> : () -> ()
    %broadcast_in_dim3A_0 = vector.broadcast %broadcast_in_dim3A : f32 to vector<16xf32>
    %scan3A = arith.constant 0 : i32
    %scan3A_1 = arith.constant 64 : i32
    %scan3A_2 = arith.addi %scan3A, %scan3A_1 : i32
    %scan3A_3 = arith.constant 1 : i32
    scf.for %scan3A_466 = %scan3A to %scan3A_2 step %scan3A_3  : i32 {
      %mul3A_467 = arith.constant 1 : i32
      %mul3A_468 = arith.muli %scan3A_466, %mul3A_467 : i32
      %add3A_469 = arith.constant 0 : i32
      %add3A_470 = arith.addi %add3A_469, %mul3A_468 : i32
      %scan3A_471 = arith.constant 0 : i32
      %scan3A_472 = arith.constant 8 : i32
      %scan3A_473 = arith.addi %scan3A_471, %scan3A_472 : i32
      %scan3A_474 = arith.constant 1 : i32
      scf.for %scan3A_476 = %scan3A_471 to %scan3A_473 step %scan3A_474  : i32 {
        %mul3A_477 = arith.constant 1 : i32
        %mul3A_478 = arith.muli %scan3A_476, %mul3A_477 : i32
        %add3A_479 = arith.constant 0 : i32
        %add3A_480 = arith.addi %add3A_479, %mul3A_478 : i32
        %mul3A_481 = arith.constant 16 : i32
        %mul3A_482 = arith.muli %add3A_480, %mul3A_481 : i32
        %swap3A = arith.constant 0 : i32
        %swap3A_483 = arith.index_cast %swap3A : i32 to index
        %swap3A_484 = arith.index_cast %add3A_470 : i32 to index
        %swap3A_485 = arith.index_cast %mul3A_482 : i32 to index
        %swap3A_486 = tpu.vector_load %arg8[%swap3A_483, %swap3A_484, %swap3A_485] {strides = array<i32>} : memref<4x64x128xf32, #tpu.memory_space<vmem>>, vector<1x1x16xf32>,
        %swap3A_487 = vector.shape_cast %swap3A_486 : vector<1x1x16xf32> to vector<16xf32>
        %swap3A_488 = vector.shape_cast %broadcast_in_dim3A_0 : vector<16xf32> to vector<1x1x16xf32>
        tpu.vector_store %arg8[%swap3A_483, %swap3A_484, %swap3A_485], %swap3A_488 {strides = array<i32>} : memref<4x64x128xf32, #tpu.memory_space<vmem>>, vector<1x1x16xf32>,
      }
      %scan3A_475 = arith.constant 8 : i32
    }
    %scan3A_4 = arith.constant 64 : i32
    %scan3A_5 = arith.constant 0 : i32
    %scan3A_6 = arith.constant 10 : i32
    %scan3A_7 = arith.addi %scan3A_5, %scan3A_6 : i32
    %scan3A_8 = arith.constant 1 : i32
    scf.for %scan3A_466 = %scan3A_5 to %scan3A_7 step %scan3A_8  : i32 {
      %mul3A_467 = arith.constant 1 : i32
      %mul3A_468 = arith.muli %scan3A_466, %mul3A_467 : i32
      %add3A_469 = arith.constant 0 : i32
      %add3A_470 = arith.addi %add3A_469, %mul3A_468 : i32
      %mul3A_471 = arith.constant 640 : i32
      %mul3A_472 = arith.muli %arg1, %mul3A_471 : i32
      %mul3A_473 = arith.constant 64 : i32
      %mul3A_474 = arith.muli %add3A_470, %mul3A_473 : i32
      %add3A_475 = arith.addi %mul3A_472, %mul3A_474 : i32
      %run_scoped3A_476 = arith.constant 0 : i32
      "tpu.region"() ({
        %run_scoped3A_477 = tpu.sem_alloc : memref<!tpu.dma_semaphore, #tpu.memory_space<semaphore_mem>>
        %dma_start3A_478 = arith.constant 0 : i32
        %dma_start3A_479 = arith.constant 0 : i32
        %dma_start3A_480 = tpu.memref_slice %arg8[%run_scoped3A_476, %dma_start3A_478, %dma_start3A_479] : memref<4x64x128xf32, #tpu.memory_space<vmem>> -> memref<1x64x128xf32, #tpu.memory_space<vmem>>
        %dma_start3A_481 = tpu.memref_squeeze %dma_start3A_480 : memref<1x64x128xf32, #tpu.memory_space<vmem>> -> memref<64x128xf32, #tpu.memory_space<vmem>>
        %dma_start3A_482 = arith.constant 0 : i32
        %dma_start3A_483 = tpu.memref_slice %arg9[%add3A_475, %dma_start3A_482] : memref<10240x128xf32, #tpu.memory_space<vmem_shared>> -> memref<64x128xf32, #tpu.memory_space<vmem_shared>>
        %dma_start3A_484 = arith.constant 0 : i32
        %dma_start3A_485 = tpu.memref_slice %arg9[%add3A_475, %dma_start3A_484] : memref<10240x128xf32, #tpu.memory_space<vmem_shared>> -> memref<64x128xf32, #tpu.memory_space<vmem_shared>>
        %dma_start3A_486 = arith.constant 0 : i32
        %dma_start3A_487 = arith.constant 0 : i32
        %dma_start3A_488 = tpu.memref_slice %arg8[%run_scoped3A_476, %dma_start3A_486, %dma_start3A_487] : memref<4x64x128xf32, #tpu.memory_space<vmem>> -> memref<1x64x128xf32, #tpu.memory_space<vmem>>
        %dma_start3A_489 = tpu.memref_squeeze %dma_start3A_488 : memref<1x64x128xf32, #tpu.memory_space<vmem>> -> memref<64x128xf32, #tpu.memory_space<vmem>>
        tpu.enqueue_dma source(%dma_start3A_489 : memref<64x128xf32, #tpu.memory_space<vmem>>) target(%dma_start3A_485 : memref<64x128xf32, #tpu.memory_space<vmem_shared>>) target_semaphore(%run_scoped3A_477 : memref<!tpu.dma_semaphore, #tpu.memory_space<semaphore_mem>>)
        %dma_wait3A_490 = arith.constant 0 : i32
        %dma_wait3A_491 = arith.constant 0 : i32
        %dma_wait3A_492 = tpu.memref_slice %arg8[%run_scoped3A_476, %dma_wait3A_490, %dma_wait3A_491] : memref<4x64x128xf32, #tpu.memory_space<vmem>> -> memref<1x64x128xf32, #tpu.memory_space<vmem>>
        %dma_wait3A_493 = tpu.memref_squeeze %dma_wait3A_492 : memref<1x64x128xf32, #tpu.memory_space<vmem>> -> memref<64x128xf32, #tpu.memory_space<vmem>>
        %dma_wait3A_494 = arith.constant 0 : i32
        %dma_wait3A_495 = tpu.memref_slice %arg9[%add3A_475, %dma_wait3A_494] : memref<10240x128xf32, #tpu.memory_space<vmem_shared>> -> memref<64x128xf32, #tpu.memory_space<vmem_shared>>
        %dma_wait3A_496 = arith.constant 0 : i32
        %dma_wait3A_497 = tpu.memref_slice %arg9[%add3A_475, %dma_wait3A_496] : memref<10240x128xf32, #tpu.memory_space<vmem_shared>> -> memref<64x128xf32, #tpu.memory_space<vmem_shared>>
        %dma_wait3A_498 = arith.constant 0 : i32
        %dma_wait3A_499 = arith.constant 0 : i32
        %dma_wait3A_500 = tpu.memref_slice %arg8[%run_scoped3A_476, %dma_wait3A_498, %dma_wait3A_499] : memref<4x64x128xf32, #tpu.memory_space<vmem>> -> memref<1x64x128xf32, #tpu.memory_space<vmem>>
        %dma_wait3A_501 = tpu.memref_squeeze %dma_wait3A_500 : memref<1x64x128xf32, #tpu.memory_space<vmem>> -> memref<64x128xf32, #tpu.memory_space<vmem>>
        tpu.wait_dma2 semaphore(%run_scoped3A_477 : memref<!tpu.dma_semaphore, #tpu.memory_space<semaphore_mem>>) src(%dma_wait3A_501 : memref<64x128xf32, #tpu.memory_space<vmem>>) dst(%dma_wait3A_497 : memref<64x128xf32, #tpu.memory_space<vmem_shared>>)
        tpu.yield
      }) : () -> ()
    }
    %scan3A_9 = arith.constant 10 : i32
    %barrier3A = arith.constant 0 : index
    tpu.barrier barrier_id(%barrier3A)
    "tpu.trace_stop"() : () -> ()
    "tpu.trace_start"() <{level = 10 : i32, message = "sc_edge_loop"}> : () -> ()
    %mul3A = arith.constant 16 : i32
    %mul3A_10 = arith.muli %arg0, %mul3A : i32
    %add3A = arith.addi %mul3A_10, %arg1 : i32
    %mul3A_11 = arith.constant 160 : i32
    %mul3A_12 = arith.muli %add3A, %mul3A_11 : i32
    %add3A_13 = arith.constant 0 : i32
    %add3A_14 = arith.addi %mul3A_12, %add3A_13 : i32
    "tpu.region"() ({
      %run_scoped3A_466 = tpu.sem_alloc : memref<!tpu.dma_semaphore, #tpu.memory_space<semaphore_mem>>
      %dma_start3A_467 = arith.constant 0 : i32
      %dma_start3A_468 = tpu.memref_slice %arg3[%add3A_14, %dma_start3A_467] : memref<5120x64xi32, #tpu.memory_space<hbm>> -> memref<40x64xi32, #tpu.memory_space<hbm>>
      %dma_start3A_469 = arith.constant 0 : i32
      %dma_start3A_470 = tpu.memref_slice %arg3[%add3A_14, %dma_start3A_469] : memref<5120x64xi32, #tpu.memory_space<hbm>> -> memref<40x64xi32, #tpu.memory_space<hbm>>
      tpu.enqueue_dma source(%dma_start3A_470 : memref<40x64xi32, #tpu.memory_space<hbm>>) target(%arg6 : memref<40x64xi32, #tpu.memory_space<vmem>>) target_semaphore(%run_scoped3A_466 : memref<!tpu.dma_semaphore, #tpu.memory_space<semaphore_mem>>)
      %dma_wait3A_471 = arith.constant 0 : i32
      %dma_wait3A_472 = tpu.memref_slice %arg3[%add3A_14, %dma_wait3A_471] : memref<5120x64xi32, #tpu.memory_space<hbm>> -> memref<40x64xi32, #tpu.memory_space<hbm>>
      %dma_wait3A_473 = arith.constant 0 : i32
      %dma_wait3A_474 = tpu.memref_slice %arg3[%add3A_14, %dma_wait3A_473] : memref<5120x64xi32, #tpu.memory_space<hbm>> -> memref<40x64xi32, #tpu.memory_space<hbm>>
      tpu.wait_dma2 semaphore(%run_scoped3A_466 : memref<!tpu.dma_semaphore, #tpu.memory_space<semaphore_mem>>) src(%dma_wait3A_474 : memref<40x64xi32, #tpu.memory_space<hbm>>) dst(%arg6 : memref<40x64xi32, #tpu.memory_space<vmem>>)
      tpu.yield
    }) : () -> ()
    "tpu.region"() ({
      %run_scoped3A_466 = tpu.sem_alloc : memref<!tpu.dma_semaphore, #tpu.memory_space<semaphore_mem>>
      %dma_start3A_467 = arith.constant 0 : i32
      %dma_start3A_468 = tpu.memref_slice %arg4[%add3A_14, %dma_start3A_467] : memref<5120x64xi32, #tpu.memory_space<hbm>> -> memref<40x64xi32, #tpu.memory_space<hbm>>
      %dma_start3A_469 = arith.constant 0 : i32
      %dma_start3A_470 = tpu.memref_slice %arg4[%add3A_14, %dma_start3A_469] : memref<5120x64xi32, #tpu.memory_space<hbm>> -> memref<40x64xi32, #tpu.memory_space<hbm>>
      tpu.enqueue_dma source(%dma_start3A_470 : memref<40x64xi32, #tpu.memory_space<hbm>>) target(%arg7 : memref<40x64xi32, #tpu.memory_space<vmem>>) target_semaphore(%run_scoped3A_466 : memref<!tpu.dma_semaphore, #tpu.memory_space<semaphore_mem>>)
      %dma_wait3A_471 = arith.constant 0 : i32
      %dma_wait3A_472 = tpu.memref_slice %arg4[%add3A_14, %dma_wait3A_471] : memref<5120x64xi32, #tpu.memory_space<hbm>> -> memref<40x64xi32, #tpu.memory_space<hbm>>
      %dma_wait3A_473 = arith.constant 0 : i32
      %dma_wait3A_474 = tpu.memref_slice %arg4[%add3A_14, %dma_wait3A_473] : memref<5120x64xi32, #tpu.memory_space<hbm>> -> memref<40x64xi32, #tpu.memory_space<hbm>>
      tpu.wait_dma2 semaphore(%run_scoped3A_466 : memref<!tpu.dma_semaphore, #tpu.memory_space<semaphore_mem>>) src(%dma_wait3A_474 : memref<40x64xi32, #tpu.memory_space<hbm>>) dst(%arg7 : memref<40x64xi32, #tpu.memory_space<vmem>>)
      tpu.yield
    }) : () -> ()
    %dma_start3A = arith.constant 0 : i32
    %dma_start3A_15 = arith.constant 0 : i32
    %dma_start3A_16 = arith.constant 0 : i32
    %dma_start3A_17 = arith.constant 0 : i32
    %dma_start3A_18 = tpu.memref_slice %arg8[%dma_start3A_15, %dma_start3A_16, %dma_start3A_17] : memref<4x64x128xf32, #tpu.memory_space<vmem>> -> memref<1x64x128xf32, #tpu.memory_space<vmem>>
    %dma_start3A_19 = tpu.memref_squeeze %dma_start3A_18 : memref<1x64x128xf32, #tpu.memory_space<vmem>> -> memref<64x128xf32, #tpu.memory_space<vmem>>
    %dma_start3A_20 = arith.constant 0 : i32
    %dma_start3A_21 = tpu.memref_slice %arg6[%dma_start3A, %dma_start3A_20] : memref<40x64xi32, #tpu.memory_space<vmem>> -> memref<1x64xi32, #tpu.memory_space<vmem>>
    %dma_start3A_22 = tpu.memref_squeeze %dma_start3A_21 : memref<1x64xi32, #tpu.memory_space<vmem>> -> memref<64xi32, #tpu.memory_space<vmem>>
    %dma_start3A_23 = arith.constant 0 : i32
    %dma_start3A_24 = arith.constant 0 : i32
    %dma_start3A_25 = tpu.memref_slice %arg2[%dma_start3A_23, %dma_start3A_24] : memref<10000x128xf32, #tpu.memory_space<hbm>> -> memref<10000x128xf32, #tpu.memory_space<hbm>>
    tpu.enqueue_indirect_dma source(%dma_start3A_25 : memref<10000x128xf32, #tpu.memory_space<hbm>>) target(%dma_start3A_19 : memref<64x128xf32, #tpu.memory_space<vmem>>) offsets(%dma_start3A_22 : memref<64xi32, #tpu.memory_space<vmem>>) semaphore(%arg10 : memref<!tpu.dma_semaphore, #tpu.memory_space<semaphore_mem>>)
    %dma_start3A_26 = arith.constant 1 : i32
    %dma_start3A_27 = arith.constant 1 : i32
    %dma_start3A_28 = arith.constant 0 : i32
    %dma_start3A_29 = arith.constant 0 : i32
    %dma_start3A_30 = tpu.memref_slice %arg8[%dma_start3A_27, %dma_start3A_28, %dma_start3A_29] : memref<4x64x128xf32, #tpu.memory_space<vmem>> -> memref<1x64x128xf32, #tpu.memory_space<vmem>>
    %dma_start3A_31 = tpu.memref_squeeze %dma_start3A_30 : memref<1x64x128xf32, #tpu.memory_space<vmem>> -> memref<64x128xf32, #tpu.memory_space<vmem>>
    %dma_start3A_32 = arith.constant 0 : i32
    %dma_start3A_33 = tpu.memref_slice %arg6[%dma_start3A_26, %dma_start3A_32] : memref<40x64xi32, #tpu.memory_space<vmem>> -> memref<1x64xi32, #tpu.memory_space<vmem>>
    %dma_start3A_34 = tpu.memref_squeeze %dma_start3A_33 : memref<1x64xi32, #tpu.memory_space<vmem>> -> memref<64xi32, #tpu.memory_space<vmem>>
    %dma_start3A_35 = arith.constant 0 : i32
    %dma_start3A_36 = arith.constant 0 : i32
    %dma_start3A_37 = tpu.memref_slice %arg2[%dma_start3A_35, %dma_start3A_36] : memref<10000x128xf32, #tpu.memory_space<hbm>> -> memref<10000x128xf32, #tpu.memory_space<hbm>>
    tpu.enqueue_indirect_dma source(%dma_start3A_37 : memref<10000x128xf32, #tpu.memory_space<hbm>>) target(%dma_start3A_31 : memref<64x128xf32, #tpu.memory_space<vmem>>) offsets(%dma_start3A_34 : memref<64xi32, #tpu.memory_space<vmem>>) semaphore(%arg11 : memref<!tpu.dma_semaphore, #tpu.memory_space<semaphore_mem>>)
    %dma_start3A_38 = arith.constant 2 : i32
    %dma_start3A_39 = arith.constant 2 : i32
    %dma_start3A_40 = arith.constant 0 : i32
    %dma_start3A_41 = arith.constant 0 : i32
    %dma_start3A_42 = tpu.memref_slice %arg8[%dma_start3A_39, %dma_start3A_40, %dma_start3A_41] : memref<4x64x128xf32, #tpu.memory_space<vmem>> -> memref<1x64x128xf32, #tpu.memory_space<vmem>>
    %dma_start3A_43 = tpu.memref_squeeze %dma_start3A_42 : memref<1x64x128xf32, #tpu.memory_space<vmem>> -> memref<64x128xf32, #tpu.memory_space<vmem>>
    %dma_start3A_44 = arith.constant 0 : i32
    %dma_start3A_45 = tpu.memref_slice %arg6[%dma_start3A_38, %dma_start3A_44] : memref<40x64xi32, #tpu.memory_space<vmem>> -> memref<1x64xi32, #tpu.memory_space<vmem>>
    %dma_start3A_46 = tpu.memref_squeeze %dma_start3A_45 : memref<1x64xi32, #tpu.memory_space<vmem>> -> memref<64xi32, #tpu.memory_space<vmem>>
    %dma_start3A_47 = arith.constant 0 : i32
    %dma_start3A_48 = arith.constant 0 : i32
    %dma_start3A_49 = tpu.memref_slice %arg2[%dma_start3A_47, %dma_start3A_48] : memref<10000x128xf32, #tpu.memory_space<hbm>> -> memref<10000x128xf32, #tpu.memory_space<hbm>>
    tpu.enqueue_indirect_dma source(%dma_start3A_49 : memref<10000x128xf32, #tpu.memory_space<hbm>>) target(%dma_start3A_43 : memref<64x128xf32, #tpu.memory_space<vmem>>) offsets(%dma_start3A_46 : memref<64xi32, #tpu.memory_space<vmem>>) semaphore(%arg12 : memref<!tpu.dma_semaphore, #tpu.memory_space<semaphore_mem>>)
    %dma_start3A_50 = arith.constant 3 : i32
    %dma_start3A_51 = arith.constant 3 : i32
    %dma_start3A_52 = arith.constant 0 : i32
    %dma_start3A_53 = arith.constant 0 : i32
    %dma_start3A_54 = tpu.memref_slice %arg8[%dma_start3A_51, %dma_start3A_52, %dma_start3A_53] : memref<4x64x128xf32, #tpu.memory_space<vmem>> -> memref<1x64x128xf32, #tpu.memory_space<vmem>>
    %dma_start3A_55 = tpu.memref_squeeze %dma_start3A_54 : memref<1x64x128xf32, #tpu.memory_space<vmem>> -> memref<64x128xf32, #tpu.memory_space<vmem>>
    %dma_start3A_56 = arith.constant 0 : i32
    %dma_start3A_57 = tpu.memref_slice %arg6[%dma_start3A_50, %dma_start3A_56] : memref<40x64xi32, #tpu.memory_space<vmem>> -> memref<1x64xi32, #tpu.memory_space<vmem>>
    %dma_start3A_58 = tpu.memref_squeeze %dma_start3A_57 : memref<1x64xi32, #tpu.memory_space<vmem>> -> memref<64xi32, #tpu.memory_space<vmem>>
    %dma_start3A_59 = arith.constant 0 : i32
    %dma_start3A_60 = arith.constant 0 : i32
    %dma_start3A_61 = tpu.memref_slice %arg2[%dma_start3A_59, %dma_start3A_60] : memref<10000x128xf32, #tpu.memory_space<hbm>> -> memref<10000x128xf32, #tpu.memory_space<hbm>>
    tpu.enqueue_indirect_dma source(%dma_start3A_61 : memref<10000x128xf32, #tpu.memory_space<hbm>>) target(%dma_start3A_55 : memref<64x128xf32, #tpu.memory_space<vmem>>) offsets(%dma_start3A_58 : memref<64xi32, #tpu.memory_space<vmem>>) semaphore(%arg13 : memref<!tpu.dma_semaphore, #tpu.memory_space<semaphore_mem>>)
    %scan3A_62 = arith.constant 0 : i32
    %scan3A_63 = arith.constant 9 : i32
    %scan3A_64 = arith.addi %scan3A_62, %scan3A_63 : i32
    %scan3A_65 = arith.constant 1 : i32
    scf.for %scan3A_466 = %scan3A_62 to %scan3A_64 step %scan3A_65  : i32 {
      %mul3A_467 = arith.constant 1 : i32
      %mul3A_468 = arith.muli %scan3A_466, %mul3A_467 : i32
      %add3A_469 = arith.constant 0 : i32
      %add3A_470 = arith.addi %add3A_469, %mul3A_468 : i32
      %mul3A_471 = arith.constant 4 : i32
      %mul3A_472 = arith.muli %add3A_470, %mul3A_471 : i32
      %add3A_473 = arith.constant 0 : i32
      %add3A_474 = arith.addi %mul3A_472, %add3A_473 : i32
      %dma_wait3A_475 = arith.constant 0 : i32
      %dma_wait3A_476 = arith.constant 0 : i32
      %dma_wait3A_477 = arith.constant 0 : i32
      %dma_wait3A_478 = tpu.memref_slice %arg8[%dma_wait3A_475, %dma_wait3A_476, %dma_wait3A_477] : memref<4x64x128xf32, #tpu.memory_space<vmem>> -> memref<1x64x128xf32, #tpu.memory_space<vmem>>
      %dma_wait3A_479 = tpu.memref_squeeze %dma_wait3A_478 : memref<1x64x128xf32, #tpu.memory_space<vmem>> -> memref<64x128xf32, #tpu.memory_space<vmem>>
      %dma_wait3A_480 = arith.constant 0 : i32
      %dma_wait3A_481 = tpu.memref_slice %arg6[%add3A_474, %dma_wait3A_480] : memref<40x64xi32, #tpu.memory_space<vmem>> -> memref<1x64xi32, #tpu.memory_space<vmem>>
      %dma_wait3A_482 = tpu.memref_squeeze %dma_wait3A_481 : memref<1x64xi32, #tpu.memory_space<vmem>> -> memref<64xi32, #tpu.memory_space<vmem>>
      %dma_wait3A_483 = arith.constant 0 : i32
      %dma_wait3A_484 = arith.constant 0 : i32
      %dma_wait3A_485 = tpu.memref_slice %arg2[%dma_wait3A_483, %dma_wait3A_484] : memref<10000x128xf32, #tpu.memory_space<hbm>> -> memref<10000x128xf32, #tpu.memory_space<hbm>>
      tpu.wait_indirect_dma semaphore(%arg10 : memref<!tpu.dma_semaphore, #tpu.memory_space<semaphore_mem>>) src(%dma_wait3A_485 : memref<10000x128xf32, #tpu.memory_space<hbm>>) dst(%dma_wait3A_479 : memref<64x128xf32, #tpu.memory_space<vmem>>)
      %run_scoped3A_486 = arith.constant 0 : i32
      "tpu.region"() ({
        %run_scoped3A_587 = tpu.sem_alloc : memref<!tpu.dma_semaphore, #tpu.memory_space<semaphore_mem>>
        %dma_start3A_588 = arith.constant 0 : i32
        %dma_start3A_589 = arith.constant 0 : i32
        %dma_start3A_590 = tpu.memref_slice %arg8[%run_scoped3A_486, %dma_start3A_588, %dma_start3A_589] : memref<4x64x128xf32, #tpu.memory_space<vmem>> -> memref<1x64x128xf32, #tpu.memory_space<vmem>>
        %dma_start3A_591 = tpu.memref_squeeze %dma_start3A_590 : memref<1x64x128xf32, #tpu.memory_space<vmem>> -> memref<64x128xf32, #tpu.memory_space<vmem>>
        %dma_start3A_592 = arith.constant 0 : i32
        %dma_start3A_593 = tpu.memref_slice %arg7[%add3A_474, %dma_start3A_592] : memref<40x64xi32, #tpu.memory_space<vmem>> -> memref<1x64xi32, #tpu.memory_space<vmem>>
        %dma_start3A_594 = tpu.memref_squeeze %dma_start3A_593 : memref<1x64xi32, #tpu.memory_space<vmem>> -> memref<64xi32, #tpu.memory_space<vmem>>
        %dma_start3A_595 = arith.constant 0 : i32
        %dma_start3A_596 = arith.constant 0 : i32
        %dma_start3A_597 = tpu.memref_slice %arg9[%dma_start3A_595, %dma_start3A_596] : memref<10240x128xf32, #tpu.memory_space<vmem_shared>> -> memref<10240x128xf32, #tpu.memory_space<vmem_shared>>
        tpu.enqueue_indirect_dma source(%dma_start3A_591 : memref<64x128xf32, #tpu.memory_space<vmem>>) target(%dma_start3A_597 : memref<10240x128xf32, #tpu.memory_space<vmem_shared>>) offsets(%dma_start3A_594 : memref<64xi32, #tpu.memory_space<vmem>>) semaphore(%run_scoped3A_587 : memref<!tpu.dma_semaphore, #tpu.memory_space<semaphore_mem>>) {add = true}
        %dma_wait3A_598 = arith.constant 0 : i32
        %dma_wait3A_599 = arith.constant 0 : i32
        %dma_wait3A_600 = tpu.memref_slice %arg8[%run_scoped3A_486, %dma_wait3A_598, %dma_wait3A_599] : memref<4x64x128xf32, #tpu.memory_space<vmem>> -> memref<1x64x128xf32, #tpu.memory_space<vmem>>
        %dma_wait3A_601 = tpu.memref_squeeze %dma_wait3A_600 : memref<1x64x128xf32, #tpu.memory_space<vmem>> -> memref<64x128xf32, #tpu.memory_space<vmem>>
        %dma_wait3A_602 = arith.constant 0 : i32
        %dma_wait3A_603 = tpu.memref_slice %arg7[%add3A_474, %dma_wait3A_602] : memref<40x64xi32, #tpu.memory_space<vmem>> -> memref<1x64xi32, #tpu.memory_space<vmem>>
        %dma_wait3A_604 = tpu.memref_squeeze %dma_wait3A_603 : memref<1x64xi32, #tpu.memory_space<vmem>> -> memref<64xi32, #tpu.memory_space<vmem>>
        %dma_wait3A_605 = arith.constant 0 : i32
        %dma_wait3A_606 = arith.constant 0 : i32
        %dma_wait3A_607 = tpu.memref_slice %arg9[%dma_wait3A_605, %dma_wait3A_606] : memref<10240x128xf32, #tpu.memory_space<vmem_shared>> -> memref<10240x128xf32, #tpu.memory_space<vmem_shared>>
        tpu.wait_indirect_dma semaphore(%run_scoped3A_587 : memref<!tpu.dma_semaphore, #tpu.memory_space<semaphore_mem>>) src(%dma_wait3A_601 : memref<64x128xf32, #tpu.memory_space<vmem>>) dst(%dma_wait3A_607 : memref<10240x128xf32, #tpu.memory_space<vmem_shared>>)
        tpu.yield
      }) : () -> ()
      %add3A_487 = arith.constant 4 : i32
      %add3A_488 = arith.addi %add3A_474, %add3A_487 : i32
      %dma_start3A_489 = arith.constant 0 : i32
      %dma_start3A_490 = arith.constant 0 : i32
      %dma_start3A_491 = arith.constant 0 : i32
      %dma_start3A_492 = tpu.memref_slice %arg8[%dma_start3A_489, %dma_start3A_490, %dma_start3A_491] : memref<4x64x128xf32, #tpu.memory_space<vmem>> -> memref<1x64x128xf32, #tpu.memory_space<vmem>>
      %dma_start3A_493 = tpu.memref_squeeze %dma_start3A_492 : memref<1x64x128xf32, #tpu.memory_space<vmem>> -> memref<64x128xf32, #tpu.memory_space<vmem>>
      %dma_start3A_494 = arith.constant 0 : i32
      %dma_start3A_495 = tpu.memref_slice %arg6[%add3A_488, %dma_start3A_494] : memref<40x64xi32, #tpu.memory_space<vmem>> -> memref<1x64xi32, #tpu.memory_space<vmem>>
      %dma_start3A_496 = tpu.memref_squeeze %dma_start3A_495 : memref<1x64xi32, #tpu.memory_space<vmem>> -> memref<64xi32, #tpu.memory_space<vmem>>
      %dma_start3A_497 = arith.constant 0 : i32
      %dma_start3A_498 = arith.constant 0 : i32
      %dma_start3A_499 = tpu.memref_slice %arg2[%dma_start3A_497, %dma_start3A_498] : memref<10000x128xf32, #tpu.memory_space<hbm>> -> memref<10000x128xf32, #tpu.memory_space<hbm>>
      tpu.enqueue_indirect_dma source(%dma_start3A_499 : memref<10000x128xf32, #tpu.memory_space<hbm>>) target(%dma_start3A_493 : memref<64x128xf32, #tpu.memory_space<vmem>>) offsets(%dma_start3A_496 : memref<64xi32, #tpu.memory_space<vmem>>) semaphore(%arg10 : memref<!tpu.dma_semaphore, #tpu.memory_space<semaphore_mem>>)
      %mul3A_500 = arith.constant 4 : i32
      %mul3A_501 = arith.muli %add3A_470, %mul3A_500 : i32
      %add3A_502 = arith.constant 1 : i32
      %add3A_503 = arith.addi %mul3A_501, %add3A_502 : i32
      %dma_wait3A_504 = arith.constant 1 : i32
      %dma_wait3A_505 = arith.constant 0 : i32
      %dma_wait3A_506 = arith.constant 0 : i32
      %dma_wait3A_507 = tpu.memref_slice %arg8[%dma_wait3A_504, %dma_wait3A_505, %dma_wait3A_506] : memref<4x64x128xf32, #tpu.memory_space<vmem>> -> memref<1x64x128xf32, #tpu.memory_space<vmem>>
      %dma_wait3A_508 = tpu.memref_squeeze %dma_wait3A_507 : memref<1x64x128xf32, #tpu.memory_space<vmem>> -> memref<64x128xf32, #tpu.memory_space<vmem>>
      %dma_wait3A_509 = arith.constant 0 : i32
      %dma_wait3A_510 = tpu.memref_slice %arg6[%add3A_503, %dma_wait3A_509] : memref<40x64xi32, #tpu.memory_space<vmem>> -> memref<1x64xi32, #tpu.memory_space<vmem>>
      %dma_wait3A_511 = tpu.memref_squeeze %dma_wait3A_510 : memref<1x64xi32, #tpu.memory_space<vmem>> -> memref<64xi32, #tpu.memory_space<vmem>>
      %dma_wait3A_512 = arith.constant 0 : i32
      %dma_wait3A_513 = arith.constant 0 : i32
      %dma_wait3A_514 = tpu.memref_slice %arg2[%dma_wait3A_512, %dma_wait3A_513] : memref<10000x128xf32, #tpu.memory_space<hbm>> -> memref<10000x128xf32, #tpu.memory_space<hbm>>
      tpu.wait_indirect_dma semaphore(%arg11 : memref<!tpu.dma_semaphore, #tpu.memory_space<semaphore_mem>>) src(%dma_wait3A_514 : memref<10000x128xf32, #tpu.memory_space<hbm>>) dst(%dma_wait3A_508 : memref<64x128xf32, #tpu.memory_space<vmem>>)
      %run_scoped3A_515 = arith.constant 1 : i32
      "tpu.region"() ({
        %run_scoped3A_587 = tpu.sem_alloc : memref<!tpu.dma_semaphore, #tpu.memory_space<semaphore_mem>>
        %dma_start3A_588 = arith.constant 0 : i32
        %dma_start3A_589 = arith.constant 0 : i32
        %dma_start3A_590 = tpu.memref_slice %arg8[%run_scoped3A_515, %dma_start3A_588, %dma_start3A_589] : memref<4x64x128xf32, #tpu.memory_space<vmem>> -> memref<1x64x128xf32, #tpu.memory_space<vmem>>
        %dma_start3A_591 = tpu.memref_squeeze %dma_start3A_590 : memref<1x64x128xf32, #tpu.memory_space<vmem>> -> memref<64x128xf32, #tpu.memory_space<vmem>>
        %dma_start3A_592 = arith.constant 0 : i32
        %dma_start3A_593 = tpu.memref_slice %arg7[%add3A_503, %dma_start3A_592] : memref<40x64xi32, #tpu.memory_space<vmem>> -> memref<1x64xi32, #tpu.memory_space<vmem>>
        %dma_start3A_594 = tpu.memref_squeeze %dma_start3A_593 : memref<1x64xi32, #tpu.memory_space<vmem>> -> memref<64xi32, #tpu.memory_space<vmem>>
        %dma_start3A_595 = arith.constant 0 : i32
        %dma_start3A_596 = arith.constant 0 : i32
        %dma_start3A_597 = tpu.memref_slice %arg9[%dma_start3A_595, %dma_start3A_596] : memref<10240x128xf32, #tpu.memory_space<vmem_shared>> -> memref<10240x128xf32, #tpu.memory_space<vmem_shared>>
        tpu.enqueue_indirect_dma source(%dma_start3A_591 : memref<64x128xf32, #tpu.memory_space<vmem>>) target(%dma_start3A_597 : memref<10240x128xf32, #tpu.memory_space<vmem_shared>>) offsets(%dma_start3A_594 : memref<64xi32, #tpu.memory_space<vmem>>) semaphore(%run_scoped3A_587 : memref<!tpu.dma_semaphore, #tpu.memory_space<semaphore_mem>>) {add = true}
        %dma_wait3A_598 = arith.constant 0 : i32
        %dma_wait3A_599 = arith.constant 0 : i32
        %dma_wait3A_600 = tpu.memref_slice %arg8[%run_scoped3A_515, %dma_wait3A_598, %dma_wait3A_599] : memref<4x64x128xf32, #tpu.memory_space<vmem>> -> memref<1x64x128xf32, #tpu.memory_space<vmem>>
        %dma_wait3A_601 = tpu.memref_squeeze %dma_wait3A_600 : memref<1x64x128xf32, #tpu.memory_space<vmem>> -> memref<64x128xf32, #tpu.memory_space<vmem>>
        %dma_wait3A_602 = arith.constant 0 : i32
        %dma_wait3A_603 = tpu.memref_slice %arg7[%add3A_503, %dma_wait3A_602] : memref<40x64xi32, #tpu.memory_space<vmem>> -> memref<1x64xi32, #tpu.memory_space<vmem>>
        %dma_wait3A_604 = tpu.memref_squeeze %dma_wait3A_603 : memref<1x64xi32, #tpu.memory_space<vmem>> -> memref<64xi32, #tpu.memory_space<vmem>>
        %dma_wait3A_605 = arith.constant 0 : i32
        %dma_wait3A_606 = arith.constant 0 : i32
        %dma_wait3A_607 = tpu.memref_slice %arg9[%dma_wait3A_605, %dma_wait3A_606] : memref<10240x128xf32, #tpu.memory_space<vmem_shared>> -> memref<10240x128xf32, #tpu.memory_space<vmem_shared>>
        tpu.wait_indirect_dma semaphore(%run_scoped3A_587 : memref<!tpu.dma_semaphore, #tpu.memory_space<semaphore_mem>>) src(%dma_wait3A_601 : memref<64x128xf32, #tpu.memory_space<vmem>>) dst(%dma_wait3A_607 : memref<10240x128xf32, #tpu.memory_space<vmem_shared>>)
        tpu.yield
      }) : () -> ()
      %add3A_516 = arith.constant 4 : i32
      %add3A_517 = arith.addi %add3A_503, %add3A_516 : i32
      %dma_start3A_518 = arith.constant 1 : i32
      %dma_start3A_519 = arith.constant 0 : i32
      %dma_start3A_520 = arith.constant 0 : i32
      %dma_start3A_521 = tpu.memref_slice %arg8[%dma_start3A_518, %dma_start3A_519, %dma_start3A_520] : memref<4x64x128xf32, #tpu.memory_space<vmem>> -> memref<1x64x128xf32, #tpu.memory_space<vmem>>
      %dma_start3A_522 = tpu.memref_squeeze %dma_start3A_521 : memref<1x64x128xf32, #tpu.memory_space<vmem>> -> memref<64x128xf32, #tpu.memory_space<vmem>>
      %dma_start3A_523 = arith.constant 0 : i32
      %dma_start3A_524 = tpu.memref_slice %arg6[%add3A_517, %dma_start3A_523] : memref<40x64xi32, #tpu.memory_space<vmem>> -> memref<1x64xi32, #tpu.memory_space<vmem>>
      %dma_start3A_525 = tpu.memref_squeeze %dma_start3A_524 : memref<1x64xi32, #tpu.memory_space<vmem>> -> memref<64xi32, #tpu.memory_space<vmem>>
      %dma_start3A_526 = arith.constant 0 : i32
      %dma_start3A_527 = arith.constant 0 : i32
      %dma_start3A_528 = tpu.memref_slice %arg2[%dma_start3A_526, %dma_start3A_527] : memref<10000x128xf32, #tpu.memory_space<hbm>> -> memref<10000x128xf32, #tpu.memory_space<hbm>>
      tpu.enqueue_indirect_dma source(%dma_start3A_528 : memref<10000x128xf32, #tpu.memory_space<hbm>>) target(%dma_start3A_522 : memref<64x128xf32, #tpu.memory_space<vmem>>) offsets(%dma_start3A_525 : memref<64xi32, #tpu.memory_space<vmem>>) semaphore(%arg11 : memref<!tpu.dma_semaphore, #tpu.memory_space<semaphore_mem>>)
      %mul3A_529 = arith.constant 4 : i32
      %mul3A_530 = arith.muli %add3A_470, %mul3A_529 : i32
      %add3A_531 = arith.constant 2 : i32
      %add3A_532 = arith.addi %mul3A_530, %add3A_531 : i32
      %dma_wait3A_533 = arith.constant 2 : i32
      %dma_wait3A_534 = arith.constant 0 : i32
      %dma_wait3A_535 = arith.constant 0 : i32
      %dma_wait3A_536 = tpu.memref_slice %arg8[%dma_wait3A_533, %dma_wait3A_534, %dma_wait3A_535] : memref<4x64x128xf32, #tpu.memory_space<vmem>> -> memref<1x64x128xf32, #tpu.memory_space<vmem>>
      %dma_wait3A_537 = tpu.memref_squeeze %dma_wait3A_536 : memref<1x64x128xf32, #tpu.memory_space<vmem>> -> memref<64x128xf32, #tpu.memory_space<vmem>>
      %dma_wait3A_538 = arith.constant 0 : i32
      %dma_wait3A_539 = tpu.memref_slice %arg6[%add3A_532, %dma_wait3A_538] : memref<40x64xi32, #tpu.memory_space<vmem>> -> memref<1x64xi32, #tpu.memory_space<vmem>>
      %dma_wait3A_540 = tpu.memref_squeeze %dma_wait3A_539 : memref<1x64xi32, #tpu.memory_space<vmem>> -> memref<64xi32, #tpu.memory_space<vmem>>
      %dma_wait3A_541 = arith.constant 0 : i32
      %dma_wait3A_542 = arith.constant 0 : i32
      %dma_wait3A_543 = tpu.memref_slice %arg2[%dma_wait3A_541, %dma_wait3A_542] : memref<10000x128xf32, #tpu.memory_space<hbm>> -> memref<10000x128xf32, #tpu.memory_space<hbm>>
      tpu.wait_indirect_dma semaphore(%arg12 : memref<!tpu.dma_semaphore, #tpu.memory_space<semaphore_mem>>) src(%dma_wait3A_543 : memref<10000x128xf32, #tpu.memory_space<hbm>>) dst(%dma_wait3A_537 : memref<64x128xf32, #tpu.memory_space<vmem>>)
      %run_scoped3A_544 = arith.constant 2 : i32
      "tpu.region"() ({
        %run_scoped3A_587 = tpu.sem_alloc : memref<!tpu.dma_semaphore, #tpu.memory_space<semaphore_mem>>
        %dma_start3A_588 = arith.constant 0 : i32
        %dma_start3A_589 = arith.constant 0 : i32
        %dma_start3A_590 = tpu.memref_slice %arg8[%run_scoped3A_544, %dma_start3A_588, %dma_start3A_589] : memref<4x64x128xf32, #tpu.memory_space<vmem>> -> memref<1x64x128xf32, #tpu.memory_space<vmem>>
        %dma_start3A_591 = tpu.memref_squeeze %dma_start3A_590 : memref<1x64x128xf32, #tpu.memory_space<vmem>> -> memref<64x128xf32, #tpu.memory_space<vmem>>
        %dma_start3A_592 = arith.constant 0 : i32
        %dma_start3A_593 = tpu.memref_slice %arg7[%add3A_532, %dma_start3A_592] : memref<40x64xi32, #tpu.memory_space<vmem>> -> memref<1x64xi32, #tpu.memory_space<vmem>>
        %dma_start3A_594 = tpu.memref_squeeze %dma_start3A_593 : memref<1x64xi32, #tpu.memory_space<vmem>> -> memref<64xi32, #tpu.memory_space<vmem>>
        %dma_start3A_595 = arith.constant 0 : i32
        %dma_start3A_596 = arith.constant 0 : i32
        %dma_start3A_597 = tpu.memref_slice %arg9[%dma_start3A_595, %dma_start3A_596] : memref<10240x128xf32, #tpu.memory_space<vmem_shared>> -> memref<10240x128xf32, #tpu.memory_space<vmem_shared>>
        tpu.enqueue_indirect_dma source(%dma_start3A_591 : memref<64x128xf32, #tpu.memory_space<vmem>>) target(%dma_start3A_597 : memref<10240x128xf32, #tpu.memory_space<vmem_shared>>) offsets(%dma_start3A_594 : memref<64xi32, #tpu.memory_space<vmem>>) semaphore(%run_scoped3A_587 : memref<!tpu.dma_semaphore, #tpu.memory_space<semaphore_mem>>) {add = true}
        %dma_wait3A_598 = arith.constant 0 : i32
        %dma_wait3A_599 = arith.constant 0 : i32
        %dma_wait3A_600 = tpu.memref_slice %arg8[%run_scoped3A_544, %dma_wait3A_598, %dma_wait3A_599] : memref<4x64x128xf32, #tpu.memory_space<vmem>> -> memref<1x64x128xf32, #tpu.memory_space<vmem>>
        %dma_wait3A_601 = tpu.memref_squeeze %dma_wait3A_600 : memref<1x64x128xf32, #tpu.memory_space<vmem>> -> memref<64x128xf32, #tpu.memory_space<vmem>>
        %dma_wait3A_602 = arith.constant 0 : i32
        %dma_wait3A_603 = tpu.memref_slice %arg7[%add3A_532, %dma_wait3A_602] : memref<40x64xi32, #tpu.memory_space<vmem>> -> memref<1x64xi32, #tpu.memory_space<vmem>>
        %dma_wait3A_604 = tpu.memref_squeeze %dma_wait3A_603 : memref<1x64xi32, #tpu.memory_space<vmem>> -> memref<64xi32, #tpu.memory_space<vmem>>
        %dma_wait3A_605 = arith.constant 0 : i32
        %dma_wait3A_606 = arith.constant 0 : i32
        %dma_wait3A_607 = tpu.memref_slice %arg9[%dma_wait3A_605, %dma_wait3A_606] : memref<10240x128xf32, #tpu.memory_space<vmem_shared>> -> memref<10240x128xf32, #tpu.memory_space<vmem_shared>>
        tpu.wait_indirect_dma semaphore(%run_scoped3A_587 : memref<!tpu.dma_semaphore, #tpu.memory_space<semaphore_mem>>) src(%dma_wait3A_601 : memref<64x128xf32, #tpu.memory_space<vmem>>) dst(%dma_wait3A_607 : memref<10240x128xf32, #tpu.memory_space<vmem_shared>>)
        tpu.yield
      }) : () -> ()
      %add3A_545 = arith.constant 4 : i32
      %add3A_546 = arith.addi %add3A_532, %add3A_545 : i32
      %dma_start3A_547 = arith.constant 2 : i32
      %dma_start3A_548 = arith.constant 0 : i32
      %dma_start3A_549 = arith.constant 0 : i32
      %dma_start3A_550 = tpu.memref_slice %arg8[%dma_start3A_547, %dma_start3A_548, %dma_start3A_549] : memref<4x64x128xf32, #tpu.memory_space<vmem>> -> memref<1x64x128xf32, #tpu.memory_space<vmem>>
      %dma_start3A_551 = tpu.memref_squeeze %dma_start3A_550 : memref<1x64x128xf32, #tpu.memory_space<vmem>> -> memref<64x128xf32, #tpu.memory_space<vmem>>
      %dma_start3A_552 = arith.constant 0 : i32
      %dma_start3A_553 = tpu.memref_slice %arg6[%add3A_546, %dma_start3A_552] : memref<40x64xi32, #tpu.memory_space<vmem>> -> memref<1x64xi32, #tpu.memory_space<vmem>>
      %dma_start3A_554 = tpu.memref_squeeze %dma_start3A_553 : memref<1x64xi32, #tpu.memory_space<vmem>> -> memref<64xi32, #tpu.memory_space<vmem>>
      %dma_start3A_555 = arith.constant 0 : i32
      %dma_start3A_556 = arith.constant 0 : i32
      %dma_start3A_557 = tpu.memref_slice %arg2[%dma_start3A_555, %dma_start3A_556] : memref<10000x128xf32, #tpu.memory_space<hbm>> -> memref<10000x128xf32, #tpu.memory_space<hbm>>
      tpu.enqueue_indirect_dma source(%dma_start3A_557 : memref<10000x128xf32, #tpu.memory_space<hbm>>) target(%dma_start3A_551 : memref<64x128xf32, #tpu.memory_space<vmem>>) offsets(%dma_start3A_554 : memref<64xi32, #tpu.memory_space<vmem>>) semaphore(%arg12 : memref<!tpu.dma_semaphore, #tpu.memory_space<semaphore_mem>>)
      %mul3A_558 = arith.constant 4 : i32
      %mul3A_559 = arith.muli %add3A_470, %mul3A_558 : i32
      %add3A_560 = arith.constant 3 : i32
      %add3A_561 = arith.addi %mul3A_559, %add3A_560 : i32
      %dma_wait3A_562 = arith.constant 3 : i32
      %dma_wait3A_563 = arith.constant 0 : i32
      %dma_wait3A_564 = arith.constant 0 : i32
      %dma_wait3A_565 = tpu.memref_slice %arg8[%dma_wait3A_562, %dma_wait3A_563, %dma_wait3A_564] : memref<4x64x128xf32, #tpu.memory_space<vmem>> -> memref<1x64x128xf32, #tpu.memory_space<vmem>>
      %dma_wait3A_566 = tpu.memref_squeeze %dma_wait3A_565 : memref<1x64x128xf32, #tpu.memory_space<vmem>> -> memref<64x128xf32, #tpu.memory_space<vmem>>
      %dma_wait3A_567 = arith.constant 0 : i32
      %dma_wait3A_568 = tpu.memref_slice %arg6[%add3A_561, %dma_wait3A_567] : memref<40x64xi32, #tpu.memory_space<vmem>> -> memref<1x64xi32, #tpu.memory_space<vmem>>
      %dma_wait3A_569 = tpu.memref_squeeze %dma_wait3A_568 : memref<1x64xi32, #tpu.memory_space<vmem>> -> memref<64xi32, #tpu.memory_space<vmem>>
      %dma_wait3A_570 = arith.constant 0 : i32
      %dma_wait3A_571 = arith.constant 0 : i32
      %dma_wait3A_572 = tpu.memref_slice %arg2[%dma_wait3A_570, %dma_wait3A_571] : memref<10000x128xf32, #tpu.memory_space<hbm>> -> memref<10000x128xf32, #tpu.memory_space<hbm>>
      tpu.wait_indirect_dma semaphore(%arg13 : memref<!tpu.dma_semaphore, #tpu.memory_space<semaphore_mem>>) src(%dma_wait3A_572 : memref<10000x128xf32, #tpu.memory_space<hbm>>) dst(%dma_wait3A_566 : memref<64x128xf32, #tpu.memory_space<vmem>>)
      %run_scoped3A_573 = arith.constant 3 : i32
      "tpu.region"() ({
        %run_scoped3A_587 = tpu.sem_alloc : memref<!tpu.dma_semaphore, #tpu.memory_space<semaphore_mem>>
        %dma_start3A_588 = arith.constant 0 : i32
        %dma_start3A_589 = arith.constant 0 : i32
        %dma_start3A_590 = tpu.memref_slice %arg8[%run_scoped3A_573, %dma_start3A_588, %dma_start3A_589] : memref<4x64x128xf32, #tpu.memory_space<vmem>> -> memref<1x64x128xf32, #tpu.memory_space<vmem>>
        %dma_start3A_591 = tpu.memref_squeeze %dma_start3A_590 : memref<1x64x128xf32, #tpu.memory_space<vmem>> -> memref<64x128xf32, #tpu.memory_space<vmem>>
        %dma_start3A_592 = arith.constant 0 : i32
        %dma_start3A_593 = tpu.memref_slice %arg7[%add3A_561, %dma_start3A_592] : memref<40x64xi32, #tpu.memory_space<vmem>> -> memref<1x64xi32, #tpu.memory_space<vmem>>
        %dma_start3A_594 = tpu.memref_squeeze %dma_start3A_593 : memref<1x64xi32, #tpu.memory_space<vmem>> -> memref<64xi32, #tpu.memory_space<vmem>>
        %dma_start3A_595 = arith.constant 0 : i32
        %dma_start3A_596 = arith.constant 0 : i32
        %dma_start3A_597 = tpu.memref_slice %arg9[%dma_start3A_595, %dma_start3A_596] : memref<10240x128xf32, #tpu.memory_space<vmem_shared>> -> memref<10240x128xf32, #tpu.memory_space<vmem_shared>>
        tpu.enqueue_indirect_dma source(%dma_start3A_591 : memref<64x128xf32, #tpu.memory_space<vmem>>) target(%dma_start3A_597 : memref<10240x128xf32, #tpu.memory_space<vmem_shared>>) offsets(%dma_start3A_594 : memref<64xi32, #tpu.memory_space<vmem>>) semaphore(%run_scoped3A_587 : memref<!tpu.dma_semaphore, #tpu.memory_space<semaphore_mem>>) {add = true}
        %dma_wait3A_598 = arith.constant 0 : i32
        %dma_wait3A_599 = arith.constant 0 : i32
        %dma_wait3A_600 = tpu.memref_slice %arg8[%run_scoped3A_573, %dma_wait3A_598, %dma_wait3A_599] : memref<4x64x128xf32, #tpu.memory_space<vmem>> -> memref<1x64x128xf32, #tpu.memory_space<vmem>>
        %dma_wait3A_601 = tpu.memref_squeeze %dma_wait3A_600 : memref<1x64x128xf32, #tpu.memory_space<vmem>> -> memref<64x128xf32, #tpu.memory_space<vmem>>
        %dma_wait3A_602 = arith.constant 0 : i32
        %dma_wait3A_603 = tpu.memref_slice %arg7[%add3A_561, %dma_wait3A_602] : memref<40x64xi32, #tpu.memory_space<vmem>> -> memref<1x64xi32, #tpu.memory_space<vmem>>
        %dma_wait3A_604 = tpu.memref_squeeze %dma_wait3A_603 : memref<1x64xi32, #tpu.memory_space<vmem>> -> memref<64xi32, #tpu.memory_space<vmem>>
        %dma_wait3A_605 = arith.constant 0 : i32
        %dma_wait3A_606 = arith.constant 0 : i32
        %dma_wait3A_607 = tpu.memref_slice %arg9[%dma_wait3A_605, %dma_wait3A_606] : memref<10240x128xf32, #tpu.memory_space<vmem_shared>> -> memref<10240x128xf32, #tpu.memory_space<vmem_shared>>
        tpu.wait_indirect_dma semaphore(%run_scoped3A_587 : memref<!tpu.dma_semaphore, #tpu.memory_space<semaphore_mem>>) src(%dma_wait3A_601 : memref<64x128xf32, #tpu.memory_space<vmem>>) dst(%dma_wait3A_607 : memref<10240x128xf32, #tpu.memory_space<vmem_shared>>)
        tpu.yield
      }) : () -> ()
      %add3A_574 = arith.constant 4 : i32
      %add3A_575 = arith.addi %add3A_561, %add3A_574 : i32
      %dma_start3A_576 = arith.constant 3 : i32
      %dma_start3A_577 = arith.constant 0 : i32
      %dma_start3A_578 = arith.constant 0 : i32
      %dma_start3A_579 = tpu.memref_slice %arg8[%dma_start3A_576, %dma_start3A_577, %dma_start3A_578] : memref<4x64x128xf32, #tpu.memory_space<vmem>> -> memref<1x64x128xf32, #tpu.memory_space<vmem>>
      %dma_start3A_580 = tpu.memref_squeeze %dma_start3A_579 : memref<1x64x128xf32, #tpu.memory_space<vmem>> -> memref<64x128xf32, #tpu.memory_space<vmem>>
      %dma_start3A_581 = arith.constant 0 : i32
      %dma_start3A_582 = tpu.memref_slice %arg6[%add3A_575, %dma_start3A_581] : memref<40x64xi32, #tpu.memory_space<vmem>> -> memref<1x64xi32, #tpu.memory_space<vmem>>
      %dma_start3A_583 = tpu.memref_squeeze %dma_start3A_582 : memref<1x64xi32, #tpu.memory_space<vmem>> -> memref<64xi32, #tpu.memory_space<vmem>>
      %dma_start3A_584 = arith.constant 0 : i32
      %dma_start3A_585 = arith.constant 0 : i32
      %dma_start3A_586 = tpu.memref_slice %arg2[%dma_start3A_584, %dma_start3A_585] : memref<10000x128xf32, #tpu.memory_space<hbm>> -> memref<10000x128xf32, #tpu.memory_space<hbm>>
      tpu.enqueue_indirect_dma source(%dma_start3A_586 : memref<10000x128xf32, #tpu.memory_space<hbm>>) target(%dma_start3A_580 : memref<64x128xf32, #tpu.memory_space<vmem>>) offsets(%dma_start3A_583 : memref<64xi32, #tpu.memory_space<vmem>>) semaphore(%arg13 : memref<!tpu.dma_semaphore, #tpu.memory_space<semaphore_mem>>)
    }
    %scan3A_66 = arith.constant 9 : i32
    %dma_wait3A = arith.constant 36 : i32
    %dma_wait3A_67 = arith.constant 0 : i32
    %dma_wait3A_68 = arith.constant 0 : i32
    %dma_wait3A_69 = arith.constant 0 : i32
    %dma_wait3A_70 = tpu.memref_slice %arg8[%dma_wait3A_67, %dma_wait3A_68, %dma_wait3A_69] : memref<4x64x128xf32, #tpu.memory_space<vmem>> -> memref<1x64x128xf32, #tpu.memory_space<vmem>>
    %dma_wait3A_71 = tpu.memref_squeeze %dma_wait3A_70 : memref<1x64x128xf32, #tpu.memory_space<vmem>> -> memref<64x128xf32, #tpu.memory_space<vmem>>
    %dma_wait3A_72 = arith.constant 0 : i32
    %dma_wait3A_73 = tpu.memref_slice %arg6[%dma_wait3A, %dma_wait3A_72] : memref<40x64xi32, #tpu.memory_space<vmem>> -> memref<1x64xi32, #tpu.memory_space<vmem>>
    %dma_wait3A_74 = tpu.memref_squeeze %dma_wait3A_73 : memref<1x64xi32, #tpu.memory_space<vmem>> -> memref<64xi32, #tpu.memory_space<vmem>>
    %dma_wait3A_75 = arith.constant 0 : i32
    %dma_wait3A_76 = arith.constant 0 : i32
    %dma_wait3A_77 = tpu.memref_slice %arg2[%dma_wait3A_75, %dma_wait3A_76] : memref<10000x128xf32, #tpu.memory_space<hbm>> -> memref<10000x128xf32, #tpu.memory_space<hbm>>
    tpu.wait_indirect_dma semaphore(%arg10 : memref<!tpu.dma_semaphore, #tpu.memory_space<semaphore_mem>>) src(%dma_wait3A_77 : memref<10000x128xf32, #tpu.memory_space<hbm>>) dst(%dma_wait3A_71 : memref<64x128xf32, #tpu.memory_space<vmem>>)
    %run_scoped3A = arith.constant 0 : i32
    %run_scoped3A_78 = arith.constant 36 : i32
    "tpu.region"() ({
      %run_scoped3A_466 = tpu.sem_alloc : memref<!tpu.dma_semaphore, #tpu.memory_space<semaphore_mem>>
      %dma_start3A_467 = arith.constant 0 : i32
      %dma_start3A_468 = arith.constant 0 : i32
      %dma_start3A_469 = tpu.memref_slice %arg8[%run_scoped3A, %dma_start3A_467, %dma_start3A_468] : memref<4x64x128xf32, #tpu.memory_space<vmem>> -> memref<1x64x128xf32, #tpu.memory_space<vmem>>
      %dma_start3A_470 = tpu.memref_squeeze %dma_start3A_469 : memref<1x64x128xf32, #tpu.memory_space<vmem>> -> memref<64x128xf32, #tpu.memory_space<vmem>>
      %dma_start3A_471 = arith.constant 0 : i32
      %dma_start3A_472 = tpu.memref_slice %arg7[%run_scoped3A_78, %dma_start3A_471] : memref<40x64xi32, #tpu.memory_space<vmem>> -> memref<1x64xi32, #tpu.memory_space<vmem>>
      %dma_start3A_473 = tpu.memref_squeeze %dma_start3A_472 : memref<1x64xi32, #tpu.memory_space<vmem>> -> memref<64xi32, #tpu.memory_space<vmem>>
      %dma_start3A_474 = arith.constant 0 : i32
      %dma_start3A_475 = arith.constant 0 : i32
      %dma_start3A_476 = tpu.memref_slice %arg9[%dma_start3A_474, %dma_start3A_475] : memref<10240x128xf32, #tpu.memory_space<vmem_shared>> -> memref<10240x128xf32, #tpu.memory_space<vmem_shared>>
      tpu.enqueue_indirect_dma source(%dma_start3A_470 : memref<64x128xf32, #tpu.memory_space<vmem>>) target(%dma_start3A_476 : memref<10240x128xf32, #tpu.memory_space<vmem_shared>>) offsets(%dma_start3A_473 : memref<64xi32, #tpu.memory_space<vmem>>) semaphore(%run_scoped3A_466 : memref<!tpu.dma_semaphore, #tpu.memory_space<semaphore_mem>>) {add = true}
      %dma_wait3A_477 = arith.constant 0 : i32
      %dma_wait3A_478 = arith.constant 0 : i32
      %dma_wait3A_479 = tpu.memref_slice %arg8[%run_scoped3A, %dma_wait3A_477, %dma_wait3A_478] : memref<4x64x128xf32, #tpu.memory_space<vmem>> -> memref<1x64x128xf32, #tpu.memory_space<vmem>>
      %dma_wait3A_480 = tpu.memref_squeeze %dma_wait3A_479 : memref<1x64x128xf32, #tpu.memory_space<vmem>> -> memref<64x128xf32, #tpu.memory_space<vmem>>
      %dma_wait3A_481 = arith.constant 0 : i32
      %dma_wait3A_482 = tpu.memref_slice %arg7[%run_scoped3A_78, %dma_wait3A_481] : memref<40x64xi32, #tpu.memory_space<vmem>> -> memref<1x64xi32, #tpu.memory_space<vmem>>
      %dma_wait3A_483 = tpu.memref_squeeze %dma_wait3A_482 : memref<1x64xi32, #tpu.memory_space<vmem>> -> memref<64xi32, #tpu.memory_space<vmem>>
      %dma_wait3A_484 = arith.constant 0 : i32
      %dma_wait3A_485 = arith.constant 0 : i32
      %dma_wait3A_486 = tpu.memref_slice %arg9[%dma_wait3A_484, %dma_wait3A_485] : memref<10240x128xf32, #tpu.memory_space<vmem_shared>> -> memref<10240x128xf32, #tpu.memory_space<vmem_shared>>
      tpu.wait_indirect_dma semaphore(%run_scoped3A_466 : memref<!tpu.dma_semaphore, #tpu.memory_space<semaphore_mem>>) src(%dma_wait3A_480 : memref<64x128xf32, #tpu.memory_space<vmem>>) dst(%dma_wait3A_486 : memref<10240x128xf32, #tpu.memory_space<vmem_shared>>)
      tpu.yield
    }) : () -> ()
    %dma_wait3A_79 = arith.constant 37 : i32
    %dma_wait3A_80 = arith.constant 1 : i32
    %dma_wait3A_81 = arith.constant 0 : i32
    %dma_wait3A_82 = arith.constant 0 : i32
    %dma_wait3A_83 = tpu.memref_slice %arg8[%dma_wait3A_80, %dma_wait3A_81, %dma_wait3A_82] : memref<4x64x128xf32, #tpu.memory_space<vmem>> -> memref<1x64x128xf32, #tpu.memory_space<vmem>>
    %dma_wait3A_84 = tpu.memref_squeeze %dma_wait3A_83 : memref<1x64x128xf32, #tpu.memory_space<vmem>> -> memref<64x128xf32, #tpu.memory_space<vmem>>
    %dma_wait3A_85 = arith.constant 0 : i32
    %dma_wait3A_86 = tpu.memref_slice %arg6[%dma_wait3A_79, %dma_wait3A_85] : memref<40x64xi32, #tpu.memory_space<vmem>> -> memref<1x64xi32, #tpu.memory_space<vmem>>
    %dma_wait3A_87 = tpu.memref_squeeze %dma_wait3A_86 : memref<1x64xi32, #tpu.memory_space<vmem>> -> memref<64xi32, #tpu.memory_space<vmem>>
    %dma_wait3A_88 = arith.constant 0 : i32
    %dma_wait3A_89 = arith.constant 0 : i32
    %dma_wait3A_90 = tpu.memref_slice %arg2[%dma_wait3A_88, %dma_wait3A_89] : memref<10000x128xf32, #tpu.memory_space<hbm>> -> memref<10000x128xf32, #tpu.memory_space<hbm>>
    tpu.wait_indirect_dma semaphore(%arg11 : memref<!tpu.dma_semaphore, #tpu.memory_space<semaphore_mem>>) src(%dma_wait3A_90 : memref<10000x128xf32, #tpu.memory_space<hbm>>) dst(%dma_wait3A_84 : memref<64x128xf32, #tpu.memory_space<vmem>>)
    %run_scoped3A_91 = arith.constant 1 : i32
    %run_scoped3A_92 = arith.constant 37 : i32
    "tpu.region"() ({
      %run_scoped3A_466 = tpu.sem_alloc : memref<!tpu.dma_semaphore, #tpu.memory_space<semaphore_mem>>
      %dma_start3A_467 = arith.constant 0 : i32
      %dma_start3A_468 = arith.constant 0 : i32
      %dma_start3A_469 = tpu.memref_slice %arg8[%run_scoped3A_91, %dma_start3A_467, %dma_start3A_468] : memref<4x64x128xf32, #tpu.memory_space<vmem>> -> memref<1x64x128xf32, #tpu.memory_space<vmem>>
      %dma_start3A_470 = tpu.memref_squeeze %dma_start3A_469 : memref<1x64x128xf32, #tpu.memory_space<vmem>> -> memref<64x128xf32, #tpu.memory_space<vmem>>
      %dma_start3A_471 = arith.constant 0 : i32
      %dma_start3A_472 = tpu.memref_slice %arg7[%run_scoped3A_92, %dma_start3A_471] : memref<40x64xi32, #tpu.memory_space<vmem>> -> memref<1x64xi32, #tpu.memory_space<vmem>>
      %dma_start3A_473 = tpu.memref_squeeze %dma_start3A_472 : memref<1x64xi32, #tpu.memory_space<vmem>> -> memref<64xi32, #tpu.memory_space<vmem>>
      %dma_start3A_474 = arith.constant 0 : i32
      %dma_start3A_475 = arith.constant 0 : i32
      %dma_start3A_476 = tpu.memref_slice %arg9[%dma_start3A_474, %dma_start3A_475] : memref<10240x128xf32, #tpu.memory_space<vmem_shared>> -> memref<10240x128xf32, #tpu.memory_space<vmem_shared>>
      tpu.enqueue_indirect_dma source(%dma_start3A_470 : memref<64x128xf32, #tpu.memory_space<vmem>>) target(%dma_start3A_476 : memref<10240x128xf32, #tpu.memory_space<vmem_shared>>) offsets(%dma_start3A_473 : memref<64xi32, #tpu.memory_space<vmem>>) semaphore(%run_scoped3A_466 : memref<!tpu.dma_semaphore, #tpu.memory_space<semaphore_mem>>) {add = true}
      %dma_wait3A_477 = arith.constant 0 : i32
      %dma_wait3A_478 = arith.constant 0 : i32
      %dma_wait3A_479 = tpu.memref_slice %arg8[%run_scoped3A_91, %dma_wait3A_477, %dma_wait3A_478] : memref<4x64x128xf32, #tpu.memory_space<vmem>> -> memref<1x64x128xf32, #tpu.memory_space<vmem>>
      %dma_wait3A_480 = tpu.memref_squeeze %dma_wait3A_479 : memref<1x64x128xf32, #tpu.memory_space<vmem>> -> memref<64x128xf32, #tpu.memory_space<vmem>>
      %dma_wait3A_481 = arith.constant 0 : i32
      %dma_wait3A_482 = tpu.memref_slice %arg7[%run_scoped3A_92, %dma_wait3A_481] : memref<40x64xi32, #tpu.memory_space<vmem>> -> memref<1x64xi32, #tpu.memory_space<vmem>>
      %dma_wait3A_483 = tpu.memref_squeeze %dma_wait3A_482 : memref<1x64xi32, #tpu.memory_space<vmem>> -> memref<64xi32, #tpu.memory_space<vmem>>
      %dma_wait3A_484 = arith.constant 0 : i32
      %dma_wait3A_485 = arith.constant 0 : i32
      %dma_wait3A_486 = tpu.memref_slice %arg9[%dma_wait3A_484, %dma_wait3A_485] : memref<10240x128xf32, #tpu.memory_space<vmem_shared>> -> memref<10240x128xf32, #tpu.memory_space<vmem_shared>>
      tpu.wait_indirect_dma semaphore(%run_scoped3A_466 : memref<!tpu.dma_semaphore, #tpu.memory_space<semaphore_mem>>) src(%dma_wait3A_480 : memref<64x128xf32, #tpu.memory_space<vmem>>) dst(%dma_wait3A_486 : memref<10240x128xf32, #tpu.memory_space<vmem_shared>>)
      tpu.yield
    }) : () -> ()
    %dma_wait3A_93 = arith.constant 38 : i32
    %dma_wait3A_94 = arith.constant 2 : i32
    %dma_wait3A_95 = arith.constant 0 : i32
    %dma_wait3A_96 = arith.constant 0 : i32
    %dma_wait3A_97 = tpu.memref_slice %arg8[%dma_wait3A_94, %dma_wait3A_95, %dma_wait3A_96] : memref<4x64x128xf32, #tpu.memory_space<vmem>> -> memref<1x64x128xf32, #tpu.memory_space<vmem>>
    %dma_wait3A_98 = tpu.memref_squeeze %dma_wait3A_97 : memref<1x64x128xf32, #tpu.memory_space<vmem>> -> memref<64x128xf32, #tpu.memory_space<vmem>>
    %dma_wait3A_99 = arith.constant 0 : i32
    %dma_wait3A_100 = tpu.memref_slice %arg6[%dma_wait3A_93, %dma_wait3A_99] : memref<40x64xi32, #tpu.memory_space<vmem>> -> memref<1x64xi32, #tpu.memory_space<vmem>>
    %dma_wait3A_101 = tpu.memref_squeeze %dma_wait3A_100 : memref<1x64xi32, #tpu.memory_space<vmem>> -> memref<64xi32, #tpu.memory_space<vmem>>
    %dma_wait3A_102 = arith.constant 0 : i32
    %dma_wait3A_103 = arith.constant 0 : i32
    %dma_wait3A_104 = tpu.memref_slice %arg2[%dma_wait3A_102, %dma_wait3A_103] : memref<10000x128xf32, #tpu.memory_space<hbm>> -> memref<10000x128xf32, #tpu.memory_space<hbm>>
    tpu.wait_indirect_dma semaphore(%arg12 : memref<!tpu.dma_semaphore, #tpu.memory_space<semaphore_mem>>) src(%dma_wait3A_104 : memref<10000x128xf32, #tpu.memory_space<hbm>>) dst(%dma_wait3A_98 : memref<64x128xf32, #tpu.memory_space<vmem>>)
    %run_scoped3A_105 = arith.constant 2 : i32
    %run_scoped3A_106 = arith.constant 38 : i32
    "tpu.region"() ({
      %run_scoped3A_466 = tpu.sem_alloc : memref<!tpu.dma_semaphore, #tpu.memory_space<semaphore_mem>>
      %dma_start3A_467 = arith.constant 0 : i32
      %dma_start3A_468 = arith.constant 0 : i32
      %dma_start3A_469 = tpu.memref_slice %arg8[%run_scoped3A_105, %dma_start3A_467, %dma_start3A_468] : memref<4x64x128xf32, #tpu.memory_space<vmem>> -> memref<1x64x128xf32, #tpu.memory_space<vmem>>
      %dma_start3A_470 = tpu.memref_squeeze %dma_start3A_469 : memref<1x64x128xf32, #tpu.memory_space<vmem>> -> memref<64x128xf32, #tpu.memory_space<vmem>>
      %dma_start3A_471 = arith.constant 0 : i32
      %dma_start3A_472 = tpu.memref_slice %arg7[%run_scoped3A_106, %dma_start3A_471] : memref<40x64xi32, #tpu.memory_space<vmem>> -> memref<1x64xi32, #tpu.memory_space<vmem>>
      %dma_start3A_473 = tpu.memref_squeeze %dma_start3A_472 : memref<1x64xi32, #tpu.memory_space<vmem>> -> memref<64xi32, #tpu.memory_space<vmem>>
      %dma_start3A_474 = arith.constant 0 : i32
      %dma_start3A_475 = arith.constant 0 : i32
      %dma_start3A_476 = tpu.memref_slice %arg9[%dma_start3A_474, %dma_start3A_475] : memref<10240x128xf32, #tpu.memory_space<vmem_shared>> -> memref<10240x128xf32, #tpu.memory_space<vmem_shared>>
      tpu.enqueue_indirect_dma source(%dma_start3A_470 : memref<64x128xf32, #tpu.memory_space<vmem>>) target(%dma_start3A_476 : memref<10240x128xf32, #tpu.memory_space<vmem_shared>>) offsets(%dma_start3A_473 : memref<64xi32, #tpu.memory_space<vmem>>) semaphore(%run_scoped3A_466 : memref<!tpu.dma_semaphore, #tpu.memory_space<semaphore_mem>>) {add = true}
      %dma_wait3A_477 = arith.constant 0 : i32
      %dma_wait3A_478 = arith.constant 0 : i32
      %dma_wait3A_479 = tpu.memref_slice %arg8[%run_scoped3A_105, %dma_wait3A_477, %dma_wait3A_478] : memref<4x64x128xf32, #tpu.memory_space<vmem>> -> memref<1x64x128xf32, #tpu.memory_space<vmem>>
      %dma_wait3A_480 = tpu.memref_squeeze %dma_wait3A_479 : memref<1x64x128xf32, #tpu.memory_space<vmem>> -> memref<64x128xf32, #tpu.memory_space<vmem>>
      %dma_wait3A_481 = arith.constant 0 : i32
      %dma_wait3A_482 = tpu.memref_slice %arg7[%run_scoped3A_106, %dma_wait3A_481] : memref<40x64xi32, #tpu.memory_space<vmem>> -> memref<1x64xi32, #tpu.memory_space<vmem>>
      %dma_wait3A_483 = tpu.memref_squeeze %dma_wait3A_482 : memref<1x64xi32, #tpu.memory_space<vmem>> -> memref<64xi32, #tpu.memory_space<vmem>>
      %dma_wait3A_484 = arith.constant 0 : i32
      %dma_wait3A_485 = arith.constant 0 : i32
      %dma_wait3A_486 = tpu.memref_slice %arg9[%dma_wait3A_484, %dma_wait3A_485] : memref<10240x128xf32, #tpu.memory_space<vmem_shared>> -> memref<10240x128xf32, #tpu.memory_space<vmem_shared>>
      tpu.wait_indirect_dma semaphore(%run_scoped3A_466 : memref<!tpu.dma_semaphore, #tpu.memory_space<semaphore_mem>>) src(%dma_wait3A_480 : memref<64x128xf32, #tpu.memory_space<vmem>>) dst(%dma_wait3A_486 : memref<10240x128xf32, #tpu.memory_space<vmem_shared>>)
      tpu.yield
    }) : () -> ()
    %dma_wait3A_107 = arith.constant 39 : i32
    %dma_wait3A_108 = arith.constant 3 : i32
    %dma_wait3A_109 = arith.constant 0 : i32
    %dma_wait3A_110 = arith.constant 0 : i32
    %dma_wait3A_111 = tpu.memref_slice %arg8[%dma_wait3A_108, %dma_wait3A_109, %dma_wait3A_110] : memref<4x64x128xf32, #tpu.memory_space<vmem>> -> memref<1x64x128xf32, #tpu.memory_space<vmem>>
    %dma_wait3A_112 = tpu.memref_squeeze %dma_wait3A_111 : memref<1x64x128xf32, #tpu.memory_space<vmem>> -> memref<64x128xf32, #tpu.memory_space<vmem>>
    %dma_wait3A_113 = arith.constant 0 : i32
    %dma_wait3A_114 = tpu.memref_slice %arg6[%dma_wait3A_107, %dma_wait3A_113] : memref<40x64xi32, #tpu.memory_space<vmem>> -> memref<1x64xi32, #tpu.memory_space<vmem>>
    %dma_wait3A_115 = tpu.memref_squeeze %dma_wait3A_114 : memref<1x64xi32, #tpu.memory_space<vmem>> -> memref<64xi32, #tpu.memory_space<vmem>>
    %dma_wait3A_116 = arith.constant 0 : i32
    %dma_wait3A_117 = arith.constant 0 : i32
    %dma_wait3A_118 = tpu.memref_slice %arg2[%dma_wait3A_116, %dma_wait3A_117] : memref<10000x128xf32, #tpu.memory_space<hbm>> -> memref<10000x128xf32, #tpu.memory_space<hbm>>
    tpu.wait_indirect_dma semaphore(%arg13 : memref<!tpu.dma_semaphore, #tpu.memory_space<semaphore_mem>>) src(%dma_wait3A_118 : memref<10000x128xf32, #tpu.memory_space<hbm>>) dst(%dma_wait3A_112 : memref<64x128xf32, #tpu.memory_space<vmem>>)
    %run_scoped3A_119 = arith.constant 3 : i32
    %run_scoped3A_120 = arith.constant 39 : i32
    "tpu.region"() ({
      %run_scoped3A_466 = tpu.sem_alloc : memref<!tpu.dma_semaphore, #tpu.memory_space<semaphore_mem>>
      %dma_start3A_467 = arith.constant 0 : i32
      %dma_start3A_468 = arith.constant 0 : i32
      %dma_start3A_469 = tpu.memref_slice %arg8[%run_scoped3A_119, %dma_start3A_467, %dma_start3A_468] : memref<4x64x128xf32, #tpu.memory_space<vmem>> -> memref<1x64x128xf32, #tpu.memory_space<vmem>>
      %dma_start3A_470 = tpu.memref_squeeze %dma_start3A_469 : memref<1x64x128xf32, #tpu.memory_space<vmem>> -> memref<64x128xf32, #tpu.memory_space<vmem>>
      %dma_start3A_471 = arith.constant 0 : i32
      %dma_start3A_472 = tpu.memref_slice %arg7[%run_scoped3A_120, %dma_start3A_471] : memref<40x64xi32, #tpu.memory_space<vmem>> -> memref<1x64xi32, #tpu.memory_space<vmem>>
      %dma_start3A_473 = tpu.memref_squeeze %dma_start3A_472 : memref<1x64xi32, #tpu.memory_space<vmem>> -> memref<64xi32, #tpu.memory_space<vmem>>
      %dma_start3A_474 = arith.constant 0 : i32
      %dma_start3A_475 = arith.constant 0 : i32
      %dma_start3A_476 = tpu.memref_slice %arg9[%dma_start3A_474, %dma_start3A_475] : memref<10240x128xf32, #tpu.memory_space<vmem_shared>> -> memref<10240x128xf32, #tpu.memory_space<vmem_shared>>
      tpu.enqueue_indirect_dma source(%dma_start3A_470 : memref<64x128xf32, #tpu.memory_space<vmem>>) target(%dma_start3A_476 : memref<10240x128xf32, #tpu.memory_space<vmem_shared>>) offsets(%dma_start3A_473 : memref<64xi32, #tpu.memory_space<vmem>>) semaphore(%run_scoped3A_466 : memref<!tpu.dma_semaphore, #tpu.memory_space<semaphore_mem>>) {add = true}
      %dma_wait3A_477 = arith.constant 0 : i32
      %dma_wait3A_478 = arith.constant 0 : i32
      %dma_wait3A_479 = tpu.memref_slice %arg8[%run_scoped3A_119, %dma_wait3A_477, %dma_wait3A_478] : memref<4x64x128xf32, #tpu.memory_space<vmem>> -> memref<1x64x128xf32, #tpu.memory_space<vmem>>
      %dma_wait3A_480 = tpu.memref_squeeze %dma_wait3A_479 : memref<1x64x128xf32, #tpu.memory_space<vmem>> -> memref<64x128xf32, #tpu.memory_space<vmem>>
      %dma_wait3A_481 = arith.constant 0 : i32
      %dma_wait3A_482 = tpu.memref_slice %arg7[%run_scoped3A_120, %dma_wait3A_481] : memref<40x64xi32, #tpu.memory_space<vmem>> -> memref<1x64xi32, #tpu.memory_space<vmem>>
      %dma_wait3A_483 = tpu.memref_squeeze %dma_wait3A_482 : memref<1x64xi32, #tpu.memory_space<vmem>> -> memref<64xi32, #tpu.memory_space<vmem>>
      %dma_wait3A_484 = arith.constant 0 : i32
      %dma_wait3A_485 = arith.constant 0 : i32
      %dma_wait3A_486 = tpu.memref_slice %arg9[%dma_wait3A_484, %dma_wait3A_485] : memref<10240x128xf32, #tpu.memory_space<vmem_shared>> -> memref<10240x128xf32, #tpu.memory_space<vmem_shared>>
      tpu.wait_indirect_dma semaphore(%run_scoped3A_466 : memref<!tpu.dma_semaphore, #tpu.memory_space<semaphore_mem>>) src(%dma_wait3A_480 : memref<64x128xf32, #tpu.memory_space<vmem>>) dst(%dma_wait3A_486 : memref<10240x128xf32, #tpu.memory_space<vmem_shared>>)
      tpu.yield
    }) : () -> ()
    %mul3A_121 = arith.constant 160 : i32
    %mul3A_122 = arith.muli %add3A, %mul3A_121 : i32
    %add3A_123 = arith.constant 40 : i32
    %add3A_124 = arith.addi %mul3A_122, %add3A_123 : i32
    "tpu.region"() ({
      %run_scoped3A_466 = tpu.sem_alloc : memref<!tpu.dma_semaphore, #tpu.memory_space<semaphore_mem>>
      %dma_start3A_467 = arith.constant 0 : i32
      %dma_start3A_468 = tpu.memref_slice %arg3[%add3A_124, %dma_start3A_467] : memref<5120x64xi32, #tpu.memory_space<hbm>> -> memref<40x64xi32, #tpu.memory_space<hbm>>
      %dma_start3A_469 = arith.constant 0 : i32
      %dma_start3A_470 = tpu.memref_slice %arg3[%add3A_124, %dma_start3A_469] : memref<5120x64xi32, #tpu.memory_space<hbm>> -> memref<40x64xi32, #tpu.memory_space<hbm>>
      tpu.enqueue_dma source(%dma_start3A_470 : memref<40x64xi32, #tpu.memory_space<hbm>>) target(%arg6 : memref<40x64xi32, #tpu.memory_space<vmem>>) target_semaphore(%run_scoped3A_466 : memref<!tpu.dma_semaphore, #tpu.memory_space<semaphore_mem>>)
      %dma_wait3A_471 = arith.constant 0 : i32
      %dma_wait3A_472 = tpu.memref_slice %arg3[%add3A_124, %dma_wait3A_471] : memref<5120x64xi32, #tpu.memory_space<hbm>> -> memref<40x64xi32, #tpu.memory_space<hbm>>
      %dma_wait3A_473 = arith.constant 0 : i32
      %dma_wait3A_474 = tpu.memref_slice %arg3[%add3A_124, %dma_wait3A_473] : memref<5120x64xi32, #tpu.memory_space<hbm>> -> memref<40x64xi32, #tpu.memory_space<hbm>>
      tpu.wait_dma2 semaphore(%run_scoped3A_466 : memref<!tpu.dma_semaphore, #tpu.memory_space<semaphore_mem>>) src(%dma_wait3A_474 : memref<40x64xi32, #tpu.memory_space<hbm>>) dst(%arg6 : memref<40x64xi32, #tpu.memory_space<vmem>>)
      tpu.yield
    }) : () -> ()
    "tpu.region"() ({
      %run_scoped3A_466 = tpu.sem_alloc : memref<!tpu.dma_semaphore, #tpu.memory_space<semaphore_mem>>
      %dma_start3A_467 = arith.constant 0 : i32
      %dma_start3A_468 = tpu.memref_slice %arg4[%add3A_124, %dma_start3A_467] : memref<5120x64xi32, #tpu.memory_space<hbm>> -> memref<40x64xi32, #tpu.memory_space<hbm>>
      %dma_start3A_469 = arith.constant 0 : i32
      %dma_start3A_470 = tpu.memref_slice %arg4[%add3A_124, %dma_start3A_469] : memref<5120x64xi32, #tpu.memory_space<hbm>> -> memref<40x64xi32, #tpu.memory_space<hbm>>
      tpu.enqueue_dma source(%dma_start3A_470 : memref<40x64xi32, #tpu.memory_space<hbm>>) target(%arg7 : memref<40x64xi32, #tpu.memory_space<vmem>>) target_semaphore(%run_scoped3A_466 : memref<!tpu.dma_semaphore, #tpu.memory_space<semaphore_mem>>)
      %dma_wait3A_471 = arith.constant 0 : i32
      %dma_wait3A_472 = tpu.memref_slice %arg4[%add3A_124, %dma_wait3A_471] : memref<5120x64xi32, #tpu.memory_space<hbm>> -> memref<40x64xi32, #tpu.memory_space<hbm>>
      %dma_wait3A_473 = arith.constant 0 : i32
      %dma_wait3A_474 = tpu.memref_slice %arg4[%add3A_124, %dma_wait3A_473] : memref<5120x64xi32, #tpu.memory_space<hbm>> -> memref<40x64xi32, #tpu.memory_space<hbm>>
      tpu.wait_dma2 semaphore(%run_scoped3A_466 : memref<!tpu.dma_semaphore, #tpu.memory_space<semaphore_mem>>) src(%dma_wait3A_474 : memref<40x64xi32, #tpu.memory_space<hbm>>) dst(%arg7 : memref<40x64xi32, #tpu.memory_space<vmem>>)
      tpu.yield
    }) : () -> ()
    %dma_start3A_125 = arith.constant 0 : i32
    %dma_start3A_126 = arith.constant 0 : i32
    %dma_start3A_127 = arith.constant 0 : i32
    %dma_start3A_128 = arith.constant 0 : i32
    %dma_start3A_129 = tpu.memref_slice %arg8[%dma_start3A_126, %dma_start3A_127, %dma_start3A_128] : memref<4x64x128xf32, #tpu.memory_space<vmem>> -> memref<1x64x128xf32, #tpu.memory_space<vmem>>
    %dma_start3A_130 = tpu.memref_squeeze %dma_start3A_129 : memref<1x64x128xf32, #tpu.memory_space<vmem>> -> memref<64x128xf32, #tpu.memory_space<vmem>>
    %dma_start3A_131 = arith.constant 0 : i32
    %dma_start3A_132 = tpu.memref_slice %arg6[%dma_start3A_125, %dma_start3A_131] : memref<40x64xi32, #tpu.memory_space<vmem>> -> memref<1x64xi32, #tpu.memory_space<vmem>>
    %dma_start3A_133 = tpu.memref_squeeze %dma_start3A_132 : memref<1x64xi32, #tpu.memory_space<vmem>> -> memref<64xi32, #tpu.memory_space<vmem>>
    %dma_start3A_134 = arith.constant 0 : i32
    %dma_start3A_135 = arith.constant 0 : i32
    %dma_start3A_136 = tpu.memref_slice %arg2[%dma_start3A_134, %dma_start3A_135] : memref<10000x128xf32, #tpu.memory_space<hbm>> -> memref<10000x128xf32, #tpu.memory_space<hbm>>
    tpu.enqueue_indirect_dma source(%dma_start3A_136 : memref<10000x128xf32, #tpu.memory_space<hbm>>) target(%dma_start3A_130 : memref<64x128xf32, #tpu.memory_space<vmem>>) offsets(%dma_start3A_133 : memref<64xi32, #tpu.memory_space<vmem>>) semaphore(%arg10 : memref<!tpu.dma_semaphore, #tpu.memory_space<semaphore_mem>>)
    %dma_start3A_137 = arith.constant 1 : i32
    %dma_start3A_138 = arith.constant 1 : i32
    %dma_start3A_139 = arith.constant 0 : i32
    %dma_start3A_140 = arith.constant 0 : i32
    %dma_start3A_141 = tpu.memref_slice %arg8[%dma_start3A_138, %dma_start3A_139, %dma_start3A_140] : memref<4x64x128xf32, #tpu.memory_space<vmem>> -> memref<1x64x128xf32, #tpu.memory_space<vmem>>
    %dma_start3A_142 = tpu.memref_squeeze %dma_start3A_141 : memref<1x64x128xf32, #tpu.memory_space<vmem>> -> memref<64x128xf32, #tpu.memory_space<vmem>>
    %dma_start3A_143 = arith.constant 0 : i32
    %dma_start3A_144 = tpu.memref_slice %arg6[%dma_start3A_137, %dma_start3A_143] : memref<40x64xi32, #tpu.memory_space<vmem>> -> memref<1x64xi32, #tpu.memory_space<vmem>>
    %dma_start3A_145 = tpu.memref_squeeze %dma_start3A_144 : memref<1x64xi32, #tpu.memory_space<vmem>> -> memref<64xi32, #tpu.memory_space<vmem>>
    %dma_start3A_146 = arith.constant 0 : i32
    %dma_start3A_147 = arith.constant 0 : i32
    %dma_start3A_148 = tpu.memref_slice %arg2[%dma_start3A_146, %dma_start3A_147] : memref<10000x128xf32, #tpu.memory_space<hbm>> -> memref<10000x128xf32, #tpu.memory_space<hbm>>
    tpu.enqueue_indirect_dma source(%dma_start3A_148 : memref<10000x128xf32, #tpu.memory_space<hbm>>) target(%dma_start3A_142 : memref<64x128xf32, #tpu.memory_space<vmem>>) offsets(%dma_start3A_145 : memref<64xi32, #tpu.memory_space<vmem>>) semaphore(%arg11 : memref<!tpu.dma_semaphore, #tpu.memory_space<semaphore_mem>>)
    %dma_start3A_149 = arith.constant 2 : i32
    %dma_start3A_150 = arith.constant 2 : i32
    %dma_start3A_151 = arith.constant 0 : i32
    %dma_start3A_152 = arith.constant 0 : i32
    %dma_start3A_153 = tpu.memref_slice %arg8[%dma_start3A_150, %dma_start3A_151, %dma_start3A_152] : memref<4x64x128xf32, #tpu.memory_space<vmem>> -> memref<1x64x128xf32, #tpu.memory_space<vmem>>
    %dma_start3A_154 = tpu.memref_squeeze %dma_start3A_153 : memref<1x64x128xf32, #tpu.memory_space<vmem>> -> memref<64x128xf32, #tpu.memory_space<vmem>>
    %dma_start3A_155 = arith.constant 0 : i32
    %dma_start3A_156 = tpu.memref_slice %arg6[%dma_start3A_149, %dma_start3A_155] : memref<40x64xi32, #tpu.memory_space<vmem>> -> memref<1x64xi32, #tpu.memory_space<vmem>>
    %dma_start3A_157 = tpu.memref_squeeze %dma_start3A_156 : memref<1x64xi32, #tpu.memory_space<vmem>> -> memref<64xi32, #tpu.memory_space<vmem>>
    %dma_start3A_158 = arith.constant 0 : i32
    %dma_start3A_159 = arith.constant 0 : i32
    %dma_start3A_160 = tpu.memref_slice %arg2[%dma_start3A_158, %dma_start3A_159] : memref<10000x128xf32, #tpu.memory_space<hbm>> -> memref<10000x128xf32, #tpu.memory_space<hbm>>
    tpu.enqueue_indirect_dma source(%dma_start3A_160 : memref<10000x128xf32, #tpu.memory_space<hbm>>) target(%dma_start3A_154 : memref<64x128xf32, #tpu.memory_space<vmem>>) offsets(%dma_start3A_157 : memref<64xi32, #tpu.memory_space<vmem>>) semaphore(%arg12 : memref<!tpu.dma_semaphore, #tpu.memory_space<semaphore_mem>>)
    %dma_start3A_161 = arith.constant 3 : i32
    %dma_start3A_162 = arith.constant 3 : i32
    %dma_start3A_163 = arith.constant 0 : i32
    %dma_start3A_164 = arith.constant 0 : i32
    %dma_start3A_165 = tpu.memref_slice %arg8[%dma_start3A_162, %dma_start3A_163, %dma_start3A_164] : memref<4x64x128xf32, #tpu.memory_space<vmem>> -> memref<1x64x128xf32, #tpu.memory_space<vmem>>
    %dma_start3A_166 = tpu.memref_squeeze %dma_start3A_165 : memref<1x64x128xf32, #tpu.memory_space<vmem>> -> memref<64x128xf32, #tpu.memory_space<vmem>>
    %dma_start3A_167 = arith.constant 0 : i32
    %dma_start3A_168 = tpu.memref_slice %arg6[%dma_start3A_161, %dma_start3A_167] : memref<40x64xi32, #tpu.memory_space<vmem>> -> memref<1x64xi32, #tpu.memory_space<vmem>>
    %dma_start3A_169 = tpu.memref_squeeze %dma_start3A_168 : memref<1x64xi32, #tpu.memory_space<vmem>> -> memref<64xi32, #tpu.memory_space<vmem>>
    %dma_start3A_170 = arith.constant 0 : i32
    %dma_start3A_171 = arith.constant 0 : i32
    %dma_start3A_172 = tpu.memref_slice %arg2[%dma_start3A_170, %dma_start3A_171] : memref<10000x128xf32, #tpu.memory_space<hbm>> -> memref<10000x128xf32, #tpu.memory_space<hbm>>
    tpu.enqueue_indirect_dma source(%dma_start3A_172 : memref<10000x128xf32, #tpu.memory_space<hbm>>) target(%dma_start3A_166 : memref<64x128xf32, #tpu.memory_space<vmem>>) offsets(%dma_start3A_169 : memref<64xi32, #tpu.memory_space<vmem>>) semaphore(%arg13 : memref<!tpu.dma_semaphore, #tpu.memory_space<semaphore_mem>>)
    %scan3A_173 = arith.constant 0 : i32
    %scan3A_174 = arith.constant 9 : i32
    %scan3A_175 = arith.addi %scan3A_173, %scan3A_174 : i32
    %scan3A_176 = arith.constant 1 : i32
    scf.for %scan3A_466 = %scan3A_173 to %scan3A_175 step %scan3A_176  : i32 {
      %mul3A_467 = arith.constant 1 : i32
      %mul3A_468 = arith.muli %scan3A_466, %mul3A_467 : i32
      %add3A_469 = arith.constant 0 : i32
      %add3A_470 = arith.addi %add3A_469, %mul3A_468 : i32
      %mul3A_471 = arith.constant 4 : i32
      %mul3A_472 = arith.muli %add3A_470, %mul3A_471 : i32
      %add3A_473 = arith.constant 0 : i32
      %add3A_474 = arith.addi %mul3A_472, %add3A_473 : i32
      %dma_wait3A_475 = arith.constant 0 : i32
      %dma_wait3A_476 = arith.constant 0 : i32
      %dma_wait3A_477 = arith.constant 0 : i32
      %dma_wait3A_478 = tpu.memref_slice %arg8[%dma_wait3A_475, %dma_wait3A_476, %dma_wait3A_477] : memref<4x64x128xf32, #tpu.memory_space<vmem>> -> memref<1x64x128xf32, #tpu.memory_space<vmem>>
      %dma_wait3A_479 = tpu.memref_squeeze %dma_wait3A_478 : memref<1x64x128xf32, #tpu.memory_space<vmem>> -> memref<64x128xf32, #tpu.memory_space<vmem>>
      %dma_wait3A_480 = arith.constant 0 : i32
      %dma_wait3A_481 = tpu.memref_slice %arg6[%add3A_474, %dma_wait3A_480] : memref<40x64xi32, #tpu.memory_space<vmem>> -> memref<1x64xi32, #tpu.memory_space<vmem>>
      %dma_wait3A_482 = tpu.memref_squeeze %dma_wait3A_481 : memref<1x64xi32, #tpu.memory_space<vmem>> -> memref<64xi32, #tpu.memory_space<vmem>>
      %dma_wait3A_483 = arith.constant 0 : i32
      %dma_wait3A_484 = arith.constant 0 : i32
      %dma_wait3A_485 = tpu.memref_slice %arg2[%dma_wait3A_483, %dma_wait3A_484] : memref<10000x128xf32, #tpu.memory_space<hbm>> -> memref<10000x128xf32, #tpu.memory_space<hbm>>
      tpu.wait_indirect_dma semaphore(%arg10 : memref<!tpu.dma_semaphore, #tpu.memory_space<semaphore_mem>>) src(%dma_wait3A_485 : memref<10000x128xf32, #tpu.memory_space<hbm>>) dst(%dma_wait3A_479 : memref<64x128xf32, #tpu.memory_space<vmem>>)
      %run_scoped3A_486 = arith.constant 0 : i32
      "tpu.region"() ({
        %run_scoped3A_587 = tpu.sem_alloc : memref<!tpu.dma_semaphore, #tpu.memory_space<semaphore_mem>>
        %dma_start3A_588 = arith.constant 0 : i32
        %dma_start3A_589 = arith.constant 0 : i32
        %dma_start3A_590 = tpu.memref_slice %arg8[%run_scoped3A_486, %dma_start3A_588, %dma_start3A_589] : memref<4x64x128xf32, #tpu.memory_space<vmem>> -> memref<1x64x128xf32, #tpu.memory_space<vmem>>
        %dma_start3A_591 = tpu.memref_squeeze %dma_start3A_590 : memref<1x64x128xf32, #tpu.memory_space<vmem>> -> memref<64x128xf32, #tpu.memory_space<vmem>>
        %dma_start3A_592 = arith.constant 0 : i32
        %dma_start3A_593 = tpu.memref_slice %arg7[%add3A_474, %dma_start3A_592] : memref<40x64xi32, #tpu.memory_space<vmem>> -> memref<1x64xi32, #tpu.memory_space<vmem>>
        %dma_start3A_594 = tpu.memref_squeeze %dma_start3A_593 : memref<1x64xi32, #tpu.memory_space<vmem>> -> memref<64xi32, #tpu.memory_space<vmem>>
        %dma_start3A_595 = arith.constant 0 : i32
        %dma_start3A_596 = arith.constant 0 : i32
        %dma_start3A_597 = tpu.memref_slice %arg9[%dma_start3A_595, %dma_start3A_596] : memref<10240x128xf32, #tpu.memory_space<vmem_shared>> -> memref<10240x128xf32, #tpu.memory_space<vmem_shared>>
        tpu.enqueue_indirect_dma source(%dma_start3A_591 : memref<64x128xf32, #tpu.memory_space<vmem>>) target(%dma_start3A_597 : memref<10240x128xf32, #tpu.memory_space<vmem_shared>>) offsets(%dma_start3A_594 : memref<64xi32, #tpu.memory_space<vmem>>) semaphore(%run_scoped3A_587 : memref<!tpu.dma_semaphore, #tpu.memory_space<semaphore_mem>>) {add = true}
        %dma_wait3A_598 = arith.constant 0 : i32
        %dma_wait3A_599 = arith.constant 0 : i32
        %dma_wait3A_600 = tpu.memref_slice %arg8[%run_scoped3A_486, %dma_wait3A_598, %dma_wait3A_599] : memref<4x64x128xf32, #tpu.memory_space<vmem>> -> memref<1x64x128xf32, #tpu.memory_space<vmem>>
        %dma_wait3A_601 = tpu.memref_squeeze %dma_wait3A_600 : memref<1x64x128xf32, #tpu.memory_space<vmem>> -> memref<64x128xf32, #tpu.memory_space<vmem>>
        %dma_wait3A_602 = arith.constant 0 : i32
        %dma_wait3A_603 = tpu.memref_slice %arg7[%add3A_474, %dma_wait3A_602] : memref<40x64xi32, #tpu.memory_space<vmem>> -> memref<1x64xi32, #tpu.memory_space<vmem>>
        %dma_wait3A_604 = tpu.memref_squeeze %dma_wait3A_603 : memref<1x64xi32, #tpu.memory_space<vmem>> -> memref<64xi32, #tpu.memory_space<vmem>>
        %dma_wait3A_605 = arith.constant 0 : i32
        %dma_wait3A_606 = arith.constant 0 : i32
        %dma_wait3A_607 = tpu.memref_slice %arg9[%dma_wait3A_605, %dma_wait3A_606] : memref<10240x128xf32, #tpu.memory_space<vmem_shared>> -> memref<10240x128xf32, #tpu.memory_space<vmem_shared>>
        tpu.wait_indirect_dma semaphore(%run_scoped3A_587 : memref<!tpu.dma_semaphore, #tpu.memory_space<semaphore_mem>>) src(%dma_wait3A_601 : memref<64x128xf32, #tpu.memory_space<vmem>>) dst(%dma_wait3A_607 : memref<10240x128xf32, #tpu.memory_space<vmem_shared>>)
        tpu.yield
      }) : () -> ()
      %add3A_487 = arith.constant 4 : i32
      %add3A_488 = arith.addi %add3A_474, %add3A_487 : i32
      %dma_start3A_489 = arith.constant 0 : i32
      %dma_start3A_490 = arith.constant 0 : i32
      %dma_start3A_491 = arith.constant 0 : i32
      %dma_start3A_492 = tpu.memref_slice %arg8[%dma_start3A_489, %dma_start3A_490, %dma_start3A_491] : memref<4x64x128xf32, #tpu.memory_space<vmem>> -> memref<1x64x128xf32, #tpu.memory_space<vmem>>
      %dma_start3A_493 = tpu.memref_squeeze %dma_start3A_492 : memref<1x64x128xf32, #tpu.memory_space<vmem>> -> memref<64x128xf32, #tpu.memory_space<vmem>>
      %dma_start3A_494 = arith.constant 0 : i32
      %dma_start3A_495 = tpu.memref_slice %arg6[%add3A_488, %dma_start3A_494] : memref<40x64xi32, #tpu.memory_space<vmem>> -> memref<1x64xi32, #tpu.memory_space<vmem>>
      %dma_start3A_496 = tpu.memref_squeeze %dma_start3A_495 : memref<1x64xi32, #tpu.memory_space<vmem>> -> memref<64xi32, #tpu.memory_space<vmem>>
      %dma_start3A_497 = arith.constant 0 : i32
      %dma_start3A_498 = arith.constant 0 : i32
      %dma_start3A_499 = tpu.memref_slice %arg2[%dma_start3A_497, %dma_start3A_498] : memref<10000x128xf32, #tpu.memory_space<hbm>> -> memref<10000x128xf32, #tpu.memory_space<hbm>>
      tpu.enqueue_indirect_dma source(%dma_start3A_499 : memref<10000x128xf32, #tpu.memory_space<hbm>>) target(%dma_start3A_493 : memref<64x128xf32, #tpu.memory_space<vmem>>) offsets(%dma_start3A_496 : memref<64xi32, #tpu.memory_space<vmem>>) semaphore(%arg10 : memref<!tpu.dma_semaphore, #tpu.memory_space<semaphore_mem>>)
      %mul3A_500 = arith.constant 4 : i32
      %mul3A_501 = arith.muli %add3A_470, %mul3A_500 : i32
      %add3A_502 = arith.constant 1 : i32
      %add3A_503 = arith.addi %mul3A_501, %add3A_502 : i32
      %dma_wait3A_504 = arith.constant 1 : i32
      %dma_wait3A_505 = arith.constant 0 : i32
      %dma_wait3A_506 = arith.constant 0 : i32
      %dma_wait3A_507 = tpu.memref_slice %arg8[%dma_wait3A_504, %dma_wait3A_505, %dma_wait3A_506] : memref<4x64x128xf32, #tpu.memory_space<vmem>> -> memref<1x64x128xf32, #tpu.memory_space<vmem>>
      %dma_wait3A_508 = tpu.memref_squeeze %dma_wait3A_507 : memref<1x64x128xf32, #tpu.memory_space<vmem>> -> memref<64x128xf32, #tpu.memory_space<vmem>>
      %dma_wait3A_509 = arith.constant 0 : i32
      %dma_wait3A_510 = tpu.memref_slice %arg6[%add3A_503, %dma_wait3A_509] : memref<40x64xi32, #tpu.memory_space<vmem>> -> memref<1x64xi32, #tpu.memory_space<vmem>>
      %dma_wait3A_511 = tpu.memref_squeeze %dma_wait3A_510 : memref<1x64xi32, #tpu.memory_space<vmem>> -> memref<64xi32, #tpu.memory_space<vmem>>
      %dma_wait3A_512 = arith.constant 0 : i32
      %dma_wait3A_513 = arith.constant 0 : i32
      %dma_wait3A_514 = tpu.memref_slice %arg2[%dma_wait3A_512, %dma_wait3A_513] : memref<10000x128xf32, #tpu.memory_space<hbm>> -> memref<10000x128xf32, #tpu.memory_space<hbm>>
      tpu.wait_indirect_dma semaphore(%arg11 : memref<!tpu.dma_semaphore, #tpu.memory_space<semaphore_mem>>) src(%dma_wait3A_514 : memref<10000x128xf32, #tpu.memory_space<hbm>>) dst(%dma_wait3A_508 : memref<64x128xf32, #tpu.memory_space<vmem>>)
      %run_scoped3A_515 = arith.constant 1 : i32
      "tpu.region"() ({
        %run_scoped3A_587 = tpu.sem_alloc : memref<!tpu.dma_semaphore, #tpu.memory_space<semaphore_mem>>
        %dma_start3A_588 = arith.constant 0 : i32
        %dma_start3A_589 = arith.constant 0 : i32
        %dma_start3A_590 = tpu.memref_slice %arg8[%run_scoped3A_515, %dma_start3A_588, %dma_start3A_589] : memref<4x64x128xf32, #tpu.memory_space<vmem>> -> memref<1x64x128xf32, #tpu.memory_space<vmem>>
        %dma_start3A_591 = tpu.memref_squeeze %dma_start3A_590 : memref<1x64x128xf32, #tpu.memory_space<vmem>> -> memref<64x128xf32, #tpu.memory_space<vmem>>
        %dma_start3A_592 = arith.constant 0 : i32
        %dma_start3A_593 = tpu.memref_slice %arg7[%add3A_503, %dma_start3A_592] : memref<40x64xi32, #tpu.memory_space<vmem>> -> memref<1x64xi32, #tpu.memory_space<vmem>>
        %dma_start3A_594 = tpu.memref_squeeze %dma_start3A_593 : memref<1x64xi32, #tpu.memory_space<vmem>> -> memref<64xi32, #tpu.memory_space<vmem>>
        %dma_start3A_595 = arith.constant 0 : i32
        %dma_start3A_596 = arith.constant 0 : i32
        %dma_start3A_597 = tpu.memref_slice %arg9[%dma_start3A_595, %dma_start3A_596] : memref<10240x128xf32, #tpu.memory_space<vmem_shared>> -> memref<10240x128xf32, #tpu.memory_space<vmem_shared>>
        tpu.enqueue_indirect_dma source(%dma_start3A_591 : memref<64x128xf32, #tpu.memory_space<vmem>>) target(%dma_start3A_597 : memref<10240x128xf32, #tpu.memory_space<vmem_shared>>) offsets(%dma_start3A_594 : memref<64xi32, #tpu.memory_space<vmem>>) semaphore(%run_scoped3A_587 : memref<!tpu.dma_semaphore, #tpu.memory_space<semaphore_mem>>) {add = true}
        %dma_wait3A_598 = arith.constant 0 : i32
        %dma_wait3A_599 = arith.constant 0 : i32
        %dma_wait3A_600 = tpu.memref_slice %arg8[%run_scoped3A_515, %dma_wait3A_598, %dma_wait3A_599] : memref<4x64x128xf32, #tpu.memory_space<vmem>> -> memref<1x64x128xf32, #tpu.memory_space<vmem>>
        %dma_wait3A_601 = tpu.memref_squeeze %dma_wait3A_600 : memref<1x64x128xf32, #tpu.memory_space<vmem>> -> memref<64x128xf32, #tpu.memory_space<vmem>>
        %dma_wait3A_602 = arith.constant 0 : i32
        %dma_wait3A_603 = tpu.memref_slice %arg7[%add3A_503, %dma_wait3A_602] : memref<40x64xi32, #tpu.memory_space<vmem>> -> memref<1x64xi32, #tpu.memory_space<vmem>>
        %dma_wait3A_604 = tpu.memref_squeeze %dma_wait3A_603 : memref<1x64xi32, #tpu.memory_space<vmem>> -> memref<64xi32, #tpu.memory_space<vmem>>
        %dma_wait3A_605 = arith.constant 0 : i32
        %dma_wait3A_606 = arith.constant 0 : i32
        %dma_wait3A_607 = tpu.memref_slice %arg9[%dma_wait3A_605, %dma_wait3A_606] : memref<10240x128xf32, #tpu.memory_space<vmem_shared>> -> memref<10240x128xf32, #tpu.memory_space<vmem_shared>>
        tpu.wait_indirect_dma semaphore(%run_scoped3A_587 : memref<!tpu.dma_semaphore, #tpu.memory_space<semaphore_mem>>) src(%dma_wait3A_601 : memref<64x128xf32, #tpu.memory_space<vmem>>) dst(%dma_wait3A_607 : memref<10240x128xf32, #tpu.memory_space<vmem_shared>>)
        tpu.yield
      }) : () -> ()
      %add3A_516 = arith.constant 4 : i32
      %add3A_517 = arith.addi %add3A_503, %add3A_516 : i32
      %dma_start3A_518 = arith.constant 1 : i32
      %dma_start3A_519 = arith.constant 0 : i32
      %dma_start3A_520 = arith.constant 0 : i32
      %dma_start3A_521 = tpu.memref_slice %arg8[%dma_start3A_518, %dma_start3A_519, %dma_start3A_520] : memref<4x64x128xf32, #tpu.memory_space<vmem>> -> memref<1x64x128xf32, #tpu.memory_space<vmem>>
      %dma_start3A_522 = tpu.memref_squeeze %dma_start3A_521 : memref<1x64x128xf32, #tpu.memory_space<vmem>> -> memref<64x128xf32, #tpu.memory_space<vmem>>
      %dma_start3A_523 = arith.constant 0 : i32
      %dma_start3A_524 = tpu.memref_slice %arg6[%add3A_517, %dma_start3A_523] : memref<40x64xi32, #tpu.memory_space<vmem>> -> memref<1x64xi32, #tpu.memory_space<vmem>>
      %dma_start3A_525 = tpu.memref_squeeze %dma_start3A_524 : memref<1x64xi32, #tpu.memory_space<vmem>> -> memref<64xi32, #tpu.memory_space<vmem>>
      %dma_start3A_526 = arith.constant 0 : i32
      %dma_start3A_527 = arith.constant 0 : i32
      %dma_start3A_528 = tpu.memref_slice %arg2[%dma_start3A_526, %dma_start3A_527] : memref<10000x128xf32, #tpu.memory_space<hbm>> -> memref<10000x128xf32, #tpu.memory_space<hbm>>
      tpu.enqueue_indirect_dma source(%dma_start3A_528 : memref<10000x128xf32, #tpu.memory_space<hbm>>) target(%dma_start3A_522 : memref<64x128xf32, #tpu.memory_space<vmem>>) offsets(%dma_start3A_525 : memref<64xi32, #tpu.memory_space<vmem>>) semaphore(%arg11 : memref<!tpu.dma_semaphore, #tpu.memory_space<semaphore_mem>>)
      %mul3A_529 = arith.constant 4 : i32
      %mul3A_530 = arith.muli %add3A_470, %mul3A_529 : i32
      %add3A_531 = arith.constant 2 : i32
      %add3A_532 = arith.addi %mul3A_530, %add3A_531 : i32
      %dma_wait3A_533 = arith.constant 2 : i32
      %dma_wait3A_534 = arith.constant 0 : i32
      %dma_wait3A_535 = arith.constant 0 : i32
      %dma_wait3A_536 = tpu.memref_slice %arg8[%dma_wait3A_533, %dma_wait3A_534, %dma_wait3A_535] : memref<4x64x128xf32, #tpu.memory_space<vmem>> -> memref<1x64x128xf32, #tpu.memory_space<vmem>>
      %dma_wait3A_537 = tpu.memref_squeeze %dma_wait3A_536 : memref<1x64x128xf32, #tpu.memory_space<vmem>> -> memref<64x128xf32, #tpu.memory_space<vmem>>
      %dma_wait3A_538 = arith.constant 0 : i32
      %dma_wait3A_539 = tpu.memref_slice %arg6[%add3A_532, %dma_wait3A_538] : memref<40x64xi32, #tpu.memory_space<vmem>> -> memref<1x64xi32, #tpu.memory_space<vmem>>
      %dma_wait3A_540 = tpu.memref_squeeze %dma_wait3A_539 : memref<1x64xi32, #tpu.memory_space<vmem>> -> memref<64xi32, #tpu.memory_space<vmem>>
      %dma_wait3A_541 = arith.constant 0 : i32
      %dma_wait3A_542 = arith.constant 0 : i32
      %dma_wait3A_543 = tpu.memref_slice %arg2[%dma_wait3A_541, %dma_wait3A_542] : memref<10000x128xf32, #tpu.memory_space<hbm>> -> memref<10000x128xf32, #tpu.memory_space<hbm>>
      tpu.wait_indirect_dma semaphore(%arg12 : memref<!tpu.dma_semaphore, #tpu.memory_space<semaphore_mem>>) src(%dma_wait3A_543 : memref<10000x128xf32, #tpu.memory_space<hbm>>) dst(%dma_wait3A_537 : memref<64x128xf32, #tpu.memory_space<vmem>>)
      %run_scoped3A_544 = arith.constant 2 : i32
      "tpu.region"() ({
        %run_scoped3A_587 = tpu.sem_alloc : memref<!tpu.dma_semaphore, #tpu.memory_space<semaphore_mem>>
        %dma_start3A_588 = arith.constant 0 : i32
        %dma_start3A_589 = arith.constant 0 : i32
        %dma_start3A_590 = tpu.memref_slice %arg8[%run_scoped3A_544, %dma_start3A_588, %dma_start3A_589] : memref<4x64x128xf32, #tpu.memory_space<vmem>> -> memref<1x64x128xf32, #tpu.memory_space<vmem>>
        %dma_start3A_591 = tpu.memref_squeeze %dma_start3A_590 : memref<1x64x128xf32, #tpu.memory_space<vmem>> -> memref<64x128xf32, #tpu.memory_space<vmem>>
        %dma_start3A_592 = arith.constant 0 : i32
        %dma_start3A_593 = tpu.memref_slice %arg7[%add3A_532, %dma_start3A_592] : memref<40x64xi32, #tpu.memory_space<vmem>> -> memref<1x64xi32, #tpu.memory_space<vmem>>
        %dma_start3A_594 = tpu.memref_squeeze %dma_start3A_593 : memref<1x64xi32, #tpu.memory_space<vmem>> -> memref<64xi32, #tpu.memory_space<vmem>>
        %dma_start3A_595 = arith.constant 0 : i32
        %dma_start3A_596 = arith.constant 0 : i32
        %dma_start3A_597 = tpu.memref_slice %arg9[%dma_start3A_595, %dma_start3A_596] : memref<10240x128xf32, #tpu.memory_space<vmem_shared>> -> memref<10240x128xf32, #tpu.memory_space<vmem_shared>>
        tpu.enqueue_indirect_dma source(%dma_start3A_591 : memref<64x128xf32, #tpu.memory_space<vmem>>) target(%dma_start3A_597 : memref<10240x128xf32, #tpu.memory_space<vmem_shared>>) offsets(%dma_start3A_594 : memref<64xi32, #tpu.memory_space<vmem>>) semaphore(%run_scoped3A_587 : memref<!tpu.dma_semaphore, #tpu.memory_space<semaphore_mem>>) {add = true}
        %dma_wait3A_598 = arith.constant 0 : i32
        %dma_wait3A_599 = arith.constant 0 : i32
        %dma_wait3A_600 = tpu.memref_slice %arg8[%run_scoped3A_544, %dma_wait3A_598, %dma_wait3A_599] : memref<4x64x128xf32, #tpu.memory_space<vmem>> -> memref<1x64x128xf32, #tpu.memory_space<vmem>>
        %dma_wait3A_601 = tpu.memref_squeeze %dma_wait3A_600 : memref<1x64x128xf32, #tpu.memory_space<vmem>> -> memref<64x128xf32, #tpu.memory_space<vmem>>
        %dma_wait3A_602 = arith.constant 0 : i32
        %dma_wait3A_603 = tpu.memref_slice %arg7[%add3A_532, %dma_wait3A_602] : memref<40x64xi32, #tpu.memory_space<vmem>> -> memref<1x64xi32, #tpu.memory_space<vmem>>
        %dma_wait3A_604 = tpu.memref_squeeze %dma_wait3A_603 : memref<1x64xi32, #tpu.memory_space<vmem>> -> memref<64xi32, #tpu.memory_space<vmem>>
        %dma_wait3A_605 = arith.constant 0 : i32
        %dma_wait3A_606 = arith.constant 0 : i32
        %dma_wait3A_607 = tpu.memref_slice %arg9[%dma_wait3A_605, %dma_wait3A_606] : memref<10240x128xf32, #tpu.memory_space<vmem_shared>> -> memref<10240x128xf32, #tpu.memory_space<vmem_shared>>
        tpu.wait_indirect_dma semaphore(%run_scoped3A_587 : memref<!tpu.dma_semaphore, #tpu.memory_space<semaphore_mem>>) src(%dma_wait3A_601 : memref<64x128xf32, #tpu.memory_space<vmem>>) dst(%dma_wait3A_607 : memref<10240x128xf32, #tpu.memory_space<vmem_shared>>)
        tpu.yield
      }) : () -> ()
      %add3A_545 = arith.constant 4 : i32
      %add3A_546 = arith.addi %add3A_532, %add3A_545 : i32
      %dma_start3A_547 = arith.constant 2 : i32
      %dma_start3A_548 = arith.constant 0 : i32
      %dma_start3A_549 = arith.constant 0 : i32
      %dma_start3A_550 = tpu.memref_slice %arg8[%dma_start3A_547, %dma_start3A_548, %dma_start3A_549] : memref<4x64x128xf32, #tpu.memory_space<vmem>> -> memref<1x64x128xf32, #tpu.memory_space<vmem>>
      %dma_start3A_551 = tpu.memref_squeeze %dma_start3A_550 : memref<1x64x128xf32, #tpu.memory_space<vmem>> -> memref<64x128xf32, #tpu.memory_space<vmem>>
      %dma_start3A_552 = arith.constant 0 : i32
      %dma_start3A_553 = tpu.memref_slice %arg6[%add3A_546, %dma_start3A_552] : memref<40x64xi32, #tpu.memory_space<vmem>> -> memref<1x64xi32, #tpu.memory_space<vmem>>
      %dma_start3A_554 = tpu.memref_squeeze %dma_start3A_553 : memref<1x64xi32, #tpu.memory_space<vmem>> -> memref<64xi32, #tpu.memory_space<vmem>>
      %dma_start3A_555 = arith.constant 0 : i32
      %dma_start3A_556 = arith.constant 0 : i32
      %dma_start3A_557 = tpu.memref_slice %arg2[%dma_start3A_555, %dma_start3A_556] : memref<10000x128xf32, #tpu.memory_space<hbm>> -> memref<10000x128xf32, #tpu.memory_space<hbm>>
      tpu.enqueue_indirect_dma source(%dma_start3A_557 : memref<10000x128xf32, #tpu.memory_space<hbm>>) target(%dma_start3A_551 : memref<64x128xf32, #tpu.memory_space<vmem>>) offsets(%dma_start3A_554 : memref<64xi32, #tpu.memory_space<vmem>>) semaphore(%arg12 : memref<!tpu.dma_semaphore, #tpu.memory_space<semaphore_mem>>)
      %mul3A_558 = arith.constant 4 : i32
      %mul3A_559 = arith.muli %add3A_470, %mul3A_558 : i32
      %add3A_560 = arith.constant 3 : i32
      %add3A_561 = arith.addi %mul3A_559, %add3A_560 : i32
      %dma_wait3A_562 = arith.constant 3 : i32
      %dma_wait3A_563 = arith.constant 0 : i32
      %dma_wait3A_564 = arith.constant 0 : i32
      %dma_wait3A_565 = tpu.memref_slice %arg8[%dma_wait3A_562, %dma_wait3A_563, %dma_wait3A_564] : memref<4x64x128xf32, #tpu.memory_space<vmem>> -> memref<1x64x128xf32, #tpu.memory_space<vmem>>
      %dma_wait3A_566 = tpu.memref_squeeze %dma_wait3A_565 : memref<1x64x128xf32, #tpu.memory_space<vmem>> -> memref<64x128xf32, #tpu.memory_space<vmem>>
      %dma_wait3A_567 = arith.constant 0 : i32
      %dma_wait3A_568 = tpu.memref_slice %arg6[%add3A_561, %dma_wait3A_567] : memref<40x64xi32, #tpu.memory_space<vmem>> -> memref<1x64xi32, #tpu.memory_space<vmem>>
      %dma_wait3A_569 = tpu.memref_squeeze %dma_wait3A_568 : memref<1x64xi32, #tpu.memory_space<vmem>> -> memref<64xi32, #tpu.memory_space<vmem>>
      %dma_wait3A_570 = arith.constant 0 : i32
      %dma_wait3A_571 = arith.constant 0 : i32
      %dma_wait3A_572 = tpu.memref_slice %arg2[%dma_wait3A_570, %dma_wait3A_571] : memref<10000x128xf32, #tpu.memory_space<hbm>> -> memref<10000x128xf32, #tpu.memory_space<hbm>>
      tpu.wait_indirect_dma semaphore(%arg13 : memref<!tpu.dma_semaphore, #tpu.memory_space<semaphore_mem>>) src(%dma_wait3A_572 : memref<10000x128xf32, #tpu.memory_space<hbm>>) dst(%dma_wait3A_566 : memref<64x128xf32, #tpu.memory_space<vmem>>)
      %run_scoped3A_573 = arith.constant 3 : i32
      "tpu.region"() ({
        %run_scoped3A_587 = tpu.sem_alloc : memref<!tpu.dma_semaphore, #tpu.memory_space<semaphore_mem>>
        %dma_start3A_588 = arith.constant 0 : i32
        %dma_start3A_589 = arith.constant 0 : i32
        %dma_start3A_590 = tpu.memref_slice %arg8[%run_scoped3A_573, %dma_start3A_588, %dma_start3A_589] : memref<4x64x128xf32, #tpu.memory_space<vmem>> -> memref<1x64x128xf32, #tpu.memory_space<vmem>>
        %dma_start3A_591 = tpu.memref_squeeze %dma_start3A_590 : memref<1x64x128xf32, #tpu.memory_space<vmem>> -> memref<64x128xf32, #tpu.memory_space<vmem>>
        %dma_start3A_592 = arith.constant 0 : i32
        %dma_start3A_593 = tpu.memref_slice %arg7[%add3A_561, %dma_start3A_592] : memref<40x64xi32, #tpu.memory_space<vmem>> -> memref<1x64xi32, #tpu.memory_space<vmem>>
        %dma_start3A_594 = tpu.memref_squeeze %dma_start3A_593 : memref<1x64xi32, #tpu.memory_space<vmem>> -> memref<64xi32, #tpu.memory_space<vmem>>
        %dma_start3A_595 = arith.constant 0 : i32
        %dma_start3A_596 = arith.constant 0 : i32
        %dma_start3A_597 = tpu.memref_slice %arg9[%dma_start3A_595, %dma_start3A_596] : memref<10240x128xf32, #tpu.memory_space<vmem_shared>> -> memref<10240x128xf32, #tpu.memory_space<vmem_shared>>
        tpu.enqueue_indirect_dma source(%dma_start3A_591 : memref<64x128xf32, #tpu.memory_space<vmem>>) target(%dma_start3A_597 : memref<10240x128xf32, #tpu.memory_space<vmem_shared>>) offsets(%dma_start3A_594 : memref<64xi32, #tpu.memory_space<vmem>>) semaphore(%run_scoped3A_587 : memref<!tpu.dma_semaphore, #tpu.memory_space<semaphore_mem>>) {add = true}
        %dma_wait3A_598 = arith.constant 0 : i32
        %dma_wait3A_599 = arith.constant 0 : i32
        %dma_wait3A_600 = tpu.memref_slice %arg8[%run_scoped3A_573, %dma_wait3A_598, %dma_wait3A_599] : memref<4x64x128xf32, #tpu.memory_space<vmem>> -> memref<1x64x128xf32, #tpu.memory_space<vmem>>
        %dma_wait3A_601 = tpu.memref_squeeze %dma_wait3A_600 : memref<1x64x128xf32, #tpu.memory_space<vmem>> -> memref<64x128xf32, #tpu.memory_space<vmem>>
        %dma_wait3A_602 = arith.constant 0 : i32
        %dma_wait3A_603 = tpu.memref_slice %arg7[%add3A_561, %dma_wait3A_602] : memref<40x64xi32, #tpu.memory_space<vmem>> -> memref<1x64xi32, #tpu.memory_space<vmem>>
        %dma_wait3A_604 = tpu.memref_squeeze %dma_wait3A_603 : memref<1x64xi32, #tpu.memory_space<vmem>> -> memref<64xi32, #tpu.memory_space<vmem>>
        %dma_wait3A_605 = arith.constant 0 : i32
        %dma_wait3A_606 = arith.constant 0 : i32
        %dma_wait3A_607 = tpu.memref_slice %arg9[%dma_wait3A_605, %dma_wait3A_606] : memref<10240x128xf32, #tpu.memory_space<vmem_shared>> -> memref<10240x128xf32, #tpu.memory_space<vmem_shared>>
        tpu.wait_indirect_dma semaphore(%run_scoped3A_587 : memref<!tpu.dma_semaphore, #tpu.memory_space<semaphore_mem>>) src(%dma_wait3A_601 : memref<64x128xf32, #tpu.memory_space<vmem>>) dst(%dma_wait3A_607 : memref<10240x128xf32, #tpu.memory_space<vmem_shared>>)
        tpu.yield
      }) : () -> ()
      %add3A_574 = arith.constant 4 : i32
      %add3A_575 = arith.addi %add3A_561, %add3A_574 : i32
      %dma_start3A_576 = arith.constant 3 : i32
      %dma_start3A_577 = arith.constant 0 : i32
      %dma_start3A_578 = arith.constant 0 : i32
      %dma_start3A_579 = tpu.memref_slice %arg8[%dma_start3A_576, %dma_start3A_577, %dma_start3A_578] : memref<4x64x128xf32, #tpu.memory_space<vmem>> -> memref<1x64x128xf32, #tpu.memory_space<vmem>>
      %dma_start3A_580 = tpu.memref_squeeze %dma_start3A_579 : memref<1x64x128xf32, #tpu.memory_space<vmem>> -> memref<64x128xf32, #tpu.memory_space<vmem>>
      %dma_start3A_581 = arith.constant 0 : i32
      %dma_start3A_582 = tpu.memref_slice %arg6[%add3A_575, %dma_start3A_581] : memref<40x64xi32, #tpu.memory_space<vmem>> -> memref<1x64xi32, #tpu.memory_space<vmem>>
      %dma_start3A_583 = tpu.memref_squeeze %dma_start3A_582 : memref<1x64xi32, #tpu.memory_space<vmem>> -> memref<64xi32, #tpu.memory_space<vmem>>
      %dma_start3A_584 = arith.constant 0 : i32
      %dma_start3A_585 = arith.constant 0 : i32
      %dma_start3A_586 = tpu.memref_slice %arg2[%dma_start3A_584, %dma_start3A_585] : memref<10000x128xf32, #tpu.memory_space<hbm>> -> memref<10000x128xf32, #tpu.memory_space<hbm>>
      tpu.enqueue_indirect_dma source(%dma_start3A_586 : memref<10000x128xf32, #tpu.memory_space<hbm>>) target(%dma_start3A_580 : memref<64x128xf32, #tpu.memory_space<vmem>>) offsets(%dma_start3A_583 : memref<64xi32, #tpu.memory_space<vmem>>) semaphore(%arg13 : memref<!tpu.dma_semaphore, #tpu.memory_space<semaphore_mem>>)
    }
    %scan3A_177 = arith.constant 9 : i32
    %dma_wait3A_178 = arith.constant 36 : i32
    %dma_wait3A_179 = arith.constant 0 : i32
    %dma_wait3A_180 = arith.constant 0 : i32
    %dma_wait3A_181 = arith.constant 0 : i32
    %dma_wait3A_182 = tpu.memref_slice %arg8[%dma_wait3A_179, %dma_wait3A_180, %dma_wait3A_181] : memref<4x64x128xf32, #tpu.memory_space<vmem>> -> memref<1x64x128xf32, #tpu.memory_space<vmem>>
    %dma_wait3A_183 = tpu.memref_squeeze %dma_wait3A_182 : memref<1x64x128xf32, #tpu.memory_space<vmem>> -> memref<64x128xf32, #tpu.memory_space<vmem>>
    %dma_wait3A_184 = arith.constant 0 : i32
    %dma_wait3A_185 = tpu.memref_slice %arg6[%dma_wait3A_178, %dma_wait3A_184] : memref<40x64xi32, #tpu.memory_space<vmem>> -> memref<1x64xi32, #tpu.memory_space<vmem>>
    %dma_wait3A_186 = tpu.memref_squeeze %dma_wait3A_185 : memref<1x64xi32, #tpu.memory_space<vmem>> -> memref<64xi32, #tpu.memory_space<vmem>>
    %dma_wait3A_187 = arith.constant 0 : i32
    %dma_wait3A_188 = arith.constant 0 : i32
    %dma_wait3A_189 = tpu.memref_slice %arg2[%dma_wait3A_187, %dma_wait3A_188] : memref<10000x128xf32, #tpu.memory_space<hbm>> -> memref<10000x128xf32, #tpu.memory_space<hbm>>
    tpu.wait_indirect_dma semaphore(%arg10 : memref<!tpu.dma_semaphore, #tpu.memory_space<semaphore_mem>>) src(%dma_wait3A_189 : memref<10000x128xf32, #tpu.memory_space<hbm>>) dst(%dma_wait3A_183 : memref<64x128xf32, #tpu.memory_space<vmem>>)
    %run_scoped3A_190 = arith.constant 0 : i32
    %run_scoped3A_191 = arith.constant 36 : i32
    "tpu.region"() ({
      %run_scoped3A_466 = tpu.sem_alloc : memref<!tpu.dma_semaphore, #tpu.memory_space<semaphore_mem>>
      %dma_start3A_467 = arith.constant 0 : i32
      %dma_start3A_468 = arith.constant 0 : i32
      %dma_start3A_469 = tpu.memref_slice %arg8[%run_scoped3A_190, %dma_start3A_467, %dma_start3A_468] : memref<4x64x128xf32, #tpu.memory_space<vmem>> -> memref<1x64x128xf32, #tpu.memory_space<vmem>>
      %dma_start3A_470 = tpu.memref_squeeze %dma_start3A_469 : memref<1x64x128xf32, #tpu.memory_space<vmem>> -> memref<64x128xf32, #tpu.memory_space<vmem>>
      %dma_start3A_471 = arith.constant 0 : i32
      %dma_start3A_472 = tpu.memref_slice %arg7[%run_scoped3A_191, %dma_start3A_471] : memref<40x64xi32, #tpu.memory_space<vmem>> -> memref<1x64xi32, #tpu.memory_space<vmem>>
      %dma_start3A_473 = tpu.memref_squeeze %dma_start3A_472 : memref<1x64xi32, #tpu.memory_space<vmem>> -> memref<64xi32, #tpu.memory_space<vmem>>
      %dma_start3A_474 = arith.constant 0 : i32
      %dma_start3A_475 = arith.constant 0 : i32
      %dma_start3A_476 = tpu.memref_slice %arg9[%dma_start3A_474, %dma_start3A_475] : memref<10240x128xf32, #tpu.memory_space<vmem_shared>> -> memref<10240x128xf32, #tpu.memory_space<vmem_shared>>
      tpu.enqueue_indirect_dma source(%dma_start3A_470 : memref<64x128xf32, #tpu.memory_space<vmem>>) target(%dma_start3A_476 : memref<10240x128xf32, #tpu.memory_space<vmem_shared>>) offsets(%dma_start3A_473 : memref<64xi32, #tpu.memory_space<vmem>>) semaphore(%run_scoped3A_466 : memref<!tpu.dma_semaphore, #tpu.memory_space<semaphore_mem>>) {add = true}
      %dma_wait3A_477 = arith.constant 0 : i32
      %dma_wait3A_478 = arith.constant 0 : i32
      %dma_wait3A_479 = tpu.memref_slice %arg8[%run_scoped3A_190, %dma_wait3A_477, %dma_wait3A_478] : memref<4x64x128xf32, #tpu.memory_space<vmem>> -> memref<1x64x128xf32, #tpu.memory_space<vmem>>
      %dma_wait3A_480 = tpu.memref_squeeze %dma_wait3A_479 : memref<1x64x128xf32, #tpu.memory_space<vmem>> -> memref<64x128xf32, #tpu.memory_space<vmem>>
      %dma_wait3A_481 = arith.constant 0 : i32
      %dma_wait3A_482 = tpu.memref_slice %arg7[%run_scoped3A_191, %dma_wait3A_481] : memref<40x64xi32, #tpu.memory_space<vmem>> -> memref<1x64xi32, #tpu.memory_space<vmem>>
      %dma_wait3A_483 = tpu.memref_squeeze %dma_wait3A_482 : memref<1x64xi32, #tpu.memory_space<vmem>> -> memref<64xi32, #tpu.memory_space<vmem>>
      %dma_wait3A_484 = arith.constant 0 : i32
      %dma_wait3A_485 = arith.constant 0 : i32
      %dma_wait3A_486 = tpu.memref_slice %arg9[%dma_wait3A_484, %dma_wait3A_485] : memref<10240x128xf32, #tpu.memory_space<vmem_shared>> -> memref<10240x128xf32, #tpu.memory_space<vmem_shared>>
      tpu.wait_indirect_dma semaphore(%run_scoped3A_466 : memref<!tpu.dma_semaphore, #tpu.memory_space<semaphore_mem>>) src(%dma_wait3A_480 : memref<64x128xf32, #tpu.memory_space<vmem>>) dst(%dma_wait3A_486 : memref<10240x128xf32, #tpu.memory_space<vmem_shared>>)
      tpu.yield
    }) : () -> ()
    %dma_wait3A_192 = arith.constant 37 : i32
    %dma_wait3A_193 = arith.constant 1 : i32
    %dma_wait3A_194 = arith.constant 0 : i32
    %dma_wait3A_195 = arith.constant 0 : i32
    %dma_wait3A_196 = tpu.memref_slice %arg8[%dma_wait3A_193, %dma_wait3A_194, %dma_wait3A_195] : memref<4x64x128xf32, #tpu.memory_space<vmem>> -> memref<1x64x128xf32, #tpu.memory_space<vmem>>
    %dma_wait3A_197 = tpu.memref_squeeze %dma_wait3A_196 : memref<1x64x128xf32, #tpu.memory_space<vmem>> -> memref<64x128xf32, #tpu.memory_space<vmem>>
    %dma_wait3A_198 = arith.constant 0 : i32
    %dma_wait3A_199 = tpu.memref_slice %arg6[%dma_wait3A_192, %dma_wait3A_198] : memref<40x64xi32, #tpu.memory_space<vmem>> -> memref<1x64xi32, #tpu.memory_space<vmem>>
    %dma_wait3A_200 = tpu.memref_squeeze %dma_wait3A_199 : memref<1x64xi32, #tpu.memory_space<vmem>> -> memref<64xi32, #tpu.memory_space<vmem>>
    %dma_wait3A_201 = arith.constant 0 : i32
    %dma_wait3A_202 = arith.constant 0 : i32
    %dma_wait3A_203 = tpu.memref_slice %arg2[%dma_wait3A_201, %dma_wait3A_202] : memref<10000x128xf32, #tpu.memory_space<hbm>> -> memref<10000x128xf32, #tpu.memory_space<hbm>>
    tpu.wait_indirect_dma semaphore(%arg11 : memref<!tpu.dma_semaphore, #tpu.memory_space<semaphore_mem>>) src(%dma_wait3A_203 : memref<10000x128xf32, #tpu.memory_space<hbm>>) dst(%dma_wait3A_197 : memref<64x128xf32, #tpu.memory_space<vmem>>)
    %run_scoped3A_204 = arith.constant 1 : i32
    %run_scoped3A_205 = arith.constant 37 : i32
    "tpu.region"() ({
      %run_scoped3A_466 = tpu.sem_alloc : memref<!tpu.dma_semaphore, #tpu.memory_space<semaphore_mem>>
      %dma_start3A_467 = arith.constant 0 : i32
      %dma_start3A_468 = arith.constant 0 : i32
      %dma_start3A_469 = tpu.memref_slice %arg8[%run_scoped3A_204, %dma_start3A_467, %dma_start3A_468] : memref<4x64x128xf32, #tpu.memory_space<vmem>> -> memref<1x64x128xf32, #tpu.memory_space<vmem>>
      %dma_start3A_470 = tpu.memref_squeeze %dma_start3A_469 : memref<1x64x128xf32, #tpu.memory_space<vmem>> -> memref<64x128xf32, #tpu.memory_space<vmem>>
      %dma_start3A_471 = arith.constant 0 : i32
      %dma_start3A_472 = tpu.memref_slice %arg7[%run_scoped3A_205, %dma_start3A_471] : memref<40x64xi32, #tpu.memory_space<vmem>> -> memref<1x64xi32, #tpu.memory_space<vmem>>
      %dma_start3A_473 = tpu.memref_squeeze %dma_start3A_472 : memref<1x64xi32, #tpu.memory_space<vmem>> -> memref<64xi32, #tpu.memory_space<vmem>>
      %dma_start3A_474 = arith.constant 0 : i32
      %dma_start3A_475 = arith.constant 0 : i32
      %dma_start3A_476 = tpu.memref_slice %arg9[%dma_start3A_474, %dma_start3A_475] : memref<10240x128xf32, #tpu.memory_space<vmem_shared>> -> memref<10240x128xf32, #tpu.memory_space<vmem_shared>>
      tpu.enqueue_indirect_dma source(%dma_start3A_470 : memref<64x128xf32, #tpu.memory_space<vmem>>) target(%dma_start3A_476 : memref<10240x128xf32, #tpu.memory_space<vmem_shared>>) offsets(%dma_start3A_473 : memref<64xi32, #tpu.memory_space<vmem>>) semaphore(%run_scoped3A_466 : memref<!tpu.dma_semaphore, #tpu.memory_space<semaphore_mem>>) {add = true}
      %dma_wait3A_477 = arith.constant 0 : i32
      %dma_wait3A_478 = arith.constant 0 : i32
      %dma_wait3A_479 = tpu.memref_slice %arg8[%run_scoped3A_204, %dma_wait3A_477, %dma_wait3A_478] : memref<4x64x128xf32, #tpu.memory_space<vmem>> -> memref<1x64x128xf32, #tpu.memory_space<vmem>>
      %dma_wait3A_480 = tpu.memref_squeeze %dma_wait3A_479 : memref<1x64x128xf32, #tpu.memory_space<vmem>> -> memref<64x128xf32, #tpu.memory_space<vmem>>
      %dma_wait3A_481 = arith.constant 0 : i32
      %dma_wait3A_482 = tpu.memref_slice %arg7[%run_scoped3A_205, %dma_wait3A_481] : memref<40x64xi32, #tpu.memory_space<vmem>> -> memref<1x64xi32, #tpu.memory_space<vmem>>
      %dma_wait3A_483 = tpu.memref_squeeze %dma_wait3A_482 : memref<1x64xi32, #tpu.memory_space<vmem>> -> memref<64xi32, #tpu.memory_space<vmem>>
      %dma_wait3A_484 = arith.constant 0 : i32
      %dma_wait3A_485 = arith.constant 0 : i32
      %dma_wait3A_486 = tpu.memref_slice %arg9[%dma_wait3A_484, %dma_wait3A_485] : memref<10240x128xf32, #tpu.memory_space<vmem_shared>> -> memref<10240x128xf32, #tpu.memory_space<vmem_shared>>
      tpu.wait_indirect_dma semaphore(%run_scoped3A_466 : memref<!tpu.dma_semaphore, #tpu.memory_space<semaphore_mem>>) src(%dma_wait3A_480 : memref<64x128xf32, #tpu.memory_space<vmem>>) dst(%dma_wait3A_486 : memref<10240x128xf32, #tpu.memory_space<vmem_shared>>)
      tpu.yield
    }) : () -> ()
    %dma_wait3A_206 = arith.constant 38 : i32
    %dma_wait3A_207 = arith.constant 2 : i32
    %dma_wait3A_208 = arith.constant 0 : i32
    %dma_wait3A_209 = arith.constant 0 : i32
    %dma_wait3A_210 = tpu.memref_slice %arg8[%dma_wait3A_207, %dma_wait3A_208, %dma_wait3A_209] : memref<4x64x128xf32, #tpu.memory_space<vmem>> -> memref<1x64x128xf32, #tpu.memory_space<vmem>>
    %dma_wait3A_211 = tpu.memref_squeeze %dma_wait3A_210 : memref<1x64x128xf32, #tpu.memory_space<vmem>> -> memref<64x128xf32, #tpu.memory_space<vmem>>
    %dma_wait3A_212 = arith.constant 0 : i32
    %dma_wait3A_213 = tpu.memref_slice %arg6[%dma_wait3A_206, %dma_wait3A_212] : memref<40x64xi32, #tpu.memory_space<vmem>> -> memref<1x64xi32, #tpu.memory_space<vmem>>
    %dma_wait3A_214 = tpu.memref_squeeze %dma_wait3A_213 : memref<1x64xi32, #tpu.memory_space<vmem>> -> memref<64xi32, #tpu.memory_space<vmem>>
    %dma_wait3A_215 = arith.constant 0 : i32
    %dma_wait3A_216 = arith.constant 0 : i32
    %dma_wait3A_217 = tpu.memref_slice %arg2[%dma_wait3A_215, %dma_wait3A_216] : memref<10000x128xf32, #tpu.memory_space<hbm>> -> memref<10000x128xf32, #tpu.memory_space<hbm>>
    tpu.wait_indirect_dma semaphore(%arg12 : memref<!tpu.dma_semaphore, #tpu.memory_space<semaphore_mem>>) src(%dma_wait3A_217 : memref<10000x128xf32, #tpu.memory_space<hbm>>) dst(%dma_wait3A_211 : memref<64x128xf32, #tpu.memory_space<vmem>>)
    %run_scoped3A_218 = arith.constant 2 : i32
    %run_scoped3A_219 = arith.constant 38 : i32
    "tpu.region"() ({
      %run_scoped3A_466 = tpu.sem_alloc : memref<!tpu.dma_semaphore, #tpu.memory_space<semaphore_mem>>
      %dma_start3A_467 = arith.constant 0 : i32
      %dma_start3A_468 = arith.constant 0 : i32
      %dma_start3A_469 = tpu.memref_slice %arg8[%run_scoped3A_218, %dma_start3A_467, %dma_start3A_468] : memref<4x64x128xf32, #tpu.memory_space<vmem>> -> memref<1x64x128xf32, #tpu.memory_space<vmem>>
      %dma_start3A_470 = tpu.memref_squeeze %dma_start3A_469 : memref<1x64x128xf32, #tpu.memory_space<vmem>> -> memref<64x128xf32, #tpu.memory_space<vmem>>
      %dma_start3A_471 = arith.constant 0 : i32
      %dma_start3A_472 = tpu.memref_slice %arg7[%run_scoped3A_219, %dma_start3A_471] : memref<40x64xi32, #tpu.memory_space<vmem>> -> memref<1x64xi32, #tpu.memory_space<vmem>>
      %dma_start3A_473 = tpu.memref_squeeze %dma_start3A_472 : memref<1x64xi32, #tpu.memory_space<vmem>> -> memref<64xi32, #tpu.memory_space<vmem>>
      %dma_start3A_474 = arith.constant 0 : i32
      %dma_start3A_475 = arith.constant 0 : i32
      %dma_start3A_476 = tpu.memref_slice %arg9[%dma_start3A_474, %dma_start3A_475] : memref<10240x128xf32, #tpu.memory_space<vmem_shared>> -> memref<10240x128xf32, #tpu.memory_space<vmem_shared>>
      tpu.enqueue_indirect_dma source(%dma_start3A_470 : memref<64x128xf32, #tpu.memory_space<vmem>>) target(%dma_start3A_476 : memref<10240x128xf32, #tpu.memory_space<vmem_shared>>) offsets(%dma_start3A_473 : memref<64xi32, #tpu.memory_space<vmem>>) semaphore(%run_scoped3A_466 : memref<!tpu.dma_semaphore, #tpu.memory_space<semaphore_mem>>) {add = true}
      %dma_wait3A_477 = arith.constant 0 : i32
      %dma_wait3A_478 = arith.constant 0 : i32
      %dma_wait3A_479 = tpu.memref_slice %arg8[%run_scoped3A_218, %dma_wait3A_477, %dma_wait3A_478] : memref<4x64x128xf32, #tpu.memory_space<vmem>> -> memref<1x64x128xf32, #tpu.memory_space<vmem>>
      %dma_wait3A_480 = tpu.memref_squeeze %dma_wait3A_479 : memref<1x64x128xf32, #tpu.memory_space<vmem>> -> memref<64x128xf32, #tpu.memory_space<vmem>>
      %dma_wait3A_481 = arith.constant 0 : i32
      %dma_wait3A_482 = tpu.memref_slice %arg7[%run_scoped3A_219, %dma_wait3A_481] : memref<40x64xi32, #tpu.memory_space<vmem>> -> memref<1x64xi32, #tpu.memory_space<vmem>>
      %dma_wait3A_483 = tpu.memref_squeeze %dma_wait3A_482 : memref<1x64xi32, #tpu.memory_space<vmem>> -> memref<64xi32, #tpu.memory_space<vmem>>
      %dma_wait3A_484 = arith.constant 0 : i32
      %dma_wait3A_485 = arith.constant 0 : i32
      %dma_wait3A_486 = tpu.memref_slice %arg9[%dma_wait3A_484, %dma_wait3A_485] : memref<10240x128xf32, #tpu.memory_space<vmem_shared>> -> memref<10240x128xf32, #tpu.memory_space<vmem_shared>>
      tpu.wait_indirect_dma semaphore(%run_scoped3A_466 : memref<!tpu.dma_semaphore, #tpu.memory_space<semaphore_mem>>) src(%dma_wait3A_480 : memref<64x128xf32, #tpu.memory_space<vmem>>) dst(%dma_wait3A_486 : memref<10240x128xf32, #tpu.memory_space<vmem_shared>>)
      tpu.yield
    }) : () -> ()
    %dma_wait3A_220 = arith.constant 39 : i32
    %dma_wait3A_221 = arith.constant 3 : i32
    %dma_wait3A_222 = arith.constant 0 : i32
    %dma_wait3A_223 = arith.constant 0 : i32
    %dma_wait3A_224 = tpu.memref_slice %arg8[%dma_wait3A_221, %dma_wait3A_222, %dma_wait3A_223] : memref<4x64x128xf32, #tpu.memory_space<vmem>> -> memref<1x64x128xf32, #tpu.memory_space<vmem>>
    %dma_wait3A_225 = tpu.memref_squeeze %dma_wait3A_224 : memref<1x64x128xf32, #tpu.memory_space<vmem>> -> memref<64x128xf32, #tpu.memory_space<vmem>>
    %dma_wait3A_226 = arith.constant 0 : i32
    %dma_wait3A_227 = tpu.memref_slice %arg6[%dma_wait3A_220, %dma_wait3A_226] : memref<40x64xi32, #tpu.memory_space<vmem>> -> memref<1x64xi32, #tpu.memory_space<vmem>>
    %dma_wait3A_228 = tpu.memref_squeeze %dma_wait3A_227 : memref<1x64xi32, #tpu.memory_space<vmem>> -> memref<64xi32, #tpu.memory_space<vmem>>
    %dma_wait3A_229 = arith.constant 0 : i32
    %dma_wait3A_230 = arith.constant 0 : i32
    %dma_wait3A_231 = tpu.memref_slice %arg2[%dma_wait3A_229, %dma_wait3A_230] : memref<10000x128xf32, #tpu.memory_space<hbm>> -> memref<10000x128xf32, #tpu.memory_space<hbm>>
    tpu.wait_indirect_dma semaphore(%arg13 : memref<!tpu.dma_semaphore, #tpu.memory_space<semaphore_mem>>) src(%dma_wait3A_231 : memref<10000x128xf32, #tpu.memory_space<hbm>>) dst(%dma_wait3A_225 : memref<64x128xf32, #tpu.memory_space<vmem>>)
    %run_scoped3A_232 = arith.constant 3 : i32
    %run_scoped3A_233 = arith.constant 39 : i32
    "tpu.region"() ({
      %run_scoped3A_466 = tpu.sem_alloc : memref<!tpu.dma_semaphore, #tpu.memory_space<semaphore_mem>>
      %dma_start3A_467 = arith.constant 0 : i32
      %dma_start3A_468 = arith.constant 0 : i32
      %dma_start3A_469 = tpu.memref_slice %arg8[%run_scoped3A_232, %dma_start3A_467, %dma_start3A_468] : memref<4x64x128xf32, #tpu.memory_space<vmem>> -> memref<1x64x128xf32, #tpu.memory_space<vmem>>
      %dma_start3A_470 = tpu.memref_squeeze %dma_start3A_469 : memref<1x64x128xf32, #tpu.memory_space<vmem>> -> memref<64x128xf32, #tpu.memory_space<vmem>>
      %dma_start3A_471 = arith.constant 0 : i32
      %dma_start3A_472 = tpu.memref_slice %arg7[%run_scoped3A_233, %dma_start3A_471] : memref<40x64xi32, #tpu.memory_space<vmem>> -> memref<1x64xi32, #tpu.memory_space<vmem>>
      %dma_start3A_473 = tpu.memref_squeeze %dma_start3A_472 : memref<1x64xi32, #tpu.memory_space<vmem>> -> memref<64xi32, #tpu.memory_space<vmem>>
      %dma_start3A_474 = arith.constant 0 : i32
      %dma_start3A_475 = arith.constant 0 : i32
      %dma_start3A_476 = tpu.memref_slice %arg9[%dma_start3A_474, %dma_start3A_475] : memref<10240x128xf32, #tpu.memory_space<vmem_shared>> -> memref<10240x128xf32, #tpu.memory_space<vmem_shared>>
      tpu.enqueue_indirect_dma source(%dma_start3A_470 : memref<64x128xf32, #tpu.memory_space<vmem>>) target(%dma_start3A_476 : memref<10240x128xf32, #tpu.memory_space<vmem_shared>>) offsets(%dma_start3A_473 : memref<64xi32, #tpu.memory_space<vmem>>) semaphore(%run_scoped3A_466 : memref<!tpu.dma_semaphore, #tpu.memory_space<semaphore_mem>>) {add = true}
      %dma_wait3A_477 = arith.constant 0 : i32
      %dma_wait3A_478 = arith.constant 0 : i32
      %dma_wait3A_479 = tpu.memref_slice %arg8[%run_scoped3A_232, %dma_wait3A_477, %dma_wait3A_478] : memref<4x64x128xf32, #tpu.memory_space<vmem>> -> memref<1x64x128xf32, #tpu.memory_space<vmem>>
      %dma_wait3A_480 = tpu.memref_squeeze %dma_wait3A_479 : memref<1x64x128xf32, #tpu.memory_space<vmem>> -> memref<64x128xf32, #tpu.memory_space<vmem>>
      %dma_wait3A_481 = arith.constant 0 : i32
      %dma_wait3A_482 = tpu.memref_slice %arg7[%run_scoped3A_233, %dma_wait3A_481] : memref<40x64xi32, #tpu.memory_space<vmem>> -> memref<1x64xi32, #tpu.memory_space<vmem>>
      %dma_wait3A_483 = tpu.memref_squeeze %dma_wait3A_482 : memref<1x64xi32, #tpu.memory_space<vmem>> -> memref<64xi32, #tpu.memory_space<vmem>>
      %dma_wait3A_484 = arith.constant 0 : i32
      %dma_wait3A_485 = arith.constant 0 : i32
      %dma_wait3A_486 = tpu.memref_slice %arg9[%dma_wait3A_484, %dma_wait3A_485] : memref<10240x128xf32, #tpu.memory_space<vmem_shared>> -> memref<10240x128xf32, #tpu.memory_space<vmem_shared>>
      tpu.wait_indirect_dma semaphore(%run_scoped3A_466 : memref<!tpu.dma_semaphore, #tpu.memory_space<semaphore_mem>>) src(%dma_wait3A_480 : memref<64x128xf32, #tpu.memory_space<vmem>>) dst(%dma_wait3A_486 : memref<10240x128xf32, #tpu.memory_space<vmem_shared>>)
      tpu.yield
    }) : () -> ()
    %mul3A_234 = arith.constant 160 : i32
    %mul3A_235 = arith.muli %add3A, %mul3A_234 : i32
    %add3A_236 = arith.constant 80 : i32
    %add3A_237 = arith.addi %mul3A_235, %add3A_236 : i32
    "tpu.region"() ({
      %run_scoped3A_466 = tpu.sem_alloc : memref<!tpu.dma_semaphore, #tpu.memory_space<semaphore_mem>>
      %dma_start3A_467 = arith.constant 0 : i32
      %dma_start3A_468 = tpu.memref_slice %arg3[%add3A_237, %dma_start3A_467] : memref<5120x64xi32, #tpu.memory_space<hbm>> -> memref<40x64xi32, #tpu.memory_space<hbm>>
      %dma_start3A_469 = arith.constant 0 : i32
      %dma_start3A_470 = tpu.memref_slice %arg3[%add3A_237, %dma_start3A_469] : memref<5120x64xi32, #tpu.memory_space<hbm>> -> memref<40x64xi32, #tpu.memory_space<hbm>>
      tpu.enqueue_dma source(%dma_start3A_470 : memref<40x64xi32, #tpu.memory_space<hbm>>) target(%arg6 : memref<40x64xi32, #tpu.memory_space<vmem>>) target_semaphore(%run_scoped3A_466 : memref<!tpu.dma_semaphore, #tpu.memory_space<semaphore_mem>>)
      %dma_wait3A_471 = arith.constant 0 : i32
      %dma_wait3A_472 = tpu.memref_slice %arg3[%add3A_237, %dma_wait3A_471] : memref<5120x64xi32, #tpu.memory_space<hbm>> -> memref<40x64xi32, #tpu.memory_space<hbm>>
      %dma_wait3A_473 = arith.constant 0 : i32
      %dma_wait3A_474 = tpu.memref_slice %arg3[%add3A_237, %dma_wait3A_473] : memref<5120x64xi32, #tpu.memory_space<hbm>> -> memref<40x64xi32, #tpu.memory_space<hbm>>
      tpu.wait_dma2 semaphore(%run_scoped3A_466 : memref<!tpu.dma_semaphore, #tpu.memory_space<semaphore_mem>>) src(%dma_wait3A_474 : memref<40x64xi32, #tpu.memory_space<hbm>>) dst(%arg6 : memref<40x64xi32, #tpu.memory_space<vmem>>)
      tpu.yield
    }) : () -> ()
    "tpu.region"() ({
      %run_scoped3A_466 = tpu.sem_alloc : memref<!tpu.dma_semaphore, #tpu.memory_space<semaphore_mem>>
      %dma_start3A_467 = arith.constant 0 : i32
      %dma_start3A_468 = tpu.memref_slice %arg4[%add3A_237, %dma_start3A_467] : memref<5120x64xi32, #tpu.memory_space<hbm>> -> memref<40x64xi32, #tpu.memory_space<hbm>>
      %dma_start3A_469 = arith.constant 0 : i32
      %dma_start3A_470 = tpu.memref_slice %arg4[%add3A_237, %dma_start3A_469] : memref<5120x64xi32, #tpu.memory_space<hbm>> -> memref<40x64xi32, #tpu.memory_space<hbm>>
      tpu.enqueue_dma source(%dma_start3A_470 : memref<40x64xi32, #tpu.memory_space<hbm>>) target(%arg7 : memref<40x64xi32, #tpu.memory_space<vmem>>) target_semaphore(%run_scoped3A_466 : memref<!tpu.dma_semaphore, #tpu.memory_space<semaphore_mem>>)
      %dma_wait3A_471 = arith.constant 0 : i32
      %dma_wait3A_472 = tpu.memref_slice %arg4[%add3A_237, %dma_wait3A_471] : memref<5120x64xi32, #tpu.memory_space<hbm>> -> memref<40x64xi32, #tpu.memory_space<hbm>>
      %dma_wait3A_473 = arith.constant 0 : i32
      %dma_wait3A_474 = tpu.memref_slice %arg4[%add3A_237, %dma_wait3A_473] : memref<5120x64xi32, #tpu.memory_space<hbm>> -> memref<40x64xi32, #tpu.memory_space<hbm>>
      tpu.wait_dma2 semaphore(%run_scoped3A_466 : memref<!tpu.dma_semaphore, #tpu.memory_space<semaphore_mem>>) src(%dma_wait3A_474 : memref<40x64xi32, #tpu.memory_space<hbm>>) dst(%arg7 : memref<40x64xi32, #tpu.memory_space<vmem>>)
      tpu.yield
    }) : () -> ()
    %dma_start3A_238 = arith.constant 0 : i32
    %dma_start3A_239 = arith.constant 0 : i32
    %dma_start3A_240 = arith.constant 0 : i32
    %dma_start3A_241 = arith.constant 0 : i32
    %dma_start3A_242 = tpu.memref_slice %arg8[%dma_start3A_239, %dma_start3A_240, %dma_start3A_241] : memref<4x64x128xf32, #tpu.memory_space<vmem>> -> memref<1x64x128xf32, #tpu.memory_space<vmem>>
    %dma_start3A_243 = tpu.memref_squeeze %dma_start3A_242 : memref<1x64x128xf32, #tpu.memory_space<vmem>> -> memref<64x128xf32, #tpu.memory_space<vmem>>
    %dma_start3A_244 = arith.constant 0 : i32
    %dma_start3A_245 = tpu.memref_slice %arg6[%dma_start3A_238, %dma_start3A_244] : memref<40x64xi32, #tpu.memory_space<vmem>> -> memref<1x64xi32, #tpu.memory_space<vmem>>
    %dma_start3A_246 = tpu.memref_squeeze %dma_start3A_245 : memref<1x64xi32, #tpu.memory_space<vmem>> -> memref<64xi32, #tpu.memory_space<vmem>>
    %dma_start3A_247 = arith.constant 0 : i32
    %dma_start3A_248 = arith.constant 0 : i32
    %dma_start3A_249 = tpu.memref_slice %arg2[%dma_start3A_247, %dma_start3A_248] : memref<10000x128xf32, #tpu.memory_space<hbm>> -> memref<10000x128xf32, #tpu.memory_space<hbm>>
    tpu.enqueue_indirect_dma source(%dma_start3A_249 : memref<10000x128xf32, #tpu.memory_space<hbm>>) target(%dma_start3A_243 : memref<64x128xf32, #tpu.memory_space<vmem>>) offsets(%dma_start3A_246 : memref<64xi32, #tpu.memory_space<vmem>>) semaphore(%arg10 : memref<!tpu.dma_semaphore, #tpu.memory_space<semaphore_mem>>)
    %dma_start3A_250 = arith.constant 1 : i32
    %dma_start3A_251 = arith.constant 1 : i32
    %dma_start3A_252 = arith.constant 0 : i32
    %dma_start3A_253 = arith.constant 0 : i32
    %dma_start3A_254 = tpu.memref_slice %arg8[%dma_start3A_251, %dma_start3A_252, %dma_start3A_253] : memref<4x64x128xf32, #tpu.memory_space<vmem>> -> memref<1x64x128xf32, #tpu.memory_space<vmem>>
    %dma_start3A_255 = tpu.memref_squeeze %dma_start3A_254 : memref<1x64x128xf32, #tpu.memory_space<vmem>> -> memref<64x128xf32, #tpu.memory_space<vmem>>
    %dma_start3A_256 = arith.constant 0 : i32
    %dma_start3A_257 = tpu.memref_slice %arg6[%dma_start3A_250, %dma_start3A_256] : memref<40x64xi32, #tpu.memory_space<vmem>> -> memref<1x64xi32, #tpu.memory_space<vmem>>
    %dma_start3A_258 = tpu.memref_squeeze %dma_start3A_257 : memref<1x64xi32, #tpu.memory_space<vmem>> -> memref<64xi32, #tpu.memory_space<vmem>>
    %dma_start3A_259 = arith.constant 0 : i32
    %dma_start3A_260 = arith.constant 0 : i32
    %dma_start3A_261 = tpu.memref_slice %arg2[%dma_start3A_259, %dma_start3A_260] : memref<10000x128xf32, #tpu.memory_space<hbm>> -> memref<10000x128xf32, #tpu.memory_space<hbm>>
    tpu.enqueue_indirect_dma source(%dma_start3A_261 : memref<10000x128xf32, #tpu.memory_space<hbm>>) target(%dma_start3A_255 : memref<64x128xf32, #tpu.memory_space<vmem>>) offsets(%dma_start3A_258 : memref<64xi32, #tpu.memory_space<vmem>>) semaphore(%arg11 : memref<!tpu.dma_semaphore, #tpu.memory_space<semaphore_mem>>)
    %dma_start3A_262 = arith.constant 2 : i32
    %dma_start3A_263 = arith.constant 2 : i32
    %dma_start3A_264 = arith.constant 0 : i32
    %dma_start3A_265 = arith.constant 0 : i32
    %dma_start3A_266 = tpu.memref_slice %arg8[%dma_start3A_263, %dma_start3A_264, %dma_start3A_265] : memref<4x64x128xf32, #tpu.memory_space<vmem>> -> memref<1x64x128xf32, #tpu.memory_space<vmem>>
    %dma_start3A_267 = tpu.memref_squeeze %dma_start3A_266 : memref<1x64x128xf32, #tpu.memory_space<vmem>> -> memref<64x128xf32, #tpu.memory_space<vmem>>
    %dma_start3A_268 = arith.constant 0 : i32
    %dma_start3A_269 = tpu.memref_slice %arg6[%dma_start3A_262, %dma_start3A_268] : memref<40x64xi32, #tpu.memory_space<vmem>> -> memref<1x64xi32, #tpu.memory_space<vmem>>
    %dma_start3A_270 = tpu.memref_squeeze %dma_start3A_269 : memref<1x64xi32, #tpu.memory_space<vmem>> -> memref<64xi32, #tpu.memory_space<vmem>>
    %dma_start3A_271 = arith.constant 0 : i32
    %dma_start3A_272 = arith.constant 0 : i32
    %dma_start3A_273 = tpu.memref_slice %arg2[%dma_start3A_271, %dma_start3A_272] : memref<10000x128xf32, #tpu.memory_space<hbm>> -> memref<10000x128xf32, #tpu.memory_space<hbm>>
    tpu.enqueue_indirect_dma source(%dma_start3A_273 : memref<10000x128xf32, #tpu.memory_space<hbm>>) target(%dma_start3A_267 : memref<64x128xf32, #tpu.memory_space<vmem>>) offsets(%dma_start3A_270 : memref<64xi32, #tpu.memory_space<vmem>>) semaphore(%arg12 : memref<!tpu.dma_semaphore, #tpu.memory_space<semaphore_mem>>)
    %dma_start3A_274 = arith.constant 3 : i32
    %dma_start3A_275 = arith.constant 3 : i32
    %dma_start3A_276 = arith.constant 0 : i32
    %dma_start3A_277 = arith.constant 0 : i32
    %dma_start3A_278 = tpu.memref_slice %arg8[%dma_start3A_275, %dma_start3A_276, %dma_start3A_277] : memref<4x64x128xf32, #tpu.memory_space<vmem>> -> memref<1x64x128xf32, #tpu.memory_space<vmem>>
    %dma_start3A_279 = tpu.memref_squeeze %dma_start3A_278 : memref<1x64x128xf32, #tpu.memory_space<vmem>> -> memref<64x128xf32, #tpu.memory_space<vmem>>
    %dma_start3A_280 = arith.constant 0 : i32
    %dma_start3A_281 = tpu.memref_slice %arg6[%dma_start3A_274, %dma_start3A_280] : memref<40x64xi32, #tpu.memory_space<vmem>> -> memref<1x64xi32, #tpu.memory_space<vmem>>
    %dma_start3A_282 = tpu.memref_squeeze %dma_start3A_281 : memref<1x64xi32, #tpu.memory_space<vmem>> -> memref<64xi32, #tpu.memory_space<vmem>>
    %dma_start3A_283 = arith.constant 0 : i32
    %dma_start3A_284 = arith.constant 0 : i32
    %dma_start3A_285 = tpu.memref_slice %arg2[%dma_start3A_283, %dma_start3A_284] : memref<10000x128xf32, #tpu.memory_space<hbm>> -> memref<10000x128xf32, #tpu.memory_space<hbm>>
    tpu.enqueue_indirect_dma source(%dma_start3A_285 : memref<10000x128xf32, #tpu.memory_space<hbm>>) target(%dma_start3A_279 : memref<64x128xf32, #tpu.memory_space<vmem>>) offsets(%dma_start3A_282 : memref<64xi32, #tpu.memory_space<vmem>>) semaphore(%arg13 : memref<!tpu.dma_semaphore, #tpu.memory_space<semaphore_mem>>)
    %scan3A_286 = arith.constant 0 : i32
    %scan3A_287 = arith.constant 9 : i32
    %scan3A_288 = arith.addi %scan3A_286, %scan3A_287 : i32
    %scan3A_289 = arith.constant 1 : i32
    scf.for %scan3A_466 = %scan3A_286 to %scan3A_288 step %scan3A_289  : i32 {
      %mul3A_467 = arith.constant 1 : i32
      %mul3A_468 = arith.muli %scan3A_466, %mul3A_467 : i32
      %add3A_469 = arith.constant 0 : i32
      %add3A_470 = arith.addi %add3A_469, %mul3A_468 : i32
      %mul3A_471 = arith.constant 4 : i32
      %mul3A_472 = arith.muli %add3A_470, %mul3A_471 : i32
      %add3A_473 = arith.constant 0 : i32
      %add3A_474 = arith.addi %mul3A_472, %add3A_473 : i32
      %dma_wait3A_475 = arith.constant 0 : i32
      %dma_wait3A_476 = arith.constant 0 : i32
      %dma_wait3A_477 = arith.constant 0 : i32
      %dma_wait3A_478 = tpu.memref_slice %arg8[%dma_wait3A_475, %dma_wait3A_476, %dma_wait3A_477] : memref<4x64x128xf32, #tpu.memory_space<vmem>> -> memref<1x64x128xf32, #tpu.memory_space<vmem>>
      %dma_wait3A_479 = tpu.memref_squeeze %dma_wait3A_478 : memref<1x64x128xf32, #tpu.memory_space<vmem>> -> memref<64x128xf32, #tpu.memory_space<vmem>>
      %dma_wait3A_480 = arith.constant 0 : i32
      %dma_wait3A_481 = tpu.memref_slice %arg6[%add3A_474, %dma_wait3A_480] : memref<40x64xi32, #tpu.memory_space<vmem>> -> memref<1x64xi32, #tpu.memory_space<vmem>>
      %dma_wait3A_482 = tpu.memref_squeeze %dma_wait3A_481 : memref<1x64xi32, #tpu.memory_space<vmem>> -> memref<64xi32, #tpu.memory_space<vmem>>
      %dma_wait3A_483 = arith.constant 0 : i32
      %dma_wait3A_484 = arith.constant 0 : i32
      %dma_wait3A_485 = tpu.memref_slice %arg2[%dma_wait3A_483, %dma_wait3A_484] : memref<10000x128xf32, #tpu.memory_space<hbm>> -> memref<10000x128xf32, #tpu.memory_space<hbm>>
      tpu.wait_indirect_dma semaphore(%arg10 : memref<!tpu.dma_semaphore, #tpu.memory_space<semaphore_mem>>) src(%dma_wait3A_485 : memref<10000x128xf32, #tpu.memory_space<hbm>>) dst(%dma_wait3A_479 : memref<64x128xf32, #tpu.memory_space<vmem>>)
      %run_scoped3A_486 = arith.constant 0 : i32
      "tpu.region"() ({
        %run_scoped3A_587 = tpu.sem_alloc : memref<!tpu.dma_semaphore, #tpu.memory_space<semaphore_mem>>
        %dma_start3A_588 = arith.constant 0 : i32
        %dma_start3A_589 = arith.constant 0 : i32
        %dma_start3A_590 = tpu.memref_slice %arg8[%run_scoped3A_486, %dma_start3A_588, %dma_start3A_589] : memref<4x64x128xf32, #tpu.memory_space<vmem>> -> memref<1x64x128xf32, #tpu.memory_space<vmem>>
        %dma_start3A_591 = tpu.memref_squeeze %dma_start3A_590 : memref<1x64x128xf32, #tpu.memory_space<vmem>> -> memref<64x128xf32, #tpu.memory_space<vmem>>
        %dma_start3A_592 = arith.constant 0 : i32
        %dma_start3A_593 = tpu.memref_slice %arg7[%add3A_474, %dma_start3A_592] : memref<40x64xi32, #tpu.memory_space<vmem>> -> memref<1x64xi32, #tpu.memory_space<vmem>>
        %dma_start3A_594 = tpu.memref_squeeze %dma_start3A_593 : memref<1x64xi32, #tpu.memory_space<vmem>> -> memref<64xi32, #tpu.memory_space<vmem>>
        %dma_start3A_595 = arith.constant 0 : i32
        %dma_start3A_596 = arith.constant 0 : i32
        %dma_start3A_597 = tpu.memref_slice %arg9[%dma_start3A_595, %dma_start3A_596] : memref<10240x128xf32, #tpu.memory_space<vmem_shared>> -> memref<10240x128xf32, #tpu.memory_space<vmem_shared>>
        tpu.enqueue_indirect_dma source(%dma_start3A_591 : memref<64x128xf32, #tpu.memory_space<vmem>>) target(%dma_start3A_597 : memref<10240x128xf32, #tpu.memory_space<vmem_shared>>) offsets(%dma_start3A_594 : memref<64xi32, #tpu.memory_space<vmem>>) semaphore(%run_scoped3A_587 : memref<!tpu.dma_semaphore, #tpu.memory_space<semaphore_mem>>) {add = true}
        %dma_wait3A_598 = arith.constant 0 : i32
        %dma_wait3A_599 = arith.constant 0 : i32
        %dma_wait3A_600 = tpu.memref_slice %arg8[%run_scoped3A_486, %dma_wait3A_598, %dma_wait3A_599] : memref<4x64x128xf32, #tpu.memory_space<vmem>> -> memref<1x64x128xf32, #tpu.memory_space<vmem>>
        %dma_wait3A_601 = tpu.memref_squeeze %dma_wait3A_600 : memref<1x64x128xf32, #tpu.memory_space<vmem>> -> memref<64x128xf32, #tpu.memory_space<vmem>>
        %dma_wait3A_602 = arith.constant 0 : i32
        %dma_wait3A_603 = tpu.memref_slice %arg7[%add3A_474, %dma_wait3A_602] : memref<40x64xi32, #tpu.memory_space<vmem>> -> memref<1x64xi32, #tpu.memory_space<vmem>>
        %dma_wait3A_604 = tpu.memref_squeeze %dma_wait3A_603 : memref<1x64xi32, #tpu.memory_space<vmem>> -> memref<64xi32, #tpu.memory_space<vmem>>
        %dma_wait3A_605 = arith.constant 0 : i32
        %dma_wait3A_606 = arith.constant 0 : i32
        %dma_wait3A_607 = tpu.memref_slice %arg9[%dma_wait3A_605, %dma_wait3A_606] : memref<10240x128xf32, #tpu.memory_space<vmem_shared>> -> memref<10240x128xf32, #tpu.memory_space<vmem_shared>>
        tpu.wait_indirect_dma semaphore(%run_scoped3A_587 : memref<!tpu.dma_semaphore, #tpu.memory_space<semaphore_mem>>) src(%dma_wait3A_601 : memref<64x128xf32, #tpu.memory_space<vmem>>) dst(%dma_wait3A_607 : memref<10240x128xf32, #tpu.memory_space<vmem_shared>>)
        tpu.yield
      }) : () -> ()
      %add3A_487 = arith.constant 4 : i32
      %add3A_488 = arith.addi %add3A_474, %add3A_487 : i32
      %dma_start3A_489 = arith.constant 0 : i32
      %dma_start3A_490 = arith.constant 0 : i32
      %dma_start3A_491 = arith.constant 0 : i32
      %dma_start3A_492 = tpu.memref_slice %arg8[%dma_start3A_489, %dma_start3A_490, %dma_start3A_491] : memref<4x64x128xf32, #tpu.memory_space<vmem>> -> memref<1x64x128xf32, #tpu.memory_space<vmem>>
      %dma_start3A_493 = tpu.memref_squeeze %dma_start3A_492 : memref<1x64x128xf32, #tpu.memory_space<vmem>> -> memref<64x128xf32, #tpu.memory_space<vmem>>
      %dma_start3A_494 = arith.constant 0 : i32
      %dma_start3A_495 = tpu.memref_slice %arg6[%add3A_488, %dma_start3A_494] : memref<40x64xi32, #tpu.memory_space<vmem>> -> memref<1x64xi32, #tpu.memory_space<vmem>>
      %dma_start3A_496 = tpu.memref_squeeze %dma_start3A_495 : memref<1x64xi32, #tpu.memory_space<vmem>> -> memref<64xi32, #tpu.memory_space<vmem>>
      %dma_start3A_497 = arith.constant 0 : i32
      %dma_start3A_498 = arith.constant 0 : i32
      %dma_start3A_499 = tpu.memref_slice %arg2[%dma_start3A_497, %dma_start3A_498] : memref<10000x128xf32, #tpu.memory_space<hbm>> -> memref<10000x128xf32, #tpu.memory_space<hbm>>
      tpu.enqueue_indirect_dma source(%dma_start3A_499 : memref<10000x128xf32, #tpu.memory_space<hbm>>) target(%dma_start3A_493 : memref<64x128xf32, #tpu.memory_space<vmem>>) offsets(%dma_start3A_496 : memref<64xi32, #tpu.memory_space<vmem>>) semaphore(%arg10 : memref<!tpu.dma_semaphore, #tpu.memory_space<semaphore_mem>>)
      %mul3A_500 = arith.constant 4 : i32
      %mul3A_501 = arith.muli %add3A_470, %mul3A_500 : i32
      %add3A_502 = arith.constant 1 : i32
      %add3A_503 = arith.addi %mul3A_501, %add3A_502 : i32
      %dma_wait3A_504 = arith.constant 1 : i32
      %dma_wait3A_505 = arith.constant 0 : i32
      %dma_wait3A_506 = arith.constant 0 : i32
      %dma_wait3A_507 = tpu.memref_slice %arg8[%dma_wait3A_504, %dma_wait3A_505, %dma_wait3A_506] : memref<4x64x128xf32, #tpu.memory_space<vmem>> -> memref<1x64x128xf32, #tpu.memory_space<vmem>>
      %dma_wait3A_508 = tpu.memref_squeeze %dma_wait3A_507 : memref<1x64x128xf32, #tpu.memory_space<vmem>> -> memref<64x128xf32, #tpu.memory_space<vmem>>
      %dma_wait3A_509 = arith.constant 0 : i32
      %dma_wait3A_510 = tpu.memref_slice %arg6[%add3A_503, %dma_wait3A_509] : memref<40x64xi32, #tpu.memory_space<vmem>> -> memref<1x64xi32, #tpu.memory_space<vmem>>
      %dma_wait3A_511 = tpu.memref_squeeze %dma_wait3A_510 : memref<1x64xi32, #tpu.memory_space<vmem>> -> memref<64xi32, #tpu.memory_space<vmem>>
      %dma_wait3A_512 = arith.constant 0 : i32
      %dma_wait3A_513 = arith.constant 0 : i32
      %dma_wait3A_514 = tpu.memref_slice %arg2[%dma_wait3A_512, %dma_wait3A_513] : memref<10000x128xf32, #tpu.memory_space<hbm>> -> memref<10000x128xf32, #tpu.memory_space<hbm>>
      tpu.wait_indirect_dma semaphore(%arg11 : memref<!tpu.dma_semaphore, #tpu.memory_space<semaphore_mem>>) src(%dma_wait3A_514 : memref<10000x128xf32, #tpu.memory_space<hbm>>) dst(%dma_wait3A_508 : memref<64x128xf32, #tpu.memory_space<vmem>>)
      %run_scoped3A_515 = arith.constant 1 : i32
      "tpu.region"() ({
        %run_scoped3A_587 = tpu.sem_alloc : memref<!tpu.dma_semaphore, #tpu.memory_space<semaphore_mem>>
        %dma_start3A_588 = arith.constant 0 : i32
        %dma_start3A_589 = arith.constant 0 : i32
        %dma_start3A_590 = tpu.memref_slice %arg8[%run_scoped3A_515, %dma_start3A_588, %dma_start3A_589] : memref<4x64x128xf32, #tpu.memory_space<vmem>> -> memref<1x64x128xf32, #tpu.memory_space<vmem>>
        %dma_start3A_591 = tpu.memref_squeeze %dma_start3A_590 : memref<1x64x128xf32, #tpu.memory_space<vmem>> -> memref<64x128xf32, #tpu.memory_space<vmem>>
        %dma_start3A_592 = arith.constant 0 : i32
        %dma_start3A_593 = tpu.memref_slice %arg7[%add3A_503, %dma_start3A_592] : memref<40x64xi32, #tpu.memory_space<vmem>> -> memref<1x64xi32, #tpu.memory_space<vmem>>
        %dma_start3A_594 = tpu.memref_squeeze %dma_start3A_593 : memref<1x64xi32, #tpu.memory_space<vmem>> -> memref<64xi32, #tpu.memory_space<vmem>>
        %dma_start3A_595 = arith.constant 0 : i32
        %dma_start3A_596 = arith.constant 0 : i32
        %dma_start3A_597 = tpu.memref_slice %arg9[%dma_start3A_595, %dma_start3A_596] : memref<10240x128xf32, #tpu.memory_space<vmem_shared>> -> memref<10240x128xf32, #tpu.memory_space<vmem_shared>>
        tpu.enqueue_indirect_dma source(%dma_start3A_591 : memref<64x128xf32, #tpu.memory_space<vmem>>) target(%dma_start3A_597 : memref<10240x128xf32, #tpu.memory_space<vmem_shared>>) offsets(%dma_start3A_594 : memref<64xi32, #tpu.memory_space<vmem>>) semaphore(%run_scoped3A_587 : memref<!tpu.dma_semaphore, #tpu.memory_space<semaphore_mem>>) {add = true}
        %dma_wait3A_598 = arith.constant 0 : i32
        %dma_wait3A_599 = arith.constant 0 : i32
        %dma_wait3A_600 = tpu.memref_slice %arg8[%run_scoped3A_515, %dma_wait3A_598, %dma_wait3A_599] : memref<4x64x128xf32, #tpu.memory_space<vmem>> -> memref<1x64x128xf32, #tpu.memory_space<vmem>>
        %dma_wait3A_601 = tpu.memref_squeeze %dma_wait3A_600 : memref<1x64x128xf32, #tpu.memory_space<vmem>> -> memref<64x128xf32, #tpu.memory_space<vmem>>
        %dma_wait3A_602 = arith.constant 0 : i32
        %dma_wait3A_603 = tpu.memref_slice %arg7[%add3A_503, %dma_wait3A_602] : memref<40x64xi32, #tpu.memory_space<vmem>> -> memref<1x64xi32, #tpu.memory_space<vmem>>
        %dma_wait3A_604 = tpu.memref_squeeze %dma_wait3A_603 : memref<1x64xi32, #tpu.memory_space<vmem>> -> memref<64xi32, #tpu.memory_space<vmem>>
        %dma_wait3A_605 = arith.constant 0 : i32
        %dma_wait3A_606 = arith.constant 0 : i32
        %dma_wait3A_607 = tpu.memref_slice %arg9[%dma_wait3A_605, %dma_wait3A_606] : memref<10240x128xf32, #tpu.memory_space<vmem_shared>> -> memref<10240x128xf32, #tpu.memory_space<vmem_shared>>
        tpu.wait_indirect_dma semaphore(%run_scoped3A_587 : memref<!tpu.dma_semaphore, #tpu.memory_space<semaphore_mem>>) src(%dma_wait3A_601 : memref<64x128xf32, #tpu.memory_space<vmem>>) dst(%dma_wait3A_607 : memref<10240x128xf32, #tpu.memory_space<vmem_shared>>)
        tpu.yield
      }) : () -> ()
      %add3A_516 = arith.constant 4 : i32
      %add3A_517 = arith.addi %add3A_503, %add3A_516 : i32
      %dma_start3A_518 = arith.constant 1 : i32
      %dma_start3A_519 = arith.constant 0 : i32
      %dma_start3A_520 = arith.constant 0 : i32
      %dma_start3A_521 = tpu.memref_slice %arg8[%dma_start3A_518, %dma_start3A_519, %dma_start3A_520] : memref<4x64x128xf32, #tpu.memory_space<vmem>> -> memref<1x64x128xf32, #tpu.memory_space<vmem>>
      %dma_start3A_522 = tpu.memref_squeeze %dma_start3A_521 : memref<1x64x128xf32, #tpu.memory_space<vmem>> -> memref<64x128xf32, #tpu.memory_space<vmem>>
      %dma_start3A_523 = arith.constant 0 : i32
      %dma_start3A_524 = tpu.memref_slice %arg6[%add3A_517, %dma_start3A_523] : memref<40x64xi32, #tpu.memory_space<vmem>> -> memref<1x64xi32, #tpu.memory_space<vmem>>
      %dma_start3A_525 = tpu.memref_squeeze %dma_start3A_524 : memref<1x64xi32, #tpu.memory_space<vmem>> -> memref<64xi32, #tpu.memory_space<vmem>>
      %dma_start3A_526 = arith.constant 0 : i32
      %dma_start3A_527 = arith.constant 0 : i32
      %dma_start3A_528 = tpu.memref_slice %arg2[%dma_start3A_526, %dma_start3A_527] : memref<10000x128xf32, #tpu.memory_space<hbm>> -> memref<10000x128xf32, #tpu.memory_space<hbm>>
      tpu.enqueue_indirect_dma source(%dma_start3A_528 : memref<10000x128xf32, #tpu.memory_space<hbm>>) target(%dma_start3A_522 : memref<64x128xf32, #tpu.memory_space<vmem>>) offsets(%dma_start3A_525 : memref<64xi32, #tpu.memory_space<vmem>>) semaphore(%arg11 : memref<!tpu.dma_semaphore, #tpu.memory_space<semaphore_mem>>)
      %mul3A_529 = arith.constant 4 : i32
      %mul3A_530 = arith.muli %add3A_470, %mul3A_529 : i32
      %add3A_531 = arith.constant 2 : i32
      %add3A_532 = arith.addi %mul3A_530, %add3A_531 : i32
      %dma_wait3A_533 = arith.constant 2 : i32
      %dma_wait3A_534 = arith.constant 0 : i32
      %dma_wait3A_535 = arith.constant 0 : i32
      %dma_wait3A_536 = tpu.memref_slice %arg8[%dma_wait3A_533, %dma_wait3A_534, %dma_wait3A_535] : memref<4x64x128xf32, #tpu.memory_space<vmem>> -> memref<1x64x128xf32, #tpu.memory_space<vmem>>
      %dma_wait3A_537 = tpu.memref_squeeze %dma_wait3A_536 : memref<1x64x128xf32, #tpu.memory_space<vmem>> -> memref<64x128xf32, #tpu.memory_space<vmem>>
      %dma_wait3A_538 = arith.constant 0 : i32
      %dma_wait3A_539 = tpu.memref_slice %arg6[%add3A_532, %dma_wait3A_538] : memref<40x64xi32, #tpu.memory_space<vmem>> -> memref<1x64xi32, #tpu.memory_space<vmem>>
      %dma_wait3A_540 = tpu.memref_squeeze %dma_wait3A_539 : memref<1x64xi32, #tpu.memory_space<vmem>> -> memref<64xi32, #tpu.memory_space<vmem>>
      %dma_wait3A_541 = arith.constant 0 : i32
      %dma_wait3A_542 = arith.constant 0 : i32
      %dma_wait3A_543 = tpu.memref_slice %arg2[%dma_wait3A_541, %dma_wait3A_542] : memref<10000x128xf32, #tpu.memory_space<hbm>> -> memref<10000x128xf32, #tpu.memory_space<hbm>>
      tpu.wait_indirect_dma semaphore(%arg12 : memref<!tpu.dma_semaphore, #tpu.memory_space<semaphore_mem>>) src(%dma_wait3A_543 : memref<10000x128xf32, #tpu.memory_space<hbm>>) dst(%dma_wait3A_537 : memref<64x128xf32, #tpu.memory_space<vmem>>)
      %run_scoped3A_544 = arith.constant 2 : i32
      "tpu.region"() ({
        %run_scoped3A_587 = tpu.sem_alloc : memref<!tpu.dma_semaphore, #tpu.memory_space<semaphore_mem>>
        %dma_start3A_588 = arith.constant 0 : i32
        %dma_start3A_589 = arith.constant 0 : i32
        %dma_start3A_590 = tpu.memref_slice %arg8[%run_scoped3A_544, %dma_start3A_588, %dma_start3A_589] : memref<4x64x128xf32, #tpu.memory_space<vmem>> -> memref<1x64x128xf32, #tpu.memory_space<vmem>>
        %dma_start3A_591 = tpu.memref_squeeze %dma_start3A_590 : memref<1x64x128xf32, #tpu.memory_space<vmem>> -> memref<64x128xf32, #tpu.memory_space<vmem>>
        %dma_start3A_592 = arith.constant 0 : i32
        %dma_start3A_593 = tpu.memref_slice %arg7[%add3A_532, %dma_start3A_592] : memref<40x64xi32, #tpu.memory_space<vmem>> -> memref<1x64xi32, #tpu.memory_space<vmem>>
        %dma_start3A_594 = tpu.memref_squeeze %dma_start3A_593 : memref<1x64xi32, #tpu.memory_space<vmem>> -> memref<64xi32, #tpu.memory_space<vmem>>
        %dma_start3A_595 = arith.constant 0 : i32
        %dma_start3A_596 = arith.constant 0 : i32
        %dma_start3A_597 = tpu.memref_slice %arg9[%dma_start3A_595, %dma_start3A_596] : memref<10240x128xf32, #tpu.memory_space<vmem_shared>> -> memref<10240x128xf32, #tpu.memory_space<vmem_shared>>
        tpu.enqueue_indirect_dma source(%dma_start3A_591 : memref<64x128xf32, #tpu.memory_space<vmem>>) target(%dma_start3A_597 : memref<10240x128xf32, #tpu.memory_space<vmem_shared>>) offsets(%dma_start3A_594 : memref<64xi32, #tpu.memory_space<vmem>>) semaphore(%run_scoped3A_587 : memref<!tpu.dma_semaphore, #tpu.memory_space<semaphore_mem>>) {add = true}
        %dma_wait3A_598 = arith.constant 0 : i32
        %dma_wait3A_599 = arith.constant 0 : i32
        %dma_wait3A_600 = tpu.memref_slice %arg8[%run_scoped3A_544, %dma_wait3A_598, %dma_wait3A_599] : memref<4x64x128xf32, #tpu.memory_space<vmem>> -> memref<1x64x128xf32, #tpu.memory_space<vmem>>
        %dma_wait3A_601 = tpu.memref_squeeze %dma_wait3A_600 : memref<1x64x128xf32, #tpu.memory_space<vmem>> -> memref<64x128xf32, #tpu.memory_space<vmem>>
        %dma_wait3A_602 = arith.constant 0 : i32
        %dma_wait3A_603 = tpu.memref_slice %arg7[%add3A_532, %dma_wait3A_602] : memref<40x64xi32, #tpu.memory_space<vmem>> -> memref<1x64xi32, #tpu.memory_space<vmem>>
        %dma_wait3A_604 = tpu.memref_squeeze %dma_wait3A_603 : memref<1x64xi32, #tpu.memory_space<vmem>> -> memref<64xi32, #tpu.memory_space<vmem>>
        %dma_wait3A_605 = arith.constant 0 : i32
        %dma_wait3A_606 = arith.constant 0 : i32
        %dma_wait3A_607 = tpu.memref_slice %arg9[%dma_wait3A_605, %dma_wait3A_606] : memref<10240x128xf32, #tpu.memory_space<vmem_shared>> -> memref<10240x128xf32, #tpu.memory_space<vmem_shared>>
        tpu.wait_indirect_dma semaphore(%run_scoped3A_587 : memref<!tpu.dma_semaphore, #tpu.memory_space<semaphore_mem>>) src(%dma_wait3A_601 : memref<64x128xf32, #tpu.memory_space<vmem>>) dst(%dma_wait3A_607 : memref<10240x128xf32, #tpu.memory_space<vmem_shared>>)
        tpu.yield
      }) : () -> ()
      %add3A_545 = arith.constant 4 : i32
      %add3A_546 = arith.addi %add3A_532, %add3A_545 : i32
      %dma_start3A_547 = arith.constant 2 : i32
      %dma_start3A_548 = arith.constant 0 : i32
      %dma_start3A_549 = arith.constant 0 : i32
      %dma_start3A_550 = tpu.memref_slice %arg8[%dma_start3A_547, %dma_start3A_548, %dma_start3A_549] : memref<4x64x128xf32, #tpu.memory_space<vmem>> -> memref<1x64x128xf32, #tpu.memory_space<vmem>>
      %dma_start3A_551 = tpu.memref_squeeze %dma_start3A_550 : memref<1x64x128xf32, #tpu.memory_space<vmem>> -> memref<64x128xf32, #tpu.memory_space<vmem>>
      %dma_start3A_552 = arith.constant 0 : i32
      %dma_start3A_553 = tpu.memref_slice %arg6[%add3A_546, %dma_start3A_552] : memref<40x64xi32, #tpu.memory_space<vmem>> -> memref<1x64xi32, #tpu.memory_space<vmem>>
      %dma_start3A_554 = tpu.memref_squeeze %dma_start3A_553 : memref<1x64xi32, #tpu.memory_space<vmem>> -> memref<64xi32, #tpu.memory_space<vmem>>
      %dma_start3A_555 = arith.constant 0 : i32
      %dma_start3A_556 = arith.constant 0 : i32
      %dma_start3A_557 = tpu.memref_slice %arg2[%dma_start3A_555, %dma_start3A_556] : memref<10000x128xf32, #tpu.memory_space<hbm>> -> memref<10000x128xf32, #tpu.memory_space<hbm>>
      tpu.enqueue_indirect_dma source(%dma_start3A_557 : memref<10000x128xf32, #tpu.memory_space<hbm>>) target(%dma_start3A_551 : memref<64x128xf32, #tpu.memory_space<vmem>>) offsets(%dma_start3A_554 : memref<64xi32, #tpu.memory_space<vmem>>) semaphore(%arg12 : memref<!tpu.dma_semaphore, #tpu.memory_space<semaphore_mem>>)
      %mul3A_558 = arith.constant 4 : i32
      %mul3A_559 = arith.muli %add3A_470, %mul3A_558 : i32
      %add3A_560 = arith.constant 3 : i32
      %add3A_561 = arith.addi %mul3A_559, %add3A_560 : i32
      %dma_wait3A_562 = arith.constant 3 : i32
      %dma_wait3A_563 = arith.constant 0 : i32
      %dma_wait3A_564 = arith.constant 0 : i32
      %dma_wait3A_565 = tpu.memref_slice %arg8[%dma_wait3A_562, %dma_wait3A_563, %dma_wait3A_564] : memref<4x64x128xf32, #tpu.memory_space<vmem>> -> memref<1x64x128xf32, #tpu.memory_space<vmem>>
      %dma_wait3A_566 = tpu.memref_squeeze %dma_wait3A_565 : memref<1x64x128xf32, #tpu.memory_space<vmem>> -> memref<64x128xf32, #tpu.memory_space<vmem>>
      %dma_wait3A_567 = arith.constant 0 : i32
      %dma_wait3A_568 = tpu.memref_slice %arg6[%add3A_561, %dma_wait3A_567] : memref<40x64xi32, #tpu.memory_space<vmem>> -> memref<1x64xi32, #tpu.memory_space<vmem>>
      %dma_wait3A_569 = tpu.memref_squeeze %dma_wait3A_568 : memref<1x64xi32, #tpu.memory_space<vmem>> -> memref<64xi32, #tpu.memory_space<vmem>>
      %dma_wait3A_570 = arith.constant 0 : i32
      %dma_wait3A_571 = arith.constant 0 : i32
      %dma_wait3A_572 = tpu.memref_slice %arg2[%dma_wait3A_570, %dma_wait3A_571] : memref<10000x128xf32, #tpu.memory_space<hbm>> -> memref<10000x128xf32, #tpu.memory_space<hbm>>
      tpu.wait_indirect_dma semaphore(%arg13 : memref<!tpu.dma_semaphore, #tpu.memory_space<semaphore_mem>>) src(%dma_wait3A_572 : memref<10000x128xf32, #tpu.memory_space<hbm>>) dst(%dma_wait3A_566 : memref<64x128xf32, #tpu.memory_space<vmem>>)
      %run_scoped3A_573 = arith.constant 3 : i32
      "tpu.region"() ({
        %run_scoped3A_587 = tpu.sem_alloc : memref<!tpu.dma_semaphore, #tpu.memory_space<semaphore_mem>>
        %dma_start3A_588 = arith.constant 0 : i32
        %dma_start3A_589 = arith.constant 0 : i32
        %dma_start3A_590 = tpu.memref_slice %arg8[%run_scoped3A_573, %dma_start3A_588, %dma_start3A_589] : memref<4x64x128xf32, #tpu.memory_space<vmem>> -> memref<1x64x128xf32, #tpu.memory_space<vmem>>
        %dma_start3A_591 = tpu.memref_squeeze %dma_start3A_590 : memref<1x64x128xf32, #tpu.memory_space<vmem>> -> memref<64x128xf32, #tpu.memory_space<vmem>>
        %dma_start3A_592 = arith.constant 0 : i32
        %dma_start3A_593 = tpu.memref_slice %arg7[%add3A_561, %dma_start3A_592] : memref<40x64xi32, #tpu.memory_space<vmem>> -> memref<1x64xi32, #tpu.memory_space<vmem>>
        %dma_start3A_594 = tpu.memref_squeeze %dma_start3A_593 : memref<1x64xi32, #tpu.memory_space<vmem>> -> memref<64xi32, #tpu.memory_space<vmem>>
        %dma_start3A_595 = arith.constant 0 : i32
        %dma_start3A_596 = arith.constant 0 : i32
        %dma_start3A_597 = tpu.memref_slice %arg9[%dma_start3A_595, %dma_start3A_596] : memref<10240x128xf32, #tpu.memory_space<vmem_shared>> -> memref<10240x128xf32, #tpu.memory_space<vmem_shared>>
        tpu.enqueue_indirect_dma source(%dma_start3A_591 : memref<64x128xf32, #tpu.memory_space<vmem>>) target(%dma_start3A_597 : memref<10240x128xf32, #tpu.memory_space<vmem_shared>>) offsets(%dma_start3A_594 : memref<64xi32, #tpu.memory_space<vmem>>) semaphore(%run_scoped3A_587 : memref<!tpu.dma_semaphore, #tpu.memory_space<semaphore_mem>>) {add = true}
        %dma_wait3A_598 = arith.constant 0 : i32
        %dma_wait3A_599 = arith.constant 0 : i32
        %dma_wait3A_600 = tpu.memref_slice %arg8[%run_scoped3A_573, %dma_wait3A_598, %dma_wait3A_599] : memref<4x64x128xf32, #tpu.memory_space<vmem>> -> memref<1x64x128xf32, #tpu.memory_space<vmem>>
        %dma_wait3A_601 = tpu.memref_squeeze %dma_wait3A_600 : memref<1x64x128xf32, #tpu.memory_space<vmem>> -> memref<64x128xf32, #tpu.memory_space<vmem>>
        %dma_wait3A_602 = arith.constant 0 : i32
        %dma_wait3A_603 = tpu.memref_slice %arg7[%add3A_561, %dma_wait3A_602] : memref<40x64xi32, #tpu.memory_space<vmem>> -> memref<1x64xi32, #tpu.memory_space<vmem>>
        %dma_wait3A_604 = tpu.memref_squeeze %dma_wait3A_603 : memref<1x64xi32, #tpu.memory_space<vmem>> -> memref<64xi32, #tpu.memory_space<vmem>>
        %dma_wait3A_605 = arith.constant 0 : i32
        %dma_wait3A_606 = arith.constant 0 : i32
        %dma_wait3A_607 = tpu.memref_slice %arg9[%dma_wait3A_605, %dma_wait3A_606] : memref<10240x128xf32, #tpu.memory_space<vmem_shared>> -> memref<10240x128xf32, #tpu.memory_space<vmem_shared>>
        tpu.wait_indirect_dma semaphore(%run_scoped3A_587 : memref<!tpu.dma_semaphore, #tpu.memory_space<semaphore_mem>>) src(%dma_wait3A_601 : memref<64x128xf32, #tpu.memory_space<vmem>>) dst(%dma_wait3A_607 : memref<10240x128xf32, #tpu.memory_space<vmem_shared>>)
        tpu.yield
      }) : () -> ()
      %add3A_574 = arith.constant 4 : i32
      %add3A_575 = arith.addi %add3A_561, %add3A_574 : i32
      %dma_start3A_576 = arith.constant 3 : i32
      %dma_start3A_577 = arith.constant 0 : i32
      %dma_start3A_578 = arith.constant 0 : i32
      %dma_start3A_579 = tpu.memref_slice %arg8[%dma_start3A_576, %dma_start3A_577, %dma_start3A_578] : memref<4x64x128xf32, #tpu.memory_space<vmem>> -> memref<1x64x128xf32, #tpu.memory_space<vmem>>
      %dma_start3A_580 = tpu.memref_squeeze %dma_start3A_579 : memref<1x64x128xf32, #tpu.memory_space<vmem>> -> memref<64x128xf32, #tpu.memory_space<vmem>>
      %dma_start3A_581 = arith.constant 0 : i32
      %dma_start3A_582 = tpu.memref_slice %arg6[%add3A_575, %dma_start3A_581] : memref<40x64xi32, #tpu.memory_space<vmem>> -> memref<1x64xi32, #tpu.memory_space<vmem>>
      %dma_start3A_583 = tpu.memref_squeeze %dma_start3A_582 : memref<1x64xi32, #tpu.memory_space<vmem>> -> memref<64xi32, #tpu.memory_space<vmem>>
      %dma_start3A_584 = arith.constant 0 : i32
      %dma_start3A_585 = arith.constant 0 : i32
      %dma_start3A_586 = tpu.memref_slice %arg2[%dma_start3A_584, %dma_start3A_585] : memref<10000x128xf32, #tpu.memory_space<hbm>> -> memref<10000x128xf32, #tpu.memory_space<hbm>>
      tpu.enqueue_indirect_dma source(%dma_start3A_586 : memref<10000x128xf32, #tpu.memory_space<hbm>>) target(%dma_start3A_580 : memref<64x128xf32, #tpu.memory_space<vmem>>) offsets(%dma_start3A_583 : memref<64xi32, #tpu.memory_space<vmem>>) semaphore(%arg13 : memref<!tpu.dma_semaphore, #tpu.memory_space<semaphore_mem>>)
    }
    %scan3A_290 = arith.constant 9 : i32
    %dma_wait3A_291 = arith.constant 36 : i32
    %dma_wait3A_292 = arith.constant 0 : i32
    %dma_wait3A_293 = arith.constant 0 : i32
    %dma_wait3A_294 = arith.constant 0 : i32
    %dma_wait3A_295 = tpu.memref_slice %arg8[%dma_wait3A_292, %dma_wait3A_293, %dma_wait3A_294] : memref<4x64x128xf32, #tpu.memory_space<vmem>> -> memref<1x64x128xf32, #tpu.memory_space<vmem>>
    %dma_wait3A_296 = tpu.memref_squeeze %dma_wait3A_295 : memref<1x64x128xf32, #tpu.memory_space<vmem>> -> memref<64x128xf32, #tpu.memory_space<vmem>>
    %dma_wait3A_297 = arith.constant 0 : i32
    %dma_wait3A_298 = tpu.memref_slice %arg6[%dma_wait3A_291, %dma_wait3A_297] : memref<40x64xi32, #tpu.memory_space<vmem>> -> memref<1x64xi32, #tpu.memory_space<vmem>>
    %dma_wait3A_299 = tpu.memref_squeeze %dma_wait3A_298 : memref<1x64xi32, #tpu.memory_space<vmem>> -> memref<64xi32, #tpu.memory_space<vmem>>
    %dma_wait3A_300 = arith.constant 0 : i32
    %dma_wait3A_301 = arith.constant 0 : i32
    %dma_wait3A_302 = tpu.memref_slice %arg2[%dma_wait3A_300, %dma_wait3A_301] : memref<10000x128xf32, #tpu.memory_space<hbm>> -> memref<10000x128xf32, #tpu.memory_space<hbm>>
    tpu.wait_indirect_dma semaphore(%arg10 : memref<!tpu.dma_semaphore, #tpu.memory_space<semaphore_mem>>) src(%dma_wait3A_302 : memref<10000x128xf32, #tpu.memory_space<hbm>>) dst(%dma_wait3A_296 : memref<64x128xf32, #tpu.memory_space<vmem>>)
    %run_scoped3A_303 = arith.constant 0 : i32
    %run_scoped3A_304 = arith.constant 36 : i32
    "tpu.region"() ({
      %run_scoped3A_466 = tpu.sem_alloc : memref<!tpu.dma_semaphore, #tpu.memory_space<semaphore_mem>>
      %dma_start3A_467 = arith.constant 0 : i32
      %dma_start3A_468 = arith.constant 0 : i32
      %dma_start3A_469 = tpu.memref_slice %arg8[%run_scoped3A_303, %dma_start3A_467, %dma_start3A_468] : memref<4x64x128xf32, #tpu.memory_space<vmem>> -> memref<1x64x128xf32, #tpu.memory_space<vmem>>
      %dma_start3A_470 = tpu.memref_squeeze %dma_start3A_469 : memref<1x64x128xf32, #tpu.memory_space<vmem>> -> memref<64x128xf32, #tpu.memory_space<vmem>>
      %dma_start3A_471 = arith.constant 0 : i32
      %dma_start3A_472 = tpu.memref_slice %arg7[%run_scoped3A_304, %dma_start3A_471] : memref<40x64xi32, #tpu.memory_space<vmem>> -> memref<1x64xi32, #tpu.memory_space<vmem>>
      %dma_start3A_473 = tpu.memref_squeeze %dma_start3A_472 : memref<1x64xi32, #tpu.memory_space<vmem>> -> memref<64xi32, #tpu.memory_space<vmem>>
      %dma_start3A_474 = arith.constant 0 : i32
      %dma_start3A_475 = arith.constant 0 : i32
      %dma_start3A_476 = tpu.memref_slice %arg9[%dma_start3A_474, %dma_start3A_475] : memref<10240x128xf32, #tpu.memory_space<vmem_shared>> -> memref<10240x128xf32, #tpu.memory_space<vmem_shared>>
      tpu.enqueue_indirect_dma source(%dma_start3A_470 : memref<64x128xf32, #tpu.memory_space<vmem>>) target(%dma_start3A_476 : memref<10240x128xf32, #tpu.memory_space<vmem_shared>>) offsets(%dma_start3A_473 : memref<64xi32, #tpu.memory_space<vmem>>) semaphore(%run_scoped3A_466 : memref<!tpu.dma_semaphore, #tpu.memory_space<semaphore_mem>>) {add = true}
      %dma_wait3A_477 = arith.constant 0 : i32
      %dma_wait3A_478 = arith.constant 0 : i32
      %dma_wait3A_479 = tpu.memref_slice %arg8[%run_scoped3A_303, %dma_wait3A_477, %dma_wait3A_478] : memref<4x64x128xf32, #tpu.memory_space<vmem>> -> memref<1x64x128xf32, #tpu.memory_space<vmem>>
      %dma_wait3A_480 = tpu.memref_squeeze %dma_wait3A_479 : memref<1x64x128xf32, #tpu.memory_space<vmem>> -> memref<64x128xf32, #tpu.memory_space<vmem>>
      %dma_wait3A_481 = arith.constant 0 : i32
      %dma_wait3A_482 = tpu.memref_slice %arg7[%run_scoped3A_304, %dma_wait3A_481] : memref<40x64xi32, #tpu.memory_space<vmem>> -> memref<1x64xi32, #tpu.memory_space<vmem>>
      %dma_wait3A_483 = tpu.memref_squeeze %dma_wait3A_482 : memref<1x64xi32, #tpu.memory_space<vmem>> -> memref<64xi32, #tpu.memory_space<vmem>>
      %dma_wait3A_484 = arith.constant 0 : i32
      %dma_wait3A_485 = arith.constant 0 : i32
      %dma_wait3A_486 = tpu.memref_slice %arg9[%dma_wait3A_484, %dma_wait3A_485] : memref<10240x128xf32, #tpu.memory_space<vmem_shared>> -> memref<10240x128xf32, #tpu.memory_space<vmem_shared>>
      tpu.wait_indirect_dma semaphore(%run_scoped3A_466 : memref<!tpu.dma_semaphore, #tpu.memory_space<semaphore_mem>>) src(%dma_wait3A_480 : memref<64x128xf32, #tpu.memory_space<vmem>>) dst(%dma_wait3A_486 : memref<10240x128xf32, #tpu.memory_space<vmem_shared>>)
      tpu.yield
    }) : () -> ()
    %dma_wait3A_305 = arith.constant 37 : i32
    %dma_wait3A_306 = arith.constant 1 : i32
    %dma_wait3A_307 = arith.constant 0 : i32
    %dma_wait3A_308 = arith.constant 0 : i32
    %dma_wait3A_309 = tpu.memref_slice %arg8[%dma_wait3A_306, %dma_wait3A_307, %dma_wait3A_308] : memref<4x64x128xf32, #tpu.memory_space<vmem>> -> memref<1x64x128xf32, #tpu.memory_space<vmem>>
    %dma_wait3A_310 = tpu.memref_squeeze %dma_wait3A_309 : memref<1x64x128xf32, #tpu.memory_space<vmem>> -> memref<64x128xf32, #tpu.memory_space<vmem>>
    %dma_wait3A_311 = arith.constant 0 : i32
    %dma_wait3A_312 = tpu.memref_slice %arg6[%dma_wait3A_305, %dma_wait3A_311] : memref<40x64xi32, #tpu.memory_space<vmem>> -> memref<1x64xi32, #tpu.memory_space<vmem>>
    %dma_wait3A_313 = tpu.memref_squeeze %dma_wait3A_312 : memref<1x64xi32, #tpu.memory_space<vmem>> -> memref<64xi32, #tpu.memory_space<vmem>>
    %dma_wait3A_314 = arith.constant 0 : i32
    %dma_wait3A_315 = arith.constant 0 : i32
    %dma_wait3A_316 = tpu.memref_slice %arg2[%dma_wait3A_314, %dma_wait3A_315] : memref<10000x128xf32, #tpu.memory_space<hbm>> -> memref<10000x128xf32, #tpu.memory_space<hbm>>
    tpu.wait_indirect_dma semaphore(%arg11 : memref<!tpu.dma_semaphore, #tpu.memory_space<semaphore_mem>>) src(%dma_wait3A_316 : memref<10000x128xf32, #tpu.memory_space<hbm>>) dst(%dma_wait3A_310 : memref<64x128xf32, #tpu.memory_space<vmem>>)
    %run_scoped3A_317 = arith.constant 1 : i32
    %run_scoped3A_318 = arith.constant 37 : i32
    "tpu.region"() ({
      %run_scoped3A_466 = tpu.sem_alloc : memref<!tpu.dma_semaphore, #tpu.memory_space<semaphore_mem>>
      %dma_start3A_467 = arith.constant 0 : i32
      %dma_start3A_468 = arith.constant 0 : i32
      %dma_start3A_469 = tpu.memref_slice %arg8[%run_scoped3A_317, %dma_start3A_467, %dma_start3A_468] : memref<4x64x128xf32, #tpu.memory_space<vmem>> -> memref<1x64x128xf32, #tpu.memory_space<vmem>>
      %dma_start3A_470 = tpu.memref_squeeze %dma_start3A_469 : memref<1x64x128xf32, #tpu.memory_space<vmem>> -> memref<64x128xf32, #tpu.memory_space<vmem>>
      %dma_start3A_471 = arith.constant 0 : i32
      %dma_start3A_472 = tpu.memref_slice %arg7[%run_scoped3A_318, %dma_start3A_471] : memref<40x64xi32, #tpu.memory_space<vmem>> -> memref<1x64xi32, #tpu.memory_space<vmem>>
      %dma_start3A_473 = tpu.memref_squeeze %dma_start3A_472 : memref<1x64xi32, #tpu.memory_space<vmem>> -> memref<64xi32, #tpu.memory_space<vmem>>
      %dma_start3A_474 = arith.constant 0 : i32
      %dma_start3A_475 = arith.constant 0 : i32
      %dma_start3A_476 = tpu.memref_slice %arg9[%dma_start3A_474, %dma_start3A_475] : memref<10240x128xf32, #tpu.memory_space<vmem_shared>> -> memref<10240x128xf32, #tpu.memory_space<vmem_shared>>
      tpu.enqueue_indirect_dma source(%dma_start3A_470 : memref<64x128xf32, #tpu.memory_space<vmem>>) target(%dma_start3A_476 : memref<10240x128xf32, #tpu.memory_space<vmem_shared>>) offsets(%dma_start3A_473 : memref<64xi32, #tpu.memory_space<vmem>>) semaphore(%run_scoped3A_466 : memref<!tpu.dma_semaphore, #tpu.memory_space<semaphore_mem>>) {add = true}
      %dma_wait3A_477 = arith.constant 0 : i32
      %dma_wait3A_478 = arith.constant 0 : i32
      %dma_wait3A_479 = tpu.memref_slice %arg8[%run_scoped3A_317, %dma_wait3A_477, %dma_wait3A_478] : memref<4x64x128xf32, #tpu.memory_space<vmem>> -> memref<1x64x128xf32, #tpu.memory_space<vmem>>
      %dma_wait3A_480 = tpu.memref_squeeze %dma_wait3A_479 : memref<1x64x128xf32, #tpu.memory_space<vmem>> -> memref<64x128xf32, #tpu.memory_space<vmem>>
      %dma_wait3A_481 = arith.constant 0 : i32
      %dma_wait3A_482 = tpu.memref_slice %arg7[%run_scoped3A_318, %dma_wait3A_481] : memref<40x64xi32, #tpu.memory_space<vmem>> -> memref<1x64xi32, #tpu.memory_space<vmem>>
      %dma_wait3A_483 = tpu.memref_squeeze %dma_wait3A_482 : memref<1x64xi32, #tpu.memory_space<vmem>> -> memref<64xi32, #tpu.memory_space<vmem>>
      %dma_wait3A_484 = arith.constant 0 : i32
      %dma_wait3A_485 = arith.constant 0 : i32
      %dma_wait3A_486 = tpu.memref_slice %arg9[%dma_wait3A_484, %dma_wait3A_485] : memref<10240x128xf32, #tpu.memory_space<vmem_shared>> -> memref<10240x128xf32, #tpu.memory_space<vmem_shared>>
      tpu.wait_indirect_dma semaphore(%run_scoped3A_466 : memref<!tpu.dma_semaphore, #tpu.memory_space<semaphore_mem>>) src(%dma_wait3A_480 : memref<64x128xf32, #tpu.memory_space<vmem>>) dst(%dma_wait3A_486 : memref<10240x128xf32, #tpu.memory_space<vmem_shared>>)
      tpu.yield
    }) : () -> ()
    %dma_wait3A_319 = arith.constant 38 : i32
    %dma_wait3A_320 = arith.constant 2 : i32
    %dma_wait3A_321 = arith.constant 0 : i32
    %dma_wait3A_322 = arith.constant 0 : i32
    %dma_wait3A_323 = tpu.memref_slice %arg8[%dma_wait3A_320, %dma_wait3A_321, %dma_wait3A_322] : memref<4x64x128xf32, #tpu.memory_space<vmem>> -> memref<1x64x128xf32, #tpu.memory_space<vmem>>
    %dma_wait3A_324 = tpu.memref_squeeze %dma_wait3A_323 : memref<1x64x128xf32, #tpu.memory_space<vmem>> -> memref<64x128xf32, #tpu.memory_space<vmem>>
    %dma_wait3A_325 = arith.constant 0 : i32
    %dma_wait3A_326 = tpu.memref_slice %arg6[%dma_wait3A_319, %dma_wait3A_325] : memref<40x64xi32, #tpu.memory_space<vmem>> -> memref<1x64xi32, #tpu.memory_space<vmem>>
    %dma_wait3A_327 = tpu.memref_squeeze %dma_wait3A_326 : memref<1x64xi32, #tpu.memory_space<vmem>> -> memref<64xi32, #tpu.memory_space<vmem>>
    %dma_wait3A_328 = arith.constant 0 : i32
    %dma_wait3A_329 = arith.constant 0 : i32
    %dma_wait3A_330 = tpu.memref_slice %arg2[%dma_wait3A_328, %dma_wait3A_329] : memref<10000x128xf32, #tpu.memory_space<hbm>> -> memref<10000x128xf32, #tpu.memory_space<hbm>>
    tpu.wait_indirect_dma semaphore(%arg12 : memref<!tpu.dma_semaphore, #tpu.memory_space<semaphore_mem>>) src(%dma_wait3A_330 : memref<10000x128xf32, #tpu.memory_space<hbm>>) dst(%dma_wait3A_324 : memref<64x128xf32, #tpu.memory_space<vmem>>)
    %run_scoped3A_331 = arith.constant 2 : i32
    %run_scoped3A_332 = arith.constant 38 : i32
    "tpu.region"() ({
      %run_scoped3A_466 = tpu.sem_alloc : memref<!tpu.dma_semaphore, #tpu.memory_space<semaphore_mem>>
      %dma_start3A_467 = arith.constant 0 : i32
      %dma_start3A_468 = arith.constant 0 : i32
      %dma_start3A_469 = tpu.memref_slice %arg8[%run_scoped3A_331, %dma_start3A_467, %dma_start3A_468] : memref<4x64x128xf32, #tpu.memory_space<vmem>> -> memref<1x64x128xf32, #tpu.memory_space<vmem>>
      %dma_start3A_470 = tpu.memref_squeeze %dma_start3A_469 : memref<1x64x128xf32, #tpu.memory_space<vmem>> -> memref<64x128xf32, #tpu.memory_space<vmem>>
      %dma_start3A_471 = arith.constant 0 : i32
      %dma_start3A_472 = tpu.memref_slice %arg7[%run_scoped3A_332, %dma_start3A_471] : memref<40x64xi32, #tpu.memory_space<vmem>> -> memref<1x64xi32, #tpu.memory_space<vmem>>
      %dma_start3A_473 = tpu.memref_squeeze %dma_start3A_472 : memref<1x64xi32, #tpu.memory_space<vmem>> -> memref<64xi32, #tpu.memory_space<vmem>>
      %dma_start3A_474 = arith.constant 0 : i32
      %dma_start3A_475 = arith.constant 0 : i32
      %dma_start3A_476 = tpu.memref_slice %arg9[%dma_start3A_474, %dma_start3A_475] : memref<10240x128xf32, #tpu.memory_space<vmem_shared>> -> memref<10240x128xf32, #tpu.memory_space<vmem_shared>>
      tpu.enqueue_indirect_dma source(%dma_start3A_470 : memref<64x128xf32, #tpu.memory_space<vmem>>) target(%dma_start3A_476 : memref<10240x128xf32, #tpu.memory_space<vmem_shared>>) offsets(%dma_start3A_473 : memref<64xi32, #tpu.memory_space<vmem>>) semaphore(%run_scoped3A_466 : memref<!tpu.dma_semaphore, #tpu.memory_space<semaphore_mem>>) {add = true}
      %dma_wait3A_477 = arith.constant 0 : i32
      %dma_wait3A_478 = arith.constant 0 : i32
      %dma_wait3A_479 = tpu.memref_slice %arg8[%run_scoped3A_331, %dma_wait3A_477, %dma_wait3A_478] : memref<4x64x128xf32, #tpu.memory_space<vmem>> -> memref<1x64x128xf32, #tpu.memory_space<vmem>>
      %dma_wait3A_480 = tpu.memref_squeeze %dma_wait3A_479 : memref<1x64x128xf32, #tpu.memory_space<vmem>> -> memref<64x128xf32, #tpu.memory_space<vmem>>
      %dma_wait3A_481 = arith.constant 0 : i32
      %dma_wait3A_482 = tpu.memref_slice %arg7[%run_scoped3A_332, %dma_wait3A_481] : memref<40x64xi32, #tpu.memory_space<vmem>> -> memref<1x64xi32, #tpu.memory_space<vmem>>
      %dma_wait3A_483 = tpu.memref_squeeze %dma_wait3A_482 : memref<1x64xi32, #tpu.memory_space<vmem>> -> memref<64xi32, #tpu.memory_space<vmem>>
      %dma_wait3A_484 = arith.constant 0 : i32
      %dma_wait3A_485 = arith.constant 0 : i32
      %dma_wait3A_486 = tpu.memref_slice %arg9[%dma_wait3A_484, %dma_wait3A_485] : memref<10240x128xf32, #tpu.memory_space<vmem_shared>> -> memref<10240x128xf32, #tpu.memory_space<vmem_shared>>
      tpu.wait_indirect_dma semaphore(%run_scoped3A_466 : memref<!tpu.dma_semaphore, #tpu.memory_space<semaphore_mem>>) src(%dma_wait3A_480 : memref<64x128xf32, #tpu.memory_space<vmem>>) dst(%dma_wait3A_486 : memref<10240x128xf32, #tpu.memory_space<vmem_shared>>)
      tpu.yield
    }) : () -> ()
    %dma_wait3A_333 = arith.constant 39 : i32
    %dma_wait3A_334 = arith.constant 3 : i32
    %dma_wait3A_335 = arith.constant 0 : i32
    %dma_wait3A_336 = arith.constant 0 : i32
    %dma_wait3A_337 = tpu.memref_slice %arg8[%dma_wait3A_334, %dma_wait3A_335, %dma_wait3A_336] : memref<4x64x128xf32, #tpu.memory_space<vmem>> -> memref<1x64x128xf32, #tpu.memory_space<vmem>>
    %dma_wait3A_338 = tpu.memref_squeeze %dma_wait3A_337 : memref<1x64x128xf32, #tpu.memory_space<vmem>> -> memref<64x128xf32, #tpu.memory_space<vmem>>
    %dma_wait3A_339 = arith.constant 0 : i32
    %dma_wait3A_340 = tpu.memref_slice %arg6[%dma_wait3A_333, %dma_wait3A_339] : memref<40x64xi32, #tpu.memory_space<vmem>> -> memref<1x64xi32, #tpu.memory_space<vmem>>
    %dma_wait3A_341 = tpu.memref_squeeze %dma_wait3A_340 : memref<1x64xi32, #tpu.memory_space<vmem>> -> memref<64xi32, #tpu.memory_space<vmem>>
    %dma_wait3A_342 = arith.constant 0 : i32
    %dma_wait3A_343 = arith.constant 0 : i32
    %dma_wait3A_344 = tpu.memref_slice %arg2[%dma_wait3A_342, %dma_wait3A_343] : memref<10000x128xf32, #tpu.memory_space<hbm>> -> memref<10000x128xf32, #tpu.memory_space<hbm>>
    tpu.wait_indirect_dma semaphore(%arg13 : memref<!tpu.dma_semaphore, #tpu.memory_space<semaphore_mem>>) src(%dma_wait3A_344 : memref<10000x128xf32, #tpu.memory_space<hbm>>) dst(%dma_wait3A_338 : memref<64x128xf32, #tpu.memory_space<vmem>>)
    %run_scoped3A_345 = arith.constant 3 : i32
    %run_scoped3A_346 = arith.constant 39 : i32
    "tpu.region"() ({
      %run_scoped3A_466 = tpu.sem_alloc : memref<!tpu.dma_semaphore, #tpu.memory_space<semaphore_mem>>
      %dma_start3A_467 = arith.constant 0 : i32
      %dma_start3A_468 = arith.constant 0 : i32
      %dma_start3A_469 = tpu.memref_slice %arg8[%run_scoped3A_345, %dma_start3A_467, %dma_start3A_468] : memref<4x64x128xf32, #tpu.memory_space<vmem>> -> memref<1x64x128xf32, #tpu.memory_space<vmem>>
      %dma_start3A_470 = tpu.memref_squeeze %dma_start3A_469 : memref<1x64x128xf32, #tpu.memory_space<vmem>> -> memref<64x128xf32, #tpu.memory_space<vmem>>
      %dma_start3A_471 = arith.constant 0 : i32
      %dma_start3A_472 = tpu.memref_slice %arg7[%run_scoped3A_346, %dma_start3A_471] : memref<40x64xi32, #tpu.memory_space<vmem>> -> memref<1x64xi32, #tpu.memory_space<vmem>>
      %dma_start3A_473 = tpu.memref_squeeze %dma_start3A_472 : memref<1x64xi32, #tpu.memory_space<vmem>> -> memref<64xi32, #tpu.memory_space<vmem>>
      %dma_start3A_474 = arith.constant 0 : i32
      %dma_start3A_475 = arith.constant 0 : i32
      %dma_start3A_476 = tpu.memref_slice %arg9[%dma_start3A_474, %dma_start3A_475] : memref<10240x128xf32, #tpu.memory_space<vmem_shared>> -> memref<10240x128xf32, #tpu.memory_space<vmem_shared>>
      tpu.enqueue_indirect_dma source(%dma_start3A_470 : memref<64x128xf32, #tpu.memory_space<vmem>>) target(%dma_start3A_476 : memref<10240x128xf32, #tpu.memory_space<vmem_shared>>) offsets(%dma_start3A_473 : memref<64xi32, #tpu.memory_space<vmem>>) semaphore(%run_scoped3A_466 : memref<!tpu.dma_semaphore, #tpu.memory_space<semaphore_mem>>) {add = true}
      %dma_wait3A_477 = arith.constant 0 : i32
      %dma_wait3A_478 = arith.constant 0 : i32
      %dma_wait3A_479 = tpu.memref_slice %arg8[%run_scoped3A_345, %dma_wait3A_477, %dma_wait3A_478] : memref<4x64x128xf32, #tpu.memory_space<vmem>> -> memref<1x64x128xf32, #tpu.memory_space<vmem>>
      %dma_wait3A_480 = tpu.memref_squeeze %dma_wait3A_479 : memref<1x64x128xf32, #tpu.memory_space<vmem>> -> memref<64x128xf32, #tpu.memory_space<vmem>>
      %dma_wait3A_481 = arith.constant 0 : i32
      %dma_wait3A_482 = tpu.memref_slice %arg7[%run_scoped3A_346, %dma_wait3A_481] : memref<40x64xi32, #tpu.memory_space<vmem>> -> memref<1x64xi32, #tpu.memory_space<vmem>>
      %dma_wait3A_483 = tpu.memref_squeeze %dma_wait3A_482 : memref<1x64xi32, #tpu.memory_space<vmem>> -> memref<64xi32, #tpu.memory_space<vmem>>
      %dma_wait3A_484 = arith.constant 0 : i32
      %dma_wait3A_485 = arith.constant 0 : i32
      %dma_wait3A_486 = tpu.memref_slice %arg9[%dma_wait3A_484, %dma_wait3A_485] : memref<10240x128xf32, #tpu.memory_space<vmem_shared>> -> memref<10240x128xf32, #tpu.memory_space<vmem_shared>>
      tpu.wait_indirect_dma semaphore(%run_scoped3A_466 : memref<!tpu.dma_semaphore, #tpu.memory_space<semaphore_mem>>) src(%dma_wait3A_480 : memref<64x128xf32, #tpu.memory_space<vmem>>) dst(%dma_wait3A_486 : memref<10240x128xf32, #tpu.memory_space<vmem_shared>>)
      tpu.yield
    }) : () -> ()
    %mul3A_347 = arith.constant 160 : i32
    %mul3A_348 = arith.muli %add3A, %mul3A_347 : i32
    %add3A_349 = arith.constant 120 : i32
    %add3A_350 = arith.addi %mul3A_348, %add3A_349 : i32
    "tpu.region"() ({
      %run_scoped3A_466 = tpu.sem_alloc : memref<!tpu.dma_semaphore, #tpu.memory_space<semaphore_mem>>
      %dma_start3A_467 = arith.constant 0 : i32
      %dma_start3A_468 = tpu.memref_slice %arg3[%add3A_350, %dma_start3A_467] : memref<5120x64xi32, #tpu.memory_space<hbm>> -> memref<40x64xi32, #tpu.memory_space<hbm>>
      %dma_start3A_469 = arith.constant 0 : i32
      %dma_start3A_470 = tpu.memref_slice %arg3[%add3A_350, %dma_start3A_469] : memref<5120x64xi32, #tpu.memory_space<hbm>> -> memref<40x64xi32, #tpu.memory_space<hbm>>
      tpu.enqueue_dma source(%dma_start3A_470 : memref<40x64xi32, #tpu.memory_space<hbm>>) target(%arg6 : memref<40x64xi32, #tpu.memory_space<vmem>>) target_semaphore(%run_scoped3A_466 : memref<!tpu.dma_semaphore, #tpu.memory_space<semaphore_mem>>)
      %dma_wait3A_471 = arith.constant 0 : i32
      %dma_wait3A_472 = tpu.memref_slice %arg3[%add3A_350, %dma_wait3A_471] : memref<5120x64xi32, #tpu.memory_space<hbm>> -> memref<40x64xi32, #tpu.memory_space<hbm>>
      %dma_wait3A_473 = arith.constant 0 : i32
      %dma_wait3A_474 = tpu.memref_slice %arg3[%add3A_350, %dma_wait3A_473] : memref<5120x64xi32, #tpu.memory_space<hbm>> -> memref<40x64xi32, #tpu.memory_space<hbm>>
      tpu.wait_dma2 semaphore(%run_scoped3A_466 : memref<!tpu.dma_semaphore, #tpu.memory_space<semaphore_mem>>) src(%dma_wait3A_474 : memref<40x64xi32, #tpu.memory_space<hbm>>) dst(%arg6 : memref<40x64xi32, #tpu.memory_space<vmem>>)
      tpu.yield
    }) : () -> ()
    "tpu.region"() ({
      %run_scoped3A_466 = tpu.sem_alloc : memref<!tpu.dma_semaphore, #tpu.memory_space<semaphore_mem>>
      %dma_start3A_467 = arith.constant 0 : i32
      %dma_start3A_468 = tpu.memref_slice %arg4[%add3A_350, %dma_start3A_467] : memref<5120x64xi32, #tpu.memory_space<hbm>> -> memref<40x64xi32, #tpu.memory_space<hbm>>
      %dma_start3A_469 = arith.constant 0 : i32
      %dma_start3A_470 = tpu.memref_slice %arg4[%add3A_350, %dma_start3A_469] : memref<5120x64xi32, #tpu.memory_space<hbm>> -> memref<40x64xi32, #tpu.memory_space<hbm>>
      tpu.enqueue_dma source(%dma_start3A_470 : memref<40x64xi32, #tpu.memory_space<hbm>>) target(%arg7 : memref<40x64xi32, #tpu.memory_space<vmem>>) target_semaphore(%run_scoped3A_466 : memref<!tpu.dma_semaphore, #tpu.memory_space<semaphore_mem>>)
      %dma_wait3A_471 = arith.constant 0 : i32
      %dma_wait3A_472 = tpu.memref_slice %arg4[%add3A_350, %dma_wait3A_471] : memref<5120x64xi32, #tpu.memory_space<hbm>> -> memref<40x64xi32, #tpu.memory_space<hbm>>
      %dma_wait3A_473 = arith.constant 0 : i32
      %dma_wait3A_474 = tpu.memref_slice %arg4[%add3A_350, %dma_wait3A_473] : memref<5120x64xi32, #tpu.memory_space<hbm>> -> memref<40x64xi32, #tpu.memory_space<hbm>>
      tpu.wait_dma2 semaphore(%run_scoped3A_466 : memref<!tpu.dma_semaphore, #tpu.memory_space<semaphore_mem>>) src(%dma_wait3A_474 : memref<40x64xi32, #tpu.memory_space<hbm>>) dst(%arg7 : memref<40x64xi32, #tpu.memory_space<vmem>>)
      tpu.yield
    }) : () -> ()
    %dma_start3A_351 = arith.constant 0 : i32
    %dma_start3A_352 = arith.constant 0 : i32
    %dma_start3A_353 = arith.constant 0 : i32
    %dma_start3A_354 = arith.constant 0 : i32
    %dma_start3A_355 = tpu.memref_slice %arg8[%dma_start3A_352, %dma_start3A_353, %dma_start3A_354] : memref<4x64x128xf32, #tpu.memory_space<vmem>> -> memref<1x64x128xf32, #tpu.memory_space<vmem>>
    %dma_start3A_356 = tpu.memref_squeeze %dma_start3A_355 : memref<1x64x128xf32, #tpu.memory_space<vmem>> -> memref<64x128xf32, #tpu.memory_space<vmem>>
    %dma_start3A_357 = arith.constant 0 : i32
    %dma_start3A_358 = tpu.memref_slice %arg6[%dma_start3A_351, %dma_start3A_357] : memref<40x64xi32, #tpu.memory_space<vmem>> -> memref<1x64xi32, #tpu.memory_space<vmem>>
    %dma_start3A_359 = tpu.memref_squeeze %dma_start3A_358 : memref<1x64xi32, #tpu.memory_space<vmem>> -> memref<64xi32, #tpu.memory_space<vmem>>
    %dma_start3A_360 = arith.constant 0 : i32
    %dma_start3A_361 = arith.constant 0 : i32
    %dma_start3A_362 = tpu.memref_slice %arg2[%dma_start3A_360, %dma_start3A_361] : memref<10000x128xf32, #tpu.memory_space<hbm>> -> memref<10000x128xf32, #tpu.memory_space<hbm>>
    tpu.enqueue_indirect_dma source(%dma_start3A_362 : memref<10000x128xf32, #tpu.memory_space<hbm>>) target(%dma_start3A_356 : memref<64x128xf32, #tpu.memory_space<vmem>>) offsets(%dma_start3A_359 : memref<64xi32, #tpu.memory_space<vmem>>) semaphore(%arg10 : memref<!tpu.dma_semaphore, #tpu.memory_space<semaphore_mem>>)
    %dma_start3A_363 = arith.constant 1 : i32
    %dma_start3A_364 = arith.constant 1 : i32
    %dma_start3A_365 = arith.constant 0 : i32
    %dma_start3A_366 = arith.constant 0 : i32
    %dma_start3A_367 = tpu.memref_slice %arg8[%dma_start3A_364, %dma_start3A_365, %dma_start3A_366] : memref<4x64x128xf32, #tpu.memory_space<vmem>> -> memref<1x64x128xf32, #tpu.memory_space<vmem>>
    %dma_start3A_368 = tpu.memref_squeeze %dma_start3A_367 : memref<1x64x128xf32, #tpu.memory_space<vmem>> -> memref<64x128xf32, #tpu.memory_space<vmem>>
    %dma_start3A_369 = arith.constant 0 : i32
    %dma_start3A_370 = tpu.memref_slice %arg6[%dma_start3A_363, %dma_start3A_369] : memref<40x64xi32, #tpu.memory_space<vmem>> -> memref<1x64xi32, #tpu.memory_space<vmem>>
    %dma_start3A_371 = tpu.memref_squeeze %dma_start3A_370 : memref<1x64xi32, #tpu.memory_space<vmem>> -> memref<64xi32, #tpu.memory_space<vmem>>
    %dma_start3A_372 = arith.constant 0 : i32
    %dma_start3A_373 = arith.constant 0 : i32
    %dma_start3A_374 = tpu.memref_slice %arg2[%dma_start3A_372, %dma_start3A_373] : memref<10000x128xf32, #tpu.memory_space<hbm>> -> memref<10000x128xf32, #tpu.memory_space<hbm>>
    tpu.enqueue_indirect_dma source(%dma_start3A_374 : memref<10000x128xf32, #tpu.memory_space<hbm>>) target(%dma_start3A_368 : memref<64x128xf32, #tpu.memory_space<vmem>>) offsets(%dma_start3A_371 : memref<64xi32, #tpu.memory_space<vmem>>) semaphore(%arg11 : memref<!tpu.dma_semaphore, #tpu.memory_space<semaphore_mem>>)
    %dma_start3A_375 = arith.constant 2 : i32
    %dma_start3A_376 = arith.constant 2 : i32
    %dma_start3A_377 = arith.constant 0 : i32
    %dma_start3A_378 = arith.constant 0 : i32
    %dma_start3A_379 = tpu.memref_slice %arg8[%dma_start3A_376, %dma_start3A_377, %dma_start3A_378] : memref<4x64x128xf32, #tpu.memory_space<vmem>> -> memref<1x64x128xf32, #tpu.memory_space<vmem>>
    %dma_start3A_380 = tpu.memref_squeeze %dma_start3A_379 : memref<1x64x128xf32, #tpu.memory_space<vmem>> -> memref<64x128xf32, #tpu.memory_space<vmem>>
    %dma_start3A_381 = arith.constant 0 : i32
    %dma_start3A_382 = tpu.memref_slice %arg6[%dma_start3A_375, %dma_start3A_381] : memref<40x64xi32, #tpu.memory_space<vmem>> -> memref<1x64xi32, #tpu.memory_space<vmem>>
    %dma_start3A_383 = tpu.memref_squeeze %dma_start3A_382 : memref<1x64xi32, #tpu.memory_space<vmem>> -> memref<64xi32, #tpu.memory_space<vmem>>
    %dma_start3A_384 = arith.constant 0 : i32
    %dma_start3A_385 = arith.constant 0 : i32
    %dma_start3A_386 = tpu.memref_slice %arg2[%dma_start3A_384, %dma_start3A_385] : memref<10000x128xf32, #tpu.memory_space<hbm>> -> memref<10000x128xf32, #tpu.memory_space<hbm>>
    tpu.enqueue_indirect_dma source(%dma_start3A_386 : memref<10000x128xf32, #tpu.memory_space<hbm>>) target(%dma_start3A_380 : memref<64x128xf32, #tpu.memory_space<vmem>>) offsets(%dma_start3A_383 : memref<64xi32, #tpu.memory_space<vmem>>) semaphore(%arg12 : memref<!tpu.dma_semaphore, #tpu.memory_space<semaphore_mem>>)
    %dma_start3A_387 = arith.constant 3 : i32
    %dma_start3A_388 = arith.constant 3 : i32
    %dma_start3A_389 = arith.constant 0 : i32
    %dma_start3A_390 = arith.constant 0 : i32
    %dma_start3A_391 = tpu.memref_slice %arg8[%dma_start3A_388, %dma_start3A_389, %dma_start3A_390] : memref<4x64x128xf32, #tpu.memory_space<vmem>> -> memref<1x64x128xf32, #tpu.memory_space<vmem>>
    %dma_start3A_392 = tpu.memref_squeeze %dma_start3A_391 : memref<1x64x128xf32, #tpu.memory_space<vmem>> -> memref<64x128xf32, #tpu.memory_space<vmem>>
    %dma_start3A_393 = arith.constant 0 : i32
    %dma_start3A_394 = tpu.memref_slice %arg6[%dma_start3A_387, %dma_start3A_393] : memref<40x64xi32, #tpu.memory_space<vmem>> -> memref<1x64xi32, #tpu.memory_space<vmem>>
    %dma_start3A_395 = tpu.memref_squeeze %dma_start3A_394 : memref<1x64xi32, #tpu.memory_space<vmem>> -> memref<64xi32, #tpu.memory_space<vmem>>
    %dma_start3A_396 = arith.constant 0 : i32
    %dma_start3A_397 = arith.constant 0 : i32
    %dma_start3A_398 = tpu.memref_slice %arg2[%dma_start3A_396, %dma_start3A_397] : memref<10000x128xf32, #tpu.memory_space<hbm>> -> memref<10000x128xf32, #tpu.memory_space<hbm>>
    tpu.enqueue_indirect_dma source(%dma_start3A_398 : memref<10000x128xf32, #tpu.memory_space<hbm>>) target(%dma_start3A_392 : memref<64x128xf32, #tpu.memory_space<vmem>>) offsets(%dma_start3A_395 : memref<64xi32, #tpu.memory_space<vmem>>) semaphore(%arg13 : memref<!tpu.dma_semaphore, #tpu.memory_space<semaphore_mem>>)
    %scan3A_399 = arith.constant 0 : i32
    %scan3A_400 = arith.constant 9 : i32
    %scan3A_401 = arith.addi %scan3A_399, %scan3A_400 : i32
    %scan3A_402 = arith.constant 1 : i32
    scf.for %scan3A_466 = %scan3A_399 to %scan3A_401 step %scan3A_402  : i32 {
      %mul3A_467 = arith.constant 1 : i32
      %mul3A_468 = arith.muli %scan3A_466, %mul3A_467 : i32
      %add3A_469 = arith.constant 0 : i32
      %add3A_470 = arith.addi %add3A_469, %mul3A_468 : i32
      %mul3A_471 = arith.constant 4 : i32
      %mul3A_472 = arith.muli %add3A_470, %mul3A_471 : i32
      %add3A_473 = arith.constant 0 : i32
      %add3A_474 = arith.addi %mul3A_472, %add3A_473 : i32
      %dma_wait3A_475 = arith.constant 0 : i32
      %dma_wait3A_476 = arith.constant 0 : i32
      %dma_wait3A_477 = arith.constant 0 : i32
      %dma_wait3A_478 = tpu.memref_slice %arg8[%dma_wait3A_475, %dma_wait3A_476, %dma_wait3A_477] : memref<4x64x128xf32, #tpu.memory_space<vmem>> -> memref<1x64x128xf32, #tpu.memory_space<vmem>>
      %dma_wait3A_479 = tpu.memref_squeeze %dma_wait3A_478 : memref<1x64x128xf32, #tpu.memory_space<vmem>> -> memref<64x128xf32, #tpu.memory_space<vmem>>
      %dma_wait3A_480 = arith.constant 0 : i32
      %dma_wait3A_481 = tpu.memref_slice %arg6[%add3A_474, %dma_wait3A_480] : memref<40x64xi32, #tpu.memory_space<vmem>> -> memref<1x64xi32, #tpu.memory_space<vmem>>
      %dma_wait3A_482 = tpu.memref_squeeze %dma_wait3A_481 : memref<1x64xi32, #tpu.memory_space<vmem>> -> memref<64xi32, #tpu.memory_space<vmem>>
      %dma_wait3A_483 = arith.constant 0 : i32
      %dma_wait3A_484 = arith.constant 0 : i32
      %dma_wait3A_485 = tpu.memref_slice %arg2[%dma_wait3A_483, %dma_wait3A_484] : memref<10000x128xf32, #tpu.memory_space<hbm>> -> memref<10000x128xf32, #tpu.memory_space<hbm>>
      tpu.wait_indirect_dma semaphore(%arg10 : memref<!tpu.dma_semaphore, #tpu.memory_space<semaphore_mem>>) src(%dma_wait3A_485 : memref<10000x128xf32, #tpu.memory_space<hbm>>) dst(%dma_wait3A_479 : memref<64x128xf32, #tpu.memory_space<vmem>>)
      %run_scoped3A_486 = arith.constant 0 : i32
      "tpu.region"() ({
        %run_scoped3A_587 = tpu.sem_alloc : memref<!tpu.dma_semaphore, #tpu.memory_space<semaphore_mem>>
        %dma_start3A_588 = arith.constant 0 : i32
        %dma_start3A_589 = arith.constant 0 : i32
        %dma_start3A_590 = tpu.memref_slice %arg8[%run_scoped3A_486, %dma_start3A_588, %dma_start3A_589] : memref<4x64x128xf32, #tpu.memory_space<vmem>> -> memref<1x64x128xf32, #tpu.memory_space<vmem>>
        %dma_start3A_591 = tpu.memref_squeeze %dma_start3A_590 : memref<1x64x128xf32, #tpu.memory_space<vmem>> -> memref<64x128xf32, #tpu.memory_space<vmem>>
        %dma_start3A_592 = arith.constant 0 : i32
        %dma_start3A_593 = tpu.memref_slice %arg7[%add3A_474, %dma_start3A_592] : memref<40x64xi32, #tpu.memory_space<vmem>> -> memref<1x64xi32, #tpu.memory_space<vmem>>
        %dma_start3A_594 = tpu.memref_squeeze %dma_start3A_593 : memref<1x64xi32, #tpu.memory_space<vmem>> -> memref<64xi32, #tpu.memory_space<vmem>>
        %dma_start3A_595 = arith.constant 0 : i32
        %dma_start3A_596 = arith.constant 0 : i32
        %dma_start3A_597 = tpu.memref_slice %arg9[%dma_start3A_595, %dma_start3A_596] : memref<10240x128xf32, #tpu.memory_space<vmem_shared>> -> memref<10240x128xf32, #tpu.memory_space<vmem_shared>>
        tpu.enqueue_indirect_dma source(%dma_start3A_591 : memref<64x128xf32, #tpu.memory_space<vmem>>) target(%dma_start3A_597 : memref<10240x128xf32, #tpu.memory_space<vmem_shared>>) offsets(%dma_start3A_594 : memref<64xi32, #tpu.memory_space<vmem>>) semaphore(%run_scoped3A_587 : memref<!tpu.dma_semaphore, #tpu.memory_space<semaphore_mem>>) {add = true}
        %dma_wait3A_598 = arith.constant 0 : i32
        %dma_wait3A_599 = arith.constant 0 : i32
        %dma_wait3A_600 = tpu.memref_slice %arg8[%run_scoped3A_486, %dma_wait3A_598, %dma_wait3A_599] : memref<4x64x128xf32, #tpu.memory_space<vmem>> -> memref<1x64x128xf32, #tpu.memory_space<vmem>>
        %dma_wait3A_601 = tpu.memref_squeeze %dma_wait3A_600 : memref<1x64x128xf32, #tpu.memory_space<vmem>> -> memref<64x128xf32, #tpu.memory_space<vmem>>
        %dma_wait3A_602 = arith.constant 0 : i32
        %dma_wait3A_603 = tpu.memref_slice %arg7[%add3A_474, %dma_wait3A_602] : memref<40x64xi32, #tpu.memory_space<vmem>> -> memref<1x64xi32, #tpu.memory_space<vmem>>
        %dma_wait3A_604 = tpu.memref_squeeze %dma_wait3A_603 : memref<1x64xi32, #tpu.memory_space<vmem>> -> memref<64xi32, #tpu.memory_space<vmem>>
        %dma_wait3A_605 = arith.constant 0 : i32
        %dma_wait3A_606 = arith.constant 0 : i32
        %dma_wait3A_607 = tpu.memref_slice %arg9[%dma_wait3A_605, %dma_wait3A_606] : memref<10240x128xf32, #tpu.memory_space<vmem_shared>> -> memref<10240x128xf32, #tpu.memory_space<vmem_shared>>
        tpu.wait_indirect_dma semaphore(%run_scoped3A_587 : memref<!tpu.dma_semaphore, #tpu.memory_space<semaphore_mem>>) src(%dma_wait3A_601 : memref<64x128xf32, #tpu.memory_space<vmem>>) dst(%dma_wait3A_607 : memref<10240x128xf32, #tpu.memory_space<vmem_shared>>)
        tpu.yield
      }) : () -> ()
      %add3A_487 = arith.constant 4 : i32
      %add3A_488 = arith.addi %add3A_474, %add3A_487 : i32
      %dma_start3A_489 = arith.constant 0 : i32
      %dma_start3A_490 = arith.constant 0 : i32
      %dma_start3A_491 = arith.constant 0 : i32
      %dma_start3A_492 = tpu.memref_slice %arg8[%dma_start3A_489, %dma_start3A_490, %dma_start3A_491] : memref<4x64x128xf32, #tpu.memory_space<vmem>> -> memref<1x64x128xf32, #tpu.memory_space<vmem>>
      %dma_start3A_493 = tpu.memref_squeeze %dma_start3A_492 : memref<1x64x128xf32, #tpu.memory_space<vmem>> -> memref<64x128xf32, #tpu.memory_space<vmem>>
      %dma_start3A_494 = arith.constant 0 : i32
      %dma_start3A_495 = tpu.memref_slice %arg6[%add3A_488, %dma_start3A_494] : memref<40x64xi32, #tpu.memory_space<vmem>> -> memref<1x64xi32, #tpu.memory_space<vmem>>
      %dma_start3A_496 = tpu.memref_squeeze %dma_start3A_495 : memref<1x64xi32, #tpu.memory_space<vmem>> -> memref<64xi32, #tpu.memory_space<vmem>>
      %dma_start3A_497 = arith.constant 0 : i32
      %dma_start3A_498 = arith.constant 0 : i32
      %dma_start3A_499 = tpu.memref_slice %arg2[%dma_start3A_497, %dma_start3A_498] : memref<10000x128xf32, #tpu.memory_space<hbm>> -> memref<10000x128xf32, #tpu.memory_space<hbm>>
      tpu.enqueue_indirect_dma source(%dma_start3A_499 : memref<10000x128xf32, #tpu.memory_space<hbm>>) target(%dma_start3A_493 : memref<64x128xf32, #tpu.memory_space<vmem>>) offsets(%dma_start3A_496 : memref<64xi32, #tpu.memory_space<vmem>>) semaphore(%arg10 : memref<!tpu.dma_semaphore, #tpu.memory_space<semaphore_mem>>)
      %mul3A_500 = arith.constant 4 : i32
      %mul3A_501 = arith.muli %add3A_470, %mul3A_500 : i32
      %add3A_502 = arith.constant 1 : i32
      %add3A_503 = arith.addi %mul3A_501, %add3A_502 : i32
      %dma_wait3A_504 = arith.constant 1 : i32
      %dma_wait3A_505 = arith.constant 0 : i32
      %dma_wait3A_506 = arith.constant 0 : i32
      %dma_wait3A_507 = tpu.memref_slice %arg8[%dma_wait3A_504, %dma_wait3A_505, %dma_wait3A_506] : memref<4x64x128xf32, #tpu.memory_space<vmem>> -> memref<1x64x128xf32, #tpu.memory_space<vmem>>
      %dma_wait3A_508 = tpu.memref_squeeze %dma_wait3A_507 : memref<1x64x128xf32, #tpu.memory_space<vmem>> -> memref<64x128xf32, #tpu.memory_space<vmem>>
      %dma_wait3A_509 = arith.constant 0 : i32
      %dma_wait3A_510 = tpu.memref_slice %arg6[%add3A_503, %dma_wait3A_509] : memref<40x64xi32, #tpu.memory_space<vmem>> -> memref<1x64xi32, #tpu.memory_space<vmem>>
      %dma_wait3A_511 = tpu.memref_squeeze %dma_wait3A_510 : memref<1x64xi32, #tpu.memory_space<vmem>> -> memref<64xi32, #tpu.memory_space<vmem>>
      %dma_wait3A_512 = arith.constant 0 : i32
      %dma_wait3A_513 = arith.constant 0 : i32
      %dma_wait3A_514 = tpu.memref_slice %arg2[%dma_wait3A_512, %dma_wait3A_513] : memref<10000x128xf32, #tpu.memory_space<hbm>> -> memref<10000x128xf32, #tpu.memory_space<hbm>>
      tpu.wait_indirect_dma semaphore(%arg11 : memref<!tpu.dma_semaphore, #tpu.memory_space<semaphore_mem>>) src(%dma_wait3A_514 : memref<10000x128xf32, #tpu.memory_space<hbm>>) dst(%dma_wait3A_508 : memref<64x128xf32, #tpu.memory_space<vmem>>)
      %run_scoped3A_515 = arith.constant 1 : i32
      "tpu.region"() ({
        %run_scoped3A_587 = tpu.sem_alloc : memref<!tpu.dma_semaphore, #tpu.memory_space<semaphore_mem>>
        %dma_start3A_588 = arith.constant 0 : i32
        %dma_start3A_589 = arith.constant 0 : i32
        %dma_start3A_590 = tpu.memref_slice %arg8[%run_scoped3A_515, %dma_start3A_588, %dma_start3A_589] : memref<4x64x128xf32, #tpu.memory_space<vmem>> -> memref<1x64x128xf32, #tpu.memory_space<vmem>>
        %dma_start3A_591 = tpu.memref_squeeze %dma_start3A_590 : memref<1x64x128xf32, #tpu.memory_space<vmem>> -> memref<64x128xf32, #tpu.memory_space<vmem>>
        %dma_start3A_592 = arith.constant 0 : i32
        %dma_start3A_593 = tpu.memref_slice %arg7[%add3A_503, %dma_start3A_592] : memref<40x64xi32, #tpu.memory_space<vmem>> -> memref<1x64xi32, #tpu.memory_space<vmem>>
        %dma_start3A_594 = tpu.memref_squeeze %dma_start3A_593 : memref<1x64xi32, #tpu.memory_space<vmem>> -> memref<64xi32, #tpu.memory_space<vmem>>
        %dma_start3A_595 = arith.constant 0 : i32
        %dma_start3A_596 = arith.constant 0 : i32
        %dma_start3A_597 = tpu.memref_slice %arg9[%dma_start3A_595, %dma_start3A_596] : memref<10240x128xf32, #tpu.memory_space<vmem_shared>> -> memref<10240x128xf32, #tpu.memory_space<vmem_shared>>
        tpu.enqueue_indirect_dma source(%dma_start3A_591 : memref<64x128xf32, #tpu.memory_space<vmem>>) target(%dma_start3A_597 : memref<10240x128xf32, #tpu.memory_space<vmem_shared>>) offsets(%dma_start3A_594 : memref<64xi32, #tpu.memory_space<vmem>>) semaphore(%run_scoped3A_587 : memref<!tpu.dma_semaphore, #tpu.memory_space<semaphore_mem>>) {add = true}
        %dma_wait3A_598 = arith.constant 0 : i32
        %dma_wait3A_599 = arith.constant 0 : i32
        %dma_wait3A_600 = tpu.memref_slice %arg8[%run_scoped3A_515, %dma_wait3A_598, %dma_wait3A_599] : memref<4x64x128xf32, #tpu.memory_space<vmem>> -> memref<1x64x128xf32, #tpu.memory_space<vmem>>
        %dma_wait3A_601 = tpu.memref_squeeze %dma_wait3A_600 : memref<1x64x128xf32, #tpu.memory_space<vmem>> -> memref<64x128xf32, #tpu.memory_space<vmem>>
        %dma_wait3A_602 = arith.constant 0 : i32
        %dma_wait3A_603 = tpu.memref_slice %arg7[%add3A_503, %dma_wait3A_602] : memref<40x64xi32, #tpu.memory_space<vmem>> -> memref<1x64xi32, #tpu.memory_space<vmem>>
        %dma_wait3A_604 = tpu.memref_squeeze %dma_wait3A_603 : memref<1x64xi32, #tpu.memory_space<vmem>> -> memref<64xi32, #tpu.memory_space<vmem>>
        %dma_wait3A_605 = arith.constant 0 : i32
        %dma_wait3A_606 = arith.constant 0 : i32
        %dma_wait3A_607 = tpu.memref_slice %arg9[%dma_wait3A_605, %dma_wait3A_606] : memref<10240x128xf32, #tpu.memory_space<vmem_shared>> -> memref<10240x128xf32, #tpu.memory_space<vmem_shared>>
        tpu.wait_indirect_dma semaphore(%run_scoped3A_587 : memref<!tpu.dma_semaphore, #tpu.memory_space<semaphore_mem>>) src(%dma_wait3A_601 : memref<64x128xf32, #tpu.memory_space<vmem>>) dst(%dma_wait3A_607 : memref<10240x128xf32, #tpu.memory_space<vmem_shared>>)
        tpu.yield
      }) : () -> ()
      %add3A_516 = arith.constant 4 : i32
      %add3A_517 = arith.addi %add3A_503, %add3A_516 : i32
      %dma_start3A_518 = arith.constant 1 : i32
      %dma_start3A_519 = arith.constant 0 : i32
      %dma_start3A_520 = arith.constant 0 : i32
      %dma_start3A_521 = tpu.memref_slice %arg8[%dma_start3A_518, %dma_start3A_519, %dma_start3A_520] : memref<4x64x128xf32, #tpu.memory_space<vmem>> -> memref<1x64x128xf32, #tpu.memory_space<vmem>>
      %dma_start3A_522 = tpu.memref_squeeze %dma_start3A_521 : memref<1x64x128xf32, #tpu.memory_space<vmem>> -> memref<64x128xf32, #tpu.memory_space<vmem>>
      %dma_start3A_523 = arith.constant 0 : i32
      %dma_start3A_524 = tpu.memref_slice %arg6[%add3A_517, %dma_start3A_523] : memref<40x64xi32, #tpu.memory_space<vmem>> -> memref<1x64xi32, #tpu.memory_space<vmem>>
      %dma_start3A_525 = tpu.memref_squeeze %dma_start3A_524 : memref<1x64xi32, #tpu.memory_space<vmem>> -> memref<64xi32, #tpu.memory_space<vmem>>
      %dma_start3A_526 = arith.constant 0 : i32
      %dma_start3A_527 = arith.constant 0 : i32
      %dma_start3A_528 = tpu.memref_slice %arg2[%dma_start3A_526, %dma_start3A_527] : memref<10000x128xf32, #tpu.memory_space<hbm>> -> memref<10000x128xf32, #tpu.memory_space<hbm>>
      tpu.enqueue_indirect_dma source(%dma_start3A_528 : memref<10000x128xf32, #tpu.memory_space<hbm>>) target(%dma_start3A_522 : memref<64x128xf32, #tpu.memory_space<vmem>>) offsets(%dma_start3A_525 : memref<64xi32, #tpu.memory_space<vmem>>) semaphore(%arg11 : memref<!tpu.dma_semaphore, #tpu.memory_space<semaphore_mem>>)
      %mul3A_529 = arith.constant 4 : i32
      %mul3A_530 = arith.muli %add3A_470, %mul3A_529 : i32
      %add3A_531 = arith.constant 2 : i32
      %add3A_532 = arith.addi %mul3A_530, %add3A_531 : i32
      %dma_wait3A_533 = arith.constant 2 : i32
      %dma_wait3A_534 = arith.constant 0 : i32
      %dma_wait3A_535 = arith.constant 0 : i32
      %dma_wait3A_536 = tpu.memref_slice %arg8[%dma_wait3A_533, %dma_wait3A_534, %dma_wait3A_535] : memref<4x64x128xf32, #tpu.memory_space<vmem>> -> memref<1x64x128xf32, #tpu.memory_space<vmem>>
      %dma_wait3A_537 = tpu.memref_squeeze %dma_wait3A_536 : memref<1x64x128xf32, #tpu.memory_space<vmem>> -> memref<64x128xf32, #tpu.memory_space<vmem>>
      %dma_wait3A_538 = arith.constant 0 : i32
      %dma_wait3A_539 = tpu.memref_slice %arg6[%add3A_532, %dma_wait3A_538] : memref<40x64xi32, #tpu.memory_space<vmem>> -> memref<1x64xi32, #tpu.memory_space<vmem>>
      %dma_wait3A_540 = tpu.memref_squeeze %dma_wait3A_539 : memref<1x64xi32, #tpu.memory_space<vmem>> -> memref<64xi32, #tpu.memory_space<vmem>>
      %dma_wait3A_541 = arith.constant 0 : i32
      %dma_wait3A_542 = arith.constant 0 : i32
      %dma_wait3A_543 = tpu.memref_slice %arg2[%dma_wait3A_541, %dma_wait3A_542] : memref<10000x128xf32, #tpu.memory_space<hbm>> -> memref<10000x128xf32, #tpu.memory_space<hbm>>
      tpu.wait_indirect_dma semaphore(%arg12 : memref<!tpu.dma_semaphore, #tpu.memory_space<semaphore_mem>>) src(%dma_wait3A_543 : memref<10000x128xf32, #tpu.memory_space<hbm>>) dst(%dma_wait3A_537 : memref<64x128xf32, #tpu.memory_space<vmem>>)
      %run_scoped3A_544 = arith.constant 2 : i32
      "tpu.region"() ({
        %run_scoped3A_587 = tpu.sem_alloc : memref<!tpu.dma_semaphore, #tpu.memory_space<semaphore_mem>>
        %dma_start3A_588 = arith.constant 0 : i32
        %dma_start3A_589 = arith.constant 0 : i32
        %dma_start3A_590 = tpu.memref_slice %arg8[%run_scoped3A_544, %dma_start3A_588, %dma_start3A_589] : memref<4x64x128xf32, #tpu.memory_space<vmem>> -> memref<1x64x128xf32, #tpu.memory_space<vmem>>
        %dma_start3A_591 = tpu.memref_squeeze %dma_start3A_590 : memref<1x64x128xf32, #tpu.memory_space<vmem>> -> memref<64x128xf32, #tpu.memory_space<vmem>>
        %dma_start3A_592 = arith.constant 0 : i32
        %dma_start3A_593 = tpu.memref_slice %arg7[%add3A_532, %dma_start3A_592] : memref<40x64xi32, #tpu.memory_space<vmem>> -> memref<1x64xi32, #tpu.memory_space<vmem>>
        %dma_start3A_594 = tpu.memref_squeeze %dma_start3A_593 : memref<1x64xi32, #tpu.memory_space<vmem>> -> memref<64xi32, #tpu.memory_space<vmem>>
        %dma_start3A_595 = arith.constant 0 : i32
        %dma_start3A_596 = arith.constant 0 : i32
        %dma_start3A_597 = tpu.memref_slice %arg9[%dma_start3A_595, %dma_start3A_596] : memref<10240x128xf32, #tpu.memory_space<vmem_shared>> -> memref<10240x128xf32, #tpu.memory_space<vmem_shared>>
        tpu.enqueue_indirect_dma source(%dma_start3A_591 : memref<64x128xf32, #tpu.memory_space<vmem>>) target(%dma_start3A_597 : memref<10240x128xf32, #tpu.memory_space<vmem_shared>>) offsets(%dma_start3A_594 : memref<64xi32, #tpu.memory_space<vmem>>) semaphore(%run_scoped3A_587 : memref<!tpu.dma_semaphore, #tpu.memory_space<semaphore_mem>>) {add = true}
        %dma_wait3A_598 = arith.constant 0 : i32
        %dma_wait3A_599 = arith.constant 0 : i32
        %dma_wait3A_600 = tpu.memref_slice %arg8[%run_scoped3A_544, %dma_wait3A_598, %dma_wait3A_599] : memref<4x64x128xf32, #tpu.memory_space<vmem>> -> memref<1x64x128xf32, #tpu.memory_space<vmem>>
        %dma_wait3A_601 = tpu.memref_squeeze %dma_wait3A_600 : memref<1x64x128xf32, #tpu.memory_space<vmem>> -> memref<64x128xf32, #tpu.memory_space<vmem>>
        %dma_wait3A_602 = arith.constant 0 : i32
        %dma_wait3A_603 = tpu.memref_slice %arg7[%add3A_532, %dma_wait3A_602] : memref<40x64xi32, #tpu.memory_space<vmem>> -> memref<1x64xi32, #tpu.memory_space<vmem>>
        %dma_wait3A_604 = tpu.memref_squeeze %dma_wait3A_603 : memref<1x64xi32, #tpu.memory_space<vmem>> -> memref<64xi32, #tpu.memory_space<vmem>>
        %dma_wait3A_605 = arith.constant 0 : i32
        %dma_wait3A_606 = arith.constant 0 : i32
        %dma_wait3A_607 = tpu.memref_slice %arg9[%dma_wait3A_605, %dma_wait3A_606] : memref<10240x128xf32, #tpu.memory_space<vmem_shared>> -> memref<10240x128xf32, #tpu.memory_space<vmem_shared>>
        tpu.wait_indirect_dma semaphore(%run_scoped3A_587 : memref<!tpu.dma_semaphore, #tpu.memory_space<semaphore_mem>>) src(%dma_wait3A_601 : memref<64x128xf32, #tpu.memory_space<vmem>>) dst(%dma_wait3A_607 : memref<10240x128xf32, #tpu.memory_space<vmem_shared>>)
        tpu.yield
      }) : () -> ()
      %add3A_545 = arith.constant 4 : i32
      %add3A_546 = arith.addi %add3A_532, %add3A_545 : i32
      %dma_start3A_547 = arith.constant 2 : i32
      %dma_start3A_548 = arith.constant 0 : i32
      %dma_start3A_549 = arith.constant 0 : i32
      %dma_start3A_550 = tpu.memref_slice %arg8[%dma_start3A_547, %dma_start3A_548, %dma_start3A_549] : memref<4x64x128xf32, #tpu.memory_space<vmem>> -> memref<1x64x128xf32, #tpu.memory_space<vmem>>
      %dma_start3A_551 = tpu.memref_squeeze %dma_start3A_550 : memref<1x64x128xf32, #tpu.memory_space<vmem>> -> memref<64x128xf32, #tpu.memory_space<vmem>>
      %dma_start3A_552 = arith.constant 0 : i32
      %dma_start3A_553 = tpu.memref_slice %arg6[%add3A_546, %dma_start3A_552] : memref<40x64xi32, #tpu.memory_space<vmem>> -> memref<1x64xi32, #tpu.memory_space<vmem>>
      %dma_start3A_554 = tpu.memref_squeeze %dma_start3A_553 : memref<1x64xi32, #tpu.memory_space<vmem>> -> memref<64xi32, #tpu.memory_space<vmem>>
      %dma_start3A_555 = arith.constant 0 : i32
      %dma_start3A_556 = arith.constant 0 : i32
      %dma_start3A_557 = tpu.memref_slice %arg2[%dma_start3A_555, %dma_start3A_556] : memref<10000x128xf32, #tpu.memory_space<hbm>> -> memref<10000x128xf32, #tpu.memory_space<hbm>>
      tpu.enqueue_indirect_dma source(%dma_start3A_557 : memref<10000x128xf32, #tpu.memory_space<hbm>>) target(%dma_start3A_551 : memref<64x128xf32, #tpu.memory_space<vmem>>) offsets(%dma_start3A_554 : memref<64xi32, #tpu.memory_space<vmem>>) semaphore(%arg12 : memref<!tpu.dma_semaphore, #tpu.memory_space<semaphore_mem>>)
      %mul3A_558 = arith.constant 4 : i32
      %mul3A_559 = arith.muli %add3A_470, %mul3A_558 : i32
      %add3A_560 = arith.constant 3 : i32
      %add3A_561 = arith.addi %mul3A_559, %add3A_560 : i32
      %dma_wait3A_562 = arith.constant 3 : i32
      %dma_wait3A_563 = arith.constant 0 : i32
      %dma_wait3A_564 = arith.constant 0 : i32
      %dma_wait3A_565 = tpu.memref_slice %arg8[%dma_wait3A_562, %dma_wait3A_563, %dma_wait3A_564] : memref<4x64x128xf32, #tpu.memory_space<vmem>> -> memref<1x64x128xf32, #tpu.memory_space<vmem>>
      %dma_wait3A_566 = tpu.memref_squeeze %dma_wait3A_565 : memref<1x64x128xf32, #tpu.memory_space<vmem>> -> memref<64x128xf32, #tpu.memory_space<vmem>>
      %dma_wait3A_567 = arith.constant 0 : i32
      %dma_wait3A_568 = tpu.memref_slice %arg6[%add3A_561, %dma_wait3A_567] : memref<40x64xi32, #tpu.memory_space<vmem>> -> memref<1x64xi32, #tpu.memory_space<vmem>>
      %dma_wait3A_569 = tpu.memref_squeeze %dma_wait3A_568 : memref<1x64xi32, #tpu.memory_space<vmem>> -> memref<64xi32, #tpu.memory_space<vmem>>
      %dma_wait3A_570 = arith.constant 0 : i32
      %dma_wait3A_571 = arith.constant 0 : i32
      %dma_wait3A_572 = tpu.memref_slice %arg2[%dma_wait3A_570, %dma_wait3A_571] : memref<10000x128xf32, #tpu.memory_space<hbm>> -> memref<10000x128xf32, #tpu.memory_space<hbm>>
      tpu.wait_indirect_dma semaphore(%arg13 : memref<!tpu.dma_semaphore, #tpu.memory_space<semaphore_mem>>) src(%dma_wait3A_572 : memref<10000x128xf32, #tpu.memory_space<hbm>>) dst(%dma_wait3A_566 : memref<64x128xf32, #tpu.memory_space<vmem>>)
      %run_scoped3A_573 = arith.constant 3 : i32
      "tpu.region"() ({
        %run_scoped3A_587 = tpu.sem_alloc : memref<!tpu.dma_semaphore, #tpu.memory_space<semaphore_mem>>
        %dma_start3A_588 = arith.constant 0 : i32
        %dma_start3A_589 = arith.constant 0 : i32
        %dma_start3A_590 = tpu.memref_slice %arg8[%run_scoped3A_573, %dma_start3A_588, %dma_start3A_589] : memref<4x64x128xf32, #tpu.memory_space<vmem>> -> memref<1x64x128xf32, #tpu.memory_space<vmem>>
        %dma_start3A_591 = tpu.memref_squeeze %dma_start3A_590 : memref<1x64x128xf32, #tpu.memory_space<vmem>> -> memref<64x128xf32, #tpu.memory_space<vmem>>
        %dma_start3A_592 = arith.constant 0 : i32
        %dma_start3A_593 = tpu.memref_slice %arg7[%add3A_561, %dma_start3A_592] : memref<40x64xi32, #tpu.memory_space<vmem>> -> memref<1x64xi32, #tpu.memory_space<vmem>>
        %dma_start3A_594 = tpu.memref_squeeze %dma_start3A_593 : memref<1x64xi32, #tpu.memory_space<vmem>> -> memref<64xi32, #tpu.memory_space<vmem>>
        %dma_start3A_595 = arith.constant 0 : i32
        %dma_start3A_596 = arith.constant 0 : i32
        %dma_start3A_597 = tpu.memref_slice %arg9[%dma_start3A_595, %dma_start3A_596] : memref<10240x128xf32, #tpu.memory_space<vmem_shared>> -> memref<10240x128xf32, #tpu.memory_space<vmem_shared>>
        tpu.enqueue_indirect_dma source(%dma_start3A_591 : memref<64x128xf32, #tpu.memory_space<vmem>>) target(%dma_start3A_597 : memref<10240x128xf32, #tpu.memory_space<vmem_shared>>) offsets(%dma_start3A_594 : memref<64xi32, #tpu.memory_space<vmem>>) semaphore(%run_scoped3A_587 : memref<!tpu.dma_semaphore, #tpu.memory_space<semaphore_mem>>) {add = true}
        %dma_wait3A_598 = arith.constant 0 : i32
        %dma_wait3A_599 = arith.constant 0 : i32
        %dma_wait3A_600 = tpu.memref_slice %arg8[%run_scoped3A_573, %dma_wait3A_598, %dma_wait3A_599] : memref<4x64x128xf32, #tpu.memory_space<vmem>> -> memref<1x64x128xf32, #tpu.memory_space<vmem>>
        %dma_wait3A_601 = tpu.memref_squeeze %dma_wait3A_600 : memref<1x64x128xf32, #tpu.memory_space<vmem>> -> memref<64x128xf32, #tpu.memory_space<vmem>>
        %dma_wait3A_602 = arith.constant 0 : i32
        %dma_wait3A_603 = tpu.memref_slice %arg7[%add3A_561, %dma_wait3A_602] : memref<40x64xi32, #tpu.memory_space<vmem>> -> memref<1x64xi32, #tpu.memory_space<vmem>>
        %dma_wait3A_604 = tpu.memref_squeeze %dma_wait3A_603 : memref<1x64xi32, #tpu.memory_space<vmem>> -> memref<64xi32, #tpu.memory_space<vmem>>
        %dma_wait3A_605 = arith.constant 0 : i32
        %dma_wait3A_606 = arith.constant 0 : i32
        %dma_wait3A_607 = tpu.memref_slice %arg9[%dma_wait3A_605, %dma_wait3A_606] : memref<10240x128xf32, #tpu.memory_space<vmem_shared>> -> memref<10240x128xf32, #tpu.memory_space<vmem_shared>>
        tpu.wait_indirect_dma semaphore(%run_scoped3A_587 : memref<!tpu.dma_semaphore, #tpu.memory_space<semaphore_mem>>) src(%dma_wait3A_601 : memref<64x128xf32, #tpu.memory_space<vmem>>) dst(%dma_wait3A_607 : memref<10240x128xf32, #tpu.memory_space<vmem_shared>>)
        tpu.yield
      }) : () -> ()
      %add3A_574 = arith.constant 4 : i32
      %add3A_575 = arith.addi %add3A_561, %add3A_574 : i32
      %dma_start3A_576 = arith.constant 3 : i32
      %dma_start3A_577 = arith.constant 0 : i32
      %dma_start3A_578 = arith.constant 0 : i32
      %dma_start3A_579 = tpu.memref_slice %arg8[%dma_start3A_576, %dma_start3A_577, %dma_start3A_578] : memref<4x64x128xf32, #tpu.memory_space<vmem>> -> memref<1x64x128xf32, #tpu.memory_space<vmem>>
      %dma_start3A_580 = tpu.memref_squeeze %dma_start3A_579 : memref<1x64x128xf32, #tpu.memory_space<vmem>> -> memref<64x128xf32, #tpu.memory_space<vmem>>
      %dma_start3A_581 = arith.constant 0 : i32
      %dma_start3A_582 = tpu.memref_slice %arg6[%add3A_575, %dma_start3A_581] : memref<40x64xi32, #tpu.memory_space<vmem>> -> memref<1x64xi32, #tpu.memory_space<vmem>>
      %dma_start3A_583 = tpu.memref_squeeze %dma_start3A_582 : memref<1x64xi32, #tpu.memory_space<vmem>> -> memref<64xi32, #tpu.memory_space<vmem>>
      %dma_start3A_584 = arith.constant 0 : i32
      %dma_start3A_585 = arith.constant 0 : i32
      %dma_start3A_586 = tpu.memref_slice %arg2[%dma_start3A_584, %dma_start3A_585] : memref<10000x128xf32, #tpu.memory_space<hbm>> -> memref<10000x128xf32, #tpu.memory_space<hbm>>
      tpu.enqueue_indirect_dma source(%dma_start3A_586 : memref<10000x128xf32, #tpu.memory_space<hbm>>) target(%dma_start3A_580 : memref<64x128xf32, #tpu.memory_space<vmem>>) offsets(%dma_start3A_583 : memref<64xi32, #tpu.memory_space<vmem>>) semaphore(%arg13 : memref<!tpu.dma_semaphore, #tpu.memory_space<semaphore_mem>>)
    }
    %scan3A_403 = arith.constant 9 : i32
    %dma_wait3A_404 = arith.constant 36 : i32
    %dma_wait3A_405 = arith.constant 0 : i32
    %dma_wait3A_406 = arith.constant 0 : i32
    %dma_wait3A_407 = arith.constant 0 : i32
    %dma_wait3A_408 = tpu.memref_slice %arg8[%dma_wait3A_405, %dma_wait3A_406, %dma_wait3A_407] : memref<4x64x128xf32, #tpu.memory_space<vmem>> -> memref<1x64x128xf32, #tpu.memory_space<vmem>>
    %dma_wait3A_409 = tpu.memref_squeeze %dma_wait3A_408 : memref<1x64x128xf32, #tpu.memory_space<vmem>> -> memref<64x128xf32, #tpu.memory_space<vmem>>
    %dma_wait3A_410 = arith.constant 0 : i32
    %dma_wait3A_411 = tpu.memref_slice %arg6[%dma_wait3A_404, %dma_wait3A_410] : memref<40x64xi32, #tpu.memory_space<vmem>> -> memref<1x64xi32, #tpu.memory_space<vmem>>
    %dma_wait3A_412 = tpu.memref_squeeze %dma_wait3A_411 : memref<1x64xi32, #tpu.memory_space<vmem>> -> memref<64xi32, #tpu.memory_space<vmem>>
    %dma_wait3A_413 = arith.constant 0 : i32
    %dma_wait3A_414 = arith.constant 0 : i32
    %dma_wait3A_415 = tpu.memref_slice %arg2[%dma_wait3A_413, %dma_wait3A_414] : memref<10000x128xf32, #tpu.memory_space<hbm>> -> memref<10000x128xf32, #tpu.memory_space<hbm>>
    tpu.wait_indirect_dma semaphore(%arg10 : memref<!tpu.dma_semaphore, #tpu.memory_space<semaphore_mem>>) src(%dma_wait3A_415 : memref<10000x128xf32, #tpu.memory_space<hbm>>) dst(%dma_wait3A_409 : memref<64x128xf32, #tpu.memory_space<vmem>>)
    %run_scoped3A_416 = arith.constant 0 : i32
    %run_scoped3A_417 = arith.constant 36 : i32
    "tpu.region"() ({
      %run_scoped3A_466 = tpu.sem_alloc : memref<!tpu.dma_semaphore, #tpu.memory_space<semaphore_mem>>
      %dma_start3A_467 = arith.constant 0 : i32
      %dma_start3A_468 = arith.constant 0 : i32
      %dma_start3A_469 = tpu.memref_slice %arg8[%run_scoped3A_416, %dma_start3A_467, %dma_start3A_468] : memref<4x64x128xf32, #tpu.memory_space<vmem>> -> memref<1x64x128xf32, #tpu.memory_space<vmem>>
      %dma_start3A_470 = tpu.memref_squeeze %dma_start3A_469 : memref<1x64x128xf32, #tpu.memory_space<vmem>> -> memref<64x128xf32, #tpu.memory_space<vmem>>
      %dma_start3A_471 = arith.constant 0 : i32
      %dma_start3A_472 = tpu.memref_slice %arg7[%run_scoped3A_417, %dma_start3A_471] : memref<40x64xi32, #tpu.memory_space<vmem>> -> memref<1x64xi32, #tpu.memory_space<vmem>>
      %dma_start3A_473 = tpu.memref_squeeze %dma_start3A_472 : memref<1x64xi32, #tpu.memory_space<vmem>> -> memref<64xi32, #tpu.memory_space<vmem>>
      %dma_start3A_474 = arith.constant 0 : i32
      %dma_start3A_475 = arith.constant 0 : i32
      %dma_start3A_476 = tpu.memref_slice %arg9[%dma_start3A_474, %dma_start3A_475] : memref<10240x128xf32, #tpu.memory_space<vmem_shared>> -> memref<10240x128xf32, #tpu.memory_space<vmem_shared>>
      tpu.enqueue_indirect_dma source(%dma_start3A_470 : memref<64x128xf32, #tpu.memory_space<vmem>>) target(%dma_start3A_476 : memref<10240x128xf32, #tpu.memory_space<vmem_shared>>) offsets(%dma_start3A_473 : memref<64xi32, #tpu.memory_space<vmem>>) semaphore(%run_scoped3A_466 : memref<!tpu.dma_semaphore, #tpu.memory_space<semaphore_mem>>) {add = true}
      %dma_wait3A_477 = arith.constant 0 : i32
      %dma_wait3A_478 = arith.constant 0 : i32
      %dma_wait3A_479 = tpu.memref_slice %arg8[%run_scoped3A_416, %dma_wait3A_477, %dma_wait3A_478] : memref<4x64x128xf32, #tpu.memory_space<vmem>> -> memref<1x64x128xf32, #tpu.memory_space<vmem>>
      %dma_wait3A_480 = tpu.memref_squeeze %dma_wait3A_479 : memref<1x64x128xf32, #tpu.memory_space<vmem>> -> memref<64x128xf32, #tpu.memory_space<vmem>>
      %dma_wait3A_481 = arith.constant 0 : i32
      %dma_wait3A_482 = tpu.memref_slice %arg7[%run_scoped3A_417, %dma_wait3A_481] : memref<40x64xi32, #tpu.memory_space<vmem>> -> memref<1x64xi32, #tpu.memory_space<vmem>>
      %dma_wait3A_483 = tpu.memref_squeeze %dma_wait3A_482 : memref<1x64xi32, #tpu.memory_space<vmem>> -> memref<64xi32, #tpu.memory_space<vmem>>
      %dma_wait3A_484 = arith.constant 0 : i32
      %dma_wait3A_485 = arith.constant 0 : i32
      %dma_wait3A_486 = tpu.memref_slice %arg9[%dma_wait3A_484, %dma_wait3A_485] : memref<10240x128xf32, #tpu.memory_space<vmem_shared>> -> memref<10240x128xf32, #tpu.memory_space<vmem_shared>>
      tpu.wait_indirect_dma semaphore(%run_scoped3A_466 : memref<!tpu.dma_semaphore, #tpu.memory_space<semaphore_mem>>) src(%dma_wait3A_480 : memref<64x128xf32, #tpu.memory_space<vmem>>) dst(%dma_wait3A_486 : memref<10240x128xf32, #tpu.memory_space<vmem_shared>>)
      tpu.yield
    }) : () -> ()
    %dma_wait3A_418 = arith.constant 37 : i32
    %dma_wait3A_419 = arith.constant 1 : i32
    %dma_wait3A_420 = arith.constant 0 : i32
    %dma_wait3A_421 = arith.constant 0 : i32
    %dma_wait3A_422 = tpu.memref_slice %arg8[%dma_wait3A_419, %dma_wait3A_420, %dma_wait3A_421] : memref<4x64x128xf32, #tpu.memory_space<vmem>> -> memref<1x64x128xf32, #tpu.memory_space<vmem>>
    %dma_wait3A_423 = tpu.memref_squeeze %dma_wait3A_422 : memref<1x64x128xf32, #tpu.memory_space<vmem>> -> memref<64x128xf32, #tpu.memory_space<vmem>>
    %dma_wait3A_424 = arith.constant 0 : i32
    %dma_wait3A_425 = tpu.memref_slice %arg6[%dma_wait3A_418, %dma_wait3A_424] : memref<40x64xi32, #tpu.memory_space<vmem>> -> memref<1x64xi32, #tpu.memory_space<vmem>>
    %dma_wait3A_426 = tpu.memref_squeeze %dma_wait3A_425 : memref<1x64xi32, #tpu.memory_space<vmem>> -> memref<64xi32, #tpu.memory_space<vmem>>
    %dma_wait3A_427 = arith.constant 0 : i32
    %dma_wait3A_428 = arith.constant 0 : i32
    %dma_wait3A_429 = tpu.memref_slice %arg2[%dma_wait3A_427, %dma_wait3A_428] : memref<10000x128xf32, #tpu.memory_space<hbm>> -> memref<10000x128xf32, #tpu.memory_space<hbm>>
    tpu.wait_indirect_dma semaphore(%arg11 : memref<!tpu.dma_semaphore, #tpu.memory_space<semaphore_mem>>) src(%dma_wait3A_429 : memref<10000x128xf32, #tpu.memory_space<hbm>>) dst(%dma_wait3A_423 : memref<64x128xf32, #tpu.memory_space<vmem>>)
    %run_scoped3A_430 = arith.constant 1 : i32
    %run_scoped3A_431 = arith.constant 37 : i32
    "tpu.region"() ({
      %run_scoped3A_466 = tpu.sem_alloc : memref<!tpu.dma_semaphore, #tpu.memory_space<semaphore_mem>>
      %dma_start3A_467 = arith.constant 0 : i32
      %dma_start3A_468 = arith.constant 0 : i32
      %dma_start3A_469 = tpu.memref_slice %arg8[%run_scoped3A_430, %dma_start3A_467, %dma_start3A_468] : memref<4x64x128xf32, #tpu.memory_space<vmem>> -> memref<1x64x128xf32, #tpu.memory_space<vmem>>
      %dma_start3A_470 = tpu.memref_squeeze %dma_start3A_469 : memref<1x64x128xf32, #tpu.memory_space<vmem>> -> memref<64x128xf32, #tpu.memory_space<vmem>>
      %dma_start3A_471 = arith.constant 0 : i32
      %dma_start3A_472 = tpu.memref_slice %arg7[%run_scoped3A_431, %dma_start3A_471] : memref<40x64xi32, #tpu.memory_space<vmem>> -> memref<1x64xi32, #tpu.memory_space<vmem>>
      %dma_start3A_473 = tpu.memref_squeeze %dma_start3A_472 : memref<1x64xi32, #tpu.memory_space<vmem>> -> memref<64xi32, #tpu.memory_space<vmem>>
      %dma_start3A_474 = arith.constant 0 : i32
      %dma_start3A_475 = arith.constant 0 : i32
      %dma_start3A_476 = tpu.memref_slice %arg9[%dma_start3A_474, %dma_start3A_475] : memref<10240x128xf32, #tpu.memory_space<vmem_shared>> -> memref<10240x128xf32, #tpu.memory_space<vmem_shared>>
      tpu.enqueue_indirect_dma source(%dma_start3A_470 : memref<64x128xf32, #tpu.memory_space<vmem>>) target(%dma_start3A_476 : memref<10240x128xf32, #tpu.memory_space<vmem_shared>>) offsets(%dma_start3A_473 : memref<64xi32, #tpu.memory_space<vmem>>) semaphore(%run_scoped3A_466 : memref<!tpu.dma_semaphore, #tpu.memory_space<semaphore_mem>>) {add = true}
      %dma_wait3A_477 = arith.constant 0 : i32
      %dma_wait3A_478 = arith.constant 0 : i32
      %dma_wait3A_479 = tpu.memref_slice %arg8[%run_scoped3A_430, %dma_wait3A_477, %dma_wait3A_478] : memref<4x64x128xf32, #tpu.memory_space<vmem>> -> memref<1x64x128xf32, #tpu.memory_space<vmem>>
      %dma_wait3A_480 = tpu.memref_squeeze %dma_wait3A_479 : memref<1x64x128xf32, #tpu.memory_space<vmem>> -> memref<64x128xf32, #tpu.memory_space<vmem>>
      %dma_wait3A_481 = arith.constant 0 : i32
      %dma_wait3A_482 = tpu.memref_slice %arg7[%run_scoped3A_431, %dma_wait3A_481] : memref<40x64xi32, #tpu.memory_space<vmem>> -> memref<1x64xi32, #tpu.memory_space<vmem>>
      %dma_wait3A_483 = tpu.memref_squeeze %dma_wait3A_482 : memref<1x64xi32, #tpu.memory_space<vmem>> -> memref<64xi32, #tpu.memory_space<vmem>>
      %dma_wait3A_484 = arith.constant 0 : i32
      %dma_wait3A_485 = arith.constant 0 : i32
      %dma_wait3A_486 = tpu.memref_slice %arg9[%dma_wait3A_484, %dma_wait3A_485] : memref<10240x128xf32, #tpu.memory_space<vmem_shared>> -> memref<10240x128xf32, #tpu.memory_space<vmem_shared>>
      tpu.wait_indirect_dma semaphore(%run_scoped3A_466 : memref<!tpu.dma_semaphore, #tpu.memory_space<semaphore_mem>>) src(%dma_wait3A_480 : memref<64x128xf32, #tpu.memory_space<vmem>>) dst(%dma_wait3A_486 : memref<10240x128xf32, #tpu.memory_space<vmem_shared>>)
      tpu.yield
    }) : () -> ()
    %dma_wait3A_432 = arith.constant 38 : i32
    %dma_wait3A_433 = arith.constant 2 : i32
    %dma_wait3A_434 = arith.constant 0 : i32
    %dma_wait3A_435 = arith.constant 0 : i32
    %dma_wait3A_436 = tpu.memref_slice %arg8[%dma_wait3A_433, %dma_wait3A_434, %dma_wait3A_435] : memref<4x64x128xf32, #tpu.memory_space<vmem>> -> memref<1x64x128xf32, #tpu.memory_space<vmem>>
    %dma_wait3A_437 = tpu.memref_squeeze %dma_wait3A_436 : memref<1x64x128xf32, #tpu.memory_space<vmem>> -> memref<64x128xf32, #tpu.memory_space<vmem>>
    %dma_wait3A_438 = arith.constant 0 : i32
    %dma_wait3A_439 = tpu.memref_slice %arg6[%dma_wait3A_432, %dma_wait3A_438] : memref<40x64xi32, #tpu.memory_space<vmem>> -> memref<1x64xi32, #tpu.memory_space<vmem>>
    %dma_wait3A_440 = tpu.memref_squeeze %dma_wait3A_439 : memref<1x64xi32, #tpu.memory_space<vmem>> -> memref<64xi32, #tpu.memory_space<vmem>>
    %dma_wait3A_441 = arith.constant 0 : i32
    %dma_wait3A_442 = arith.constant 0 : i32
    %dma_wait3A_443 = tpu.memref_slice %arg2[%dma_wait3A_441, %dma_wait3A_442] : memref<10000x128xf32, #tpu.memory_space<hbm>> -> memref<10000x128xf32, #tpu.memory_space<hbm>>
    tpu.wait_indirect_dma semaphore(%arg12 : memref<!tpu.dma_semaphore, #tpu.memory_space<semaphore_mem>>) src(%dma_wait3A_443 : memref<10000x128xf32, #tpu.memory_space<hbm>>) dst(%dma_wait3A_437 : memref<64x128xf32, #tpu.memory_space<vmem>>)
    %run_scoped3A_444 = arith.constant 2 : i32
    %run_scoped3A_445 = arith.constant 38 : i32
    "tpu.region"() ({
      %run_scoped3A_466 = tpu.sem_alloc : memref<!tpu.dma_semaphore, #tpu.memory_space<semaphore_mem>>
      %dma_start3A_467 = arith.constant 0 : i32
      %dma_start3A_468 = arith.constant 0 : i32
      %dma_start3A_469 = tpu.memref_slice %arg8[%run_scoped3A_444, %dma_start3A_467, %dma_start3A_468] : memref<4x64x128xf32, #tpu.memory_space<vmem>> -> memref<1x64x128xf32, #tpu.memory_space<vmem>>
      %dma_start3A_470 = tpu.memref_squeeze %dma_start3A_469 : memref<1x64x128xf32, #tpu.memory_space<vmem>> -> memref<64x128xf32, #tpu.memory_space<vmem>>
      %dma_start3A_471 = arith.constant 0 : i32
      %dma_start3A_472 = tpu.memref_slice %arg7[%run_scoped3A_445, %dma_start3A_471] : memref<40x64xi32, #tpu.memory_space<vmem>> -> memref<1x64xi32, #tpu.memory_space<vmem>>
      %dma_start3A_473 = tpu.memref_squeeze %dma_start3A_472 : memref<1x64xi32, #tpu.memory_space<vmem>> -> memref<64xi32, #tpu.memory_space<vmem>>
      %dma_start3A_474 = arith.constant 0 : i32
      %dma_start3A_475 = arith.constant 0 : i32
      %dma_start3A_476 = tpu.memref_slice %arg9[%dma_start3A_474, %dma_start3A_475] : memref<10240x128xf32, #tpu.memory_space<vmem_shared>> -> memref<10240x128xf32, #tpu.memory_space<vmem_shared>>
      tpu.enqueue_indirect_dma source(%dma_start3A_470 : memref<64x128xf32, #tpu.memory_space<vmem>>) target(%dma_start3A_476 : memref<10240x128xf32, #tpu.memory_space<vmem_shared>>) offsets(%dma_start3A_473 : memref<64xi32, #tpu.memory_space<vmem>>) semaphore(%run_scoped3A_466 : memref<!tpu.dma_semaphore, #tpu.memory_space<semaphore_mem>>) {add = true}
      %dma_wait3A_477 = arith.constant 0 : i32
      %dma_wait3A_478 = arith.constant 0 : i32
      %dma_wait3A_479 = tpu.memref_slice %arg8[%run_scoped3A_444, %dma_wait3A_477, %dma_wait3A_478] : memref<4x64x128xf32, #tpu.memory_space<vmem>> -> memref<1x64x128xf32, #tpu.memory_space<vmem>>
      %dma_wait3A_480 = tpu.memref_squeeze %dma_wait3A_479 : memref<1x64x128xf32, #tpu.memory_space<vmem>> -> memref<64x128xf32, #tpu.memory_space<vmem>>
      %dma_wait3A_481 = arith.constant 0 : i32
      %dma_wait3A_482 = tpu.memref_slice %arg7[%run_scoped3A_445, %dma_wait3A_481] : memref<40x64xi32, #tpu.memory_space<vmem>> -> memref<1x64xi32, #tpu.memory_space<vmem>>
      %dma_wait3A_483 = tpu.memref_squeeze %dma_wait3A_482 : memref<1x64xi32, #tpu.memory_space<vmem>> -> memref<64xi32, #tpu.memory_space<vmem>>
      %dma_wait3A_484 = arith.constant 0 : i32
      %dma_wait3A_485 = arith.constant 0 : i32
      %dma_wait3A_486 = tpu.memref_slice %arg9[%dma_wait3A_484, %dma_wait3A_485] : memref<10240x128xf32, #tpu.memory_space<vmem_shared>> -> memref<10240x128xf32, #tpu.memory_space<vmem_shared>>
      tpu.wait_indirect_dma semaphore(%run_scoped3A_466 : memref<!tpu.dma_semaphore, #tpu.memory_space<semaphore_mem>>) src(%dma_wait3A_480 : memref<64x128xf32, #tpu.memory_space<vmem>>) dst(%dma_wait3A_486 : memref<10240x128xf32, #tpu.memory_space<vmem_shared>>)
      tpu.yield
    }) : () -> ()
    %dma_wait3A_446 = arith.constant 39 : i32
    %dma_wait3A_447 = arith.constant 3 : i32
    %dma_wait3A_448 = arith.constant 0 : i32
    %dma_wait3A_449 = arith.constant 0 : i32
    %dma_wait3A_450 = tpu.memref_slice %arg8[%dma_wait3A_447, %dma_wait3A_448, %dma_wait3A_449] : memref<4x64x128xf32, #tpu.memory_space<vmem>> -> memref<1x64x128xf32, #tpu.memory_space<vmem>>
    %dma_wait3A_451 = tpu.memref_squeeze %dma_wait3A_450 : memref<1x64x128xf32, #tpu.memory_space<vmem>> -> memref<64x128xf32, #tpu.memory_space<vmem>>
    %dma_wait3A_452 = arith.constant 0 : i32
    %dma_wait3A_453 = tpu.memref_slice %arg6[%dma_wait3A_446, %dma_wait3A_452] : memref<40x64xi32, #tpu.memory_space<vmem>> -> memref<1x64xi32, #tpu.memory_space<vmem>>
    %dma_wait3A_454 = tpu.memref_squeeze %dma_wait3A_453 : memref<1x64xi32, #tpu.memory_space<vmem>> -> memref<64xi32, #tpu.memory_space<vmem>>
    %dma_wait3A_455 = arith.constant 0 : i32
    %dma_wait3A_456 = arith.constant 0 : i32
    %dma_wait3A_457 = tpu.memref_slice %arg2[%dma_wait3A_455, %dma_wait3A_456] : memref<10000x128xf32, #tpu.memory_space<hbm>> -> memref<10000x128xf32, #tpu.memory_space<hbm>>
    tpu.wait_indirect_dma semaphore(%arg13 : memref<!tpu.dma_semaphore, #tpu.memory_space<semaphore_mem>>) src(%dma_wait3A_457 : memref<10000x128xf32, #tpu.memory_space<hbm>>) dst(%dma_wait3A_451 : memref<64x128xf32, #tpu.memory_space<vmem>>)
    %run_scoped3A_458 = arith.constant 3 : i32
    %run_scoped3A_459 = arith.constant 39 : i32
    "tpu.region"() ({
      %run_scoped3A_466 = tpu.sem_alloc : memref<!tpu.dma_semaphore, #tpu.memory_space<semaphore_mem>>
      %dma_start3A_467 = arith.constant 0 : i32
      %dma_start3A_468 = arith.constant 0 : i32
      %dma_start3A_469 = tpu.memref_slice %arg8[%run_scoped3A_458, %dma_start3A_467, %dma_start3A_468] : memref<4x64x128xf32, #tpu.memory_space<vmem>> -> memref<1x64x128xf32, #tpu.memory_space<vmem>>
      %dma_start3A_470 = tpu.memref_squeeze %dma_start3A_469 : memref<1x64x128xf32, #tpu.memory_space<vmem>> -> memref<64x128xf32, #tpu.memory_space<vmem>>
      %dma_start3A_471 = arith.constant 0 : i32
      %dma_start3A_472 = tpu.memref_slice %arg7[%run_scoped3A_459, %dma_start3A_471] : memref<40x64xi32, #tpu.memory_space<vmem>> -> memref<1x64xi32, #tpu.memory_space<vmem>>
      %dma_start3A_473 = tpu.memref_squeeze %dma_start3A_472 : memref<1x64xi32, #tpu.memory_space<vmem>> -> memref<64xi32, #tpu.memory_space<vmem>>
      %dma_start3A_474 = arith.constant 0 : i32
      %dma_start3A_475 = arith.constant 0 : i32
      %dma_start3A_476 = tpu.memref_slice %arg9[%dma_start3A_474, %dma_start3A_475] : memref<10240x128xf32, #tpu.memory_space<vmem_shared>> -> memref<10240x128xf32, #tpu.memory_space<vmem_shared>>
      tpu.enqueue_indirect_dma source(%dma_start3A_470 : memref<64x128xf32, #tpu.memory_space<vmem>>) target(%dma_start3A_476 : memref<10240x128xf32, #tpu.memory_space<vmem_shared>>) offsets(%dma_start3A_473 : memref<64xi32, #tpu.memory_space<vmem>>) semaphore(%run_scoped3A_466 : memref<!tpu.dma_semaphore, #tpu.memory_space<semaphore_mem>>) {add = true}
      %dma_wait3A_477 = arith.constant 0 : i32
      %dma_wait3A_478 = arith.constant 0 : i32
      %dma_wait3A_479 = tpu.memref_slice %arg8[%run_scoped3A_458, %dma_wait3A_477, %dma_wait3A_478] : memref<4x64x128xf32, #tpu.memory_space<vmem>> -> memref<1x64x128xf32, #tpu.memory_space<vmem>>
      %dma_wait3A_480 = tpu.memref_squeeze %dma_wait3A_479 : memref<1x64x128xf32, #tpu.memory_space<vmem>> -> memref<64x128xf32, #tpu.memory_space<vmem>>
      %dma_wait3A_481 = arith.constant 0 : i32
      %dma_wait3A_482 = tpu.memref_slice %arg7[%run_scoped3A_459, %dma_wait3A_481] : memref<40x64xi32, #tpu.memory_space<vmem>> -> memref<1x64xi32, #tpu.memory_space<vmem>>
      %dma_wait3A_483 = tpu.memref_squeeze %dma_wait3A_482 : memref<1x64xi32, #tpu.memory_space<vmem>> -> memref<64xi32, #tpu.memory_space<vmem>>
      %dma_wait3A_484 = arith.constant 0 : i32
      %dma_wait3A_485 = arith.constant 0 : i32
      %dma_wait3A_486 = tpu.memref_slice %arg9[%dma_wait3A_484, %dma_wait3A_485] : memref<10240x128xf32, #tpu.memory_space<vmem_shared>> -> memref<10240x128xf32, #tpu.memory_space<vmem_shared>>
      tpu.wait_indirect_dma semaphore(%run_scoped3A_466 : memref<!tpu.dma_semaphore, #tpu.memory_space<semaphore_mem>>) src(%dma_wait3A_480 : memref<64x128xf32, #tpu.memory_space<vmem>>) dst(%dma_wait3A_486 : memref<10240x128xf32, #tpu.memory_space<vmem_shared>>)
      tpu.yield
    }) : () -> ()
    %barrier3A_460 = arith.constant 0 : index
    tpu.barrier barrier_id(%barrier3A_460)
    "tpu.trace_stop"() : () -> ()
    "tpu.trace_start"() <{level = 10 : i32, message = "sc_writeout"}> : () -> ()
    %scan3A_461 = arith.constant 0 : i32
    %scan3A_462 = arith.constant 10 : i32
    %scan3A_463 = arith.addi %scan3A_461, %scan3A_462 : i32
    %scan3A_464 = arith.constant 1 : i32
    scf.for %scan3A_466 = %scan3A_461 to %scan3A_463 step %scan3A_464  : i32 {
      %mul3A_467 = arith.constant 1 : i32
      %mul3A_468 = arith.muli %scan3A_466, %mul3A_467 : i32
      %add3A_469 = arith.constant 0 : i32
      %add3A_470 = arith.addi %add3A_469, %mul3A_468 : i32
      %mul3A_471 = arith.constant 640 : i32
      %mul3A_472 = arith.muli %arg1, %mul3A_471 : i32
      %mul3A_473 = arith.constant 64 : i32
      %mul3A_474 = arith.muli %add3A_470, %mul3A_473 : i32
      %add3A_475 = arith.addi %mul3A_472, %mul3A_474 : i32
      "tpu.region"() ({
        %run_scoped3A_476 = tpu.sem_alloc : memref<!tpu.dma_semaphore, #tpu.memory_space<semaphore_mem>>
        %dma_start3A_477 = arith.constant 0 : i32
        %dma_start3A_478 = arith.constant 0 : i32
        %dma_start3A_479 = tpu.memref_slice %arg5[%arg0, %dma_start3A_477, %dma_start3A_478] : memref<2x10240x128xf32, #tpu.memory_space<hbm>> -> memref<1x10240x128xf32, #tpu.memory_space<hbm>>
        %dma_start3A_480 = tpu.memref_squeeze %dma_start3A_479 : memref<1x10240x128xf32, #tpu.memory_space<hbm>> -> memref<10240x128xf32, #tpu.memory_space<hbm>>
        %dma_start3A_481 = arith.constant 0 : i32
        %dma_start3A_482 = tpu.memref_slice %dma_start3A_480[%add3A_475, %dma_start3A_481] : memref<10240x128xf32, #tpu.memory_space<hbm>> -> memref<64x128xf32, #tpu.memory_space<hbm>>
        %dma_start3A_483 = arith.constant 0 : i32
        %dma_start3A_484 = tpu.memref_slice %arg9[%add3A_475, %dma_start3A_483] : memref<10240x128xf32, #tpu.memory_space<vmem_shared>> -> memref<64x128xf32, #tpu.memory_space<vmem_shared>>
        tpu.enqueue_dma source(%dma_start3A_484 : memref<64x128xf32, #tpu.memory_space<vmem_shared>>) target(%dma_start3A_482 : memref<64x128xf32, #tpu.memory_space<hbm>>) target_semaphore(%run_scoped3A_476 : memref<!tpu.dma_semaphore, #tpu.memory_space<semaphore_mem>>)
        %dma_wait3A_485 = arith.constant 0 : i32
        %dma_wait3A_486 = arith.constant 0 : i32
        %dma_wait3A_487 = tpu.memref_slice %arg5[%arg0, %dma_wait3A_485, %dma_wait3A_486] : memref<2x10240x128xf32, #tpu.memory_space<hbm>> -> memref<1x10240x128xf32, #tpu.memory_space<hbm>>
        %dma_wait3A_488 = tpu.memref_squeeze %dma_wait3A_487 : memref<1x10240x128xf32, #tpu.memory_space<hbm>> -> memref<10240x128xf32, #tpu.memory_space<hbm>>
        %dma_wait3A_489 = arith.constant 0 : i32
        %dma_wait3A_490 = tpu.memref_slice %dma_wait3A_488[%add3A_475, %dma_wait3A_489] : memref<10240x128xf32, #tpu.memory_space<hbm>> -> memref<64x128xf32, #tpu.memory_space<hbm>>
        %dma_wait3A_491 = arith.constant 0 : i32
        %dma_wait3A_492 = tpu.memref_slice %arg9[%add3A_475, %dma_wait3A_491] : memref<10240x128xf32, #tpu.memory_space<vmem_shared>> -> memref<64x128xf32, #tpu.memory_space<vmem_shared>>
        tpu.wait_dma2 semaphore(%run_scoped3A_476 : memref<!tpu.dma_semaphore, #tpu.memory_space<semaphore_mem>>) src(%dma_wait3A_492 : memref<64x128xf32, #tpu.memory_space<vmem_shared>>) dst(%dma_wait3A_490 : memref<64x128xf32, #tpu.memory_space<hbm>>)
        tpu.yield
      }) : () -> ()
    }
    %scan3A_465 = arith.constant 10 : i32
    "tpu.trace_stop"() : () -> ()
    return
  }
}

module attributes {stable_mosaic.version = 14 : i64} {
  func.func @_tc_dense_body(%arg0: memref<2x10240x128xf32, #tpu.memory_space<vmem>>, %arg1: memref<32x128xf32, #tpu.memory_space<vmem>>, %arg2: memref<32x128xf32, #tpu.memory_space<vmem>>, %arg3: memref<1x128xf32, #tpu.memory_space<vmem>>, %arg4: memref<1x128xf32, #tpu.memory_space<vmem>>, %arg5: memref<10000x128xf32, #tpu.memory_space<vmem>>) attributes {dimension_semantics = [], scalar_prefetch = 0 : i64, scratch_operands = 0 : i64, tpu.core_type = #tpu.core_type<tc>} {
    %get3A = arith.constant 0 : index
    %get3A_0 = arith.constant 0 : index
    %get3A_1 = arith.constant 0 : index
    %get3A_2 = vector.load %arg0[%get3A, %get3A_0, %get3A_1] : memref<2x10240x128xf32, #tpu.memory_space<vmem>>, vector<1x10000x128xf32>
    %get3A_3 = vector.shape_cast %get3A_2 : vector<1x10000x128xf32> to vector<10000x128xf32>
    %get3A_4 = arith.constant 1 : index
    %get3A_5 = arith.constant 0 : index
    %get3A_6 = arith.constant 0 : index
    %get3A_7 = vector.load %arg0[%get3A_4, %get3A_5, %get3A_6] : memref<2x10240x128xf32, #tpu.memory_space<vmem>>, vector<1x10000x128xf32>
    %get3A_8 = vector.shape_cast %get3A_7 : vector<1x10000x128xf32> to vector<10000x128xf32>
    %add3A = arith.addf %get3A_3, %get3A_8 : vector<10000x128xf32>
    %get3A_9 = arith.constant 0 : index
    %get3A_10 = arith.constant 0 : index
    %get3A_11 = vector.load %arg1[%get3A_9, %get3A_10] : memref<32x128xf32, #tpu.memory_space<vmem>>, vector<32x128xf32>
    %split3A = vector.extract_strided_slice %get3A_11 {offsets = [0, 0], sizes = [32, 32], strides = [1, 1]} : vector<32x128xf32> to vector<32x32xf32>
    %split3A_12 = vector.extract_strided_slice %get3A_11 {offsets = [0, 32], sizes = [32, 32], strides = [1, 1]} : vector<32x128xf32> to vector<32x32xf32>
    %split3A_13 = vector.extract_strided_slice %get3A_11 {offsets = [0, 64], sizes = [32, 32], strides = [1, 1]} : vector<32x128xf32> to vector<32x32xf32>
    %split3A_14 = vector.extract_strided_slice %get3A_11 {offsets = [0, 96], sizes = [32, 32], strides = [1, 1]} : vector<32x128xf32> to vector<32x32xf32>
    %neg3A = arith.constant 0.000000e+00 : f32
    %neg3A_15 = vector.broadcast %neg3A : f32 to vector<32x32xf32>
    %neg3A_16 = arith.subf %neg3A_15, %split3A_12 : vector<32x32xf32>
    %neg3A_17 = arith.constant 0.000000e+00 : f32
    %neg3A_18 = vector.broadcast %neg3A_17 : f32 to vector<32x32xf32>
    %neg3A_19 = arith.subf %neg3A_18, %split3A_13 : vector<32x32xf32>
    %neg3A_20 = arith.constant 0.000000e+00 : f32
    %neg3A_21 = vector.broadcast %neg3A_20 : f32 to vector<32x32xf32>
    %neg3A_22 = arith.subf %neg3A_21, %split3A_14 : vector<32x32xf32>
    %concatenate3A = tpu.concatenate %split3A, %neg3A_16, %neg3A_19, %neg3A_22 in 0 : vector<32x32xf32>, vector<32x32xf32>, vector<32x32xf32>, vector<32x32xf32> -> vector<128x32xf32>
    %neg3A_23 = arith.constant 0.000000e+00 : f32
    %neg3A_24 = vector.broadcast %neg3A_23 : f32 to vector<32x32xf32>
    %neg3A_25 = arith.subf %neg3A_24, %split3A_14 : vector<32x32xf32>
    %concatenate3A_26 = tpu.concatenate %split3A_12, %split3A, %neg3A_25, %split3A_13 in 0 : vector<32x32xf32>, vector<32x32xf32>, vector<32x32xf32>, vector<32x32xf32> -> vector<128x32xf32>
    %neg3A_27 = arith.constant 0.000000e+00 : f32
    %neg3A_28 = vector.broadcast %neg3A_27 : f32 to vector<32x32xf32>
    %neg3A_29 = arith.subf %neg3A_28, %split3A_12 : vector<32x32xf32>
    %concatenate3A_30 = tpu.concatenate %split3A_13, %split3A_14, %split3A, %neg3A_29 in 0 : vector<32x32xf32>, vector<32x32xf32>, vector<32x32xf32>, vector<32x32xf32> -> vector<128x32xf32>
    %neg3A_31 = arith.constant 0.000000e+00 : f32
    %neg3A_32 = vector.broadcast %neg3A_31 : f32 to vector<32x32xf32>
    %neg3A_33 = arith.subf %neg3A_32, %split3A_13 : vector<32x32xf32>
    %concatenate3A_34 = tpu.concatenate %split3A_14, %neg3A_33, %split3A_12, %split3A in 0 : vector<32x32xf32>, vector<32x32xf32>, vector<32x32xf32>, vector<32x32xf32> -> vector<128x32xf32>
    %concatenate3A_35 = tpu.concatenate %concatenate3A, %concatenate3A_26, %concatenate3A_30, %concatenate3A_34 in 1 : vector<128x32xf32>, vector<128x32xf32>, vector<128x32xf32>, vector<128x32xf32> -> vector<128x128xf32>
    %dot_general3A = arith.constant dense<0.000000e+00> : vector<10000x128xf32>
    %dot_general3A_36 = tpu.matmul %add3A, %concatenate3A_35, %dot_general3A {dimension_numbers = #tpu.dot_dimension_numbers<[1], [0], [0], [1], [0, 0, 1, 1], [], []>, transpose_lhs_hint = false} : vector<10000x128xf32>, vector<128x128xf32>, vector<10000x128xf32> -> vector<10000x128xf32>
    %reduce_sum3A = arith.constant dense<0.000000e+00> : vector<128xf32>
    %reduce_sum3A_37 = vector.multi_reduction <add>, %dot_general3A_36, %reduce_sum3A [0] : vector<10000x128xf32> to vector<128xf32>
    %broadcast_in_dim3A = vector.shape_cast %reduce_sum3A_37 : vector<128xf32> to vector<1x128xf32>
    %div3A = arith.constant 1.000000e+04 : f32
    %div3A_38 = vector.broadcast %div3A : f32 to vector<1x128xf32>
    %div3A_39 = arith.divf %broadcast_in_dim3A, %div3A_38 : vector<1x128xf32>
    %sub3A = vector.broadcast %div3A_39 : vector<1x128xf32> to vector<10000x128xf32>
    %sub3A_40 = arith.subf %dot_general3A_36, %sub3A : vector<10000x128xf32>
    %integer_pow3A = arith.mulf %sub3A_40, %sub3A_40 : vector<10000x128xf32>
    %reduce_sum3A_41 = arith.constant dense<0.000000e+00> : vector<128xf32>
    %reduce_sum3A_42 = vector.multi_reduction <add>, %integer_pow3A, %reduce_sum3A_41 [0] : vector<10000x128xf32> to vector<128xf32>
    %broadcast_in_dim3A_43 = vector.shape_cast %reduce_sum3A_42 : vector<128xf32> to vector<1x128xf32>
    %div3A_44 = arith.constant 1.000000e+04 : f32
    %div3A_45 = vector.broadcast %div3A_44 : f32 to vector<1x128xf32>
    %div3A_46 = arith.divf %broadcast_in_dim3A_43, %div3A_45 : vector<1x128xf32>
    %sub3A_47 = vector.broadcast %div3A_39 : vector<1x128xf32> to vector<10000x128xf32>
    %sub3A_48 = arith.subf %dot_general3A_36, %sub3A_47 : vector<10000x128xf32>
    %add3A_49 = arith.constant 9.99999974E-6 : f32
    %add3A_50 = vector.broadcast %add3A_49 : f32 to vector<1x128xf32>
    %add3A_51 = arith.addf %div3A_46, %add3A_50 : vector<1x128xf32>
    %rsqrt3A = math.rsqrt %add3A_51 : vector<1x128xf32>
    %mul3A = vector.broadcast %rsqrt3A : vector<1x128xf32> to vector<10000x128xf32>
    %mul3A_52 = arith.mulf %sub3A_48, %mul3A : vector<10000x128xf32>
    %get3A_53 = arith.constant 0 : index
    %get3A_54 = arith.constant 0 : index
    %get3A_55 = vector.load %arg3[%get3A_53, %get3A_54] : memref<1x128xf32, #tpu.memory_space<vmem>>, vector<1x128xf32>
    %mul3A_56 = vector.broadcast %get3A_55 : vector<1x128xf32> to vector<10000x128xf32>
    %mul3A_57 = arith.mulf %mul3A_52, %mul3A_56 : vector<10000x128xf32>
    %get3A_58 = arith.constant 0 : index
    %get3A_59 = arith.constant 0 : index
    %get3A_60 = vector.load %arg4[%get3A_58, %get3A_59] : memref<1x128xf32, #tpu.memory_space<vmem>>, vector<1x128xf32>
    %add3A_61 = vector.broadcast %get3A_60 : vector<1x128xf32> to vector<10000x128xf32>
    %add3A_62 = arith.addf %mul3A_57, %add3A_61 : vector<10000x128xf32>
    %tanh3A = math.tanh %add3A_62 : vector<10000x128xf32>
    %get3A_63 = arith.constant 0 : index
    %get3A_64 = arith.constant 0 : index
    %get3A_65 = vector.load %arg2[%get3A_63, %get3A_64] : memref<32x128xf32, #tpu.memory_space<vmem>>, vector<32x128xf32>
    %split3A_66 = vector.extract_strided_slice %get3A_65 {offsets = [0, 0], sizes = [32, 32], strides = [1, 1]} : vector<32x128xf32> to vector<32x32xf32>
    %split3A_67 = vector.extract_strided_slice %get3A_65 {offsets = [0, 32], sizes = [32, 32], strides = [1, 1]} : vector<32x128xf32> to vector<32x32xf32>
    %split3A_68 = vector.extract_strided_slice %get3A_65 {offsets = [0, 64], sizes = [32, 32], strides = [1, 1]} : vector<32x128xf32> to vector<32x32xf32>
    %split3A_69 = vector.extract_strided_slice %get3A_65 {offsets = [0, 96], sizes = [32, 32], strides = [1, 1]} : vector<32x128xf32> to vector<32x32xf32>
    %neg3A_70 = arith.constant 0.000000e+00 : f32
    %neg3A_71 = vector.broadcast %neg3A_70 : f32 to vector<32x32xf32>
    %neg3A_72 = arith.subf %neg3A_71, %split3A_67 : vector<32x32xf32>
    %neg3A_73 = arith.constant 0.000000e+00 : f32
    %neg3A_74 = vector.broadcast %neg3A_73 : f32 to vector<32x32xf32>
    %neg3A_75 = arith.subf %neg3A_74, %split3A_68 : vector<32x32xf32>
    %neg3A_76 = arith.constant 0.000000e+00 : f32
    %neg3A_77 = vector.broadcast %neg3A_76 : f32 to vector<32x32xf32>
    %neg3A_78 = arith.subf %neg3A_77, %split3A_69 : vector<32x32xf32>
    %concatenate3A_79 = tpu.concatenate %split3A_66, %neg3A_72, %neg3A_75, %neg3A_78 in 0 : vector<32x32xf32>, vector<32x32xf32>, vector<32x32xf32>, vector<32x32xf32> -> vector<128x32xf32>
    %neg3A_80 = arith.constant 0.000000e+00 : f32
    %neg3A_81 = vector.broadcast %neg3A_80 : f32 to vector<32x32xf32>
    %neg3A_82 = arith.subf %neg3A_81, %split3A_69 : vector<32x32xf32>
    %concatenate3A_83 = tpu.concatenate %split3A_67, %split3A_66, %neg3A_82, %split3A_68 in 0 : vector<32x32xf32>, vector<32x32xf32>, vector<32x32xf32>, vector<32x32xf32> -> vector<128x32xf32>
    %neg3A_84 = arith.constant 0.000000e+00 : f32
    %neg3A_85 = vector.broadcast %neg3A_84 : f32 to vector<32x32xf32>
    %neg3A_86 = arith.subf %neg3A_85, %split3A_67 : vector<32x32xf32>
    %concatenate3A_87 = tpu.concatenate %split3A_68, %split3A_69, %split3A_66, %neg3A_86 in 0 : vector<32x32xf32>, vector<32x32xf32>, vector<32x32xf32>, vector<32x32xf32> -> vector<128x32xf32>
    %neg3A_88 = arith.constant 0.000000e+00 : f32
    %neg3A_89 = vector.broadcast %neg3A_88 : f32 to vector<32x32xf32>
    %neg3A_90 = arith.subf %neg3A_89, %split3A_68 : vector<32x32xf32>
    %concatenate3A_91 = tpu.concatenate %split3A_69, %neg3A_90, %split3A_67, %split3A_66 in 0 : vector<32x32xf32>, vector<32x32xf32>, vector<32x32xf32>, vector<32x32xf32> -> vector<128x32xf32>
    %concatenate3A_92 = tpu.concatenate %concatenate3A_79, %concatenate3A_83, %concatenate3A_87, %concatenate3A_91 in 1 : vector<128x32xf32>, vector<128x32xf32>, vector<128x32xf32>, vector<128x32xf32> -> vector<128x128xf32>
    %dot_general3A_93 = arith.constant dense<0.000000e+00> : vector<10000x128xf32>
    %dot_general3A_94 = tpu.matmul %tanh3A, %concatenate3A_92, %dot_general3A_93 {dimension_numbers = #tpu.dot_dimension_numbers<[1], [0], [0], [1], [0, 0, 1, 1], [], []>, transpose_lhs_hint = false} : vector<10000x128xf32>, vector<128x128xf32>, vector<10000x128xf32> -> vector<10000x128xf32>
    %swap3A = arith.constant 0 : index
    %swap3A_95 = arith.constant 0 : index
    %swap3A_96 = vector.load %arg5[%swap3A, %swap3A_95] : memref<10000x128xf32, #tpu.memory_space<vmem>>, vector<10000x128xf32>
    tpu.vector_store %arg5[%swap3A, %swap3A_95], %dot_general3A_94 {strides = array<i32>} : memref<10000x128xf32, #tpu.memory_space<vmem>>, vector<10000x128xf32>,
    return
  }
}

</mosaic_0001>

<sc_bundles>
// kernel: kernel.4.cloned.1.call-start
scs
__scs_entry_jumppad:
0x0: {  	(pc) =	sbr.rel $0x88, $3  }
0x1: {  	(tag) =	ssettag $0x0;
	lr =	simm.s32 $0x1  }
0x2: {  	[smem:$0x3F9B] =	sst lr;
	_ =	strace $0xD0000000  }
0x3: {  	_ = 	snop  }
0x4: {  	_ = 	snop  }
0x5: {  	_ = 	snop  }
0x6: {  	_ = 	snop  }
0x7: {  	_ = 	snop  }
__scs_overlays_trampoline_lowered:
0x8: {  	[smem:$0x3FAA] =	sst s0  }
0x9: {  	[smem:$0x3FAB] =	sst s1  }
0xa: {  	[smem:$0x3FAC] =	sst s2  }
0xb: {  	[smem:$0x3FAD] =	sst s3  }
0xc: {  	[smem:$0x3FAE] =	sst s4  }
0xd: {  	[smem:$0x3FAF] =	sst s5  }
0xe: {  	[smem:$0x3FB0] =	sst s6  }
0xf: {  	[smem:$0x3FB1] =	sst s7  }
0x10: {  	[smem:$0x3FB2] =	sst s8  }
0x11: {  	[smem:$0x3FB3] =	sst s9;
	s0 =	simm.s32 @!p0 $0x0  }
0x12: {  	s1 =	sld [smem:$0x3F99];
	s0 =	simm.s32 @p0 $0x1  }
0x13: {  	[smem:$0x3FB4] =	sst s0;
	s0 =	simm.s32 @!p1 $0x0  }
0x14: {  	s2 =	sld [smem:$0x3F98];
	s0 =	simm.s32 @p1 $0x1  }
0x15: {  	[smem:$0x3FB5] =	sst s0;
	s0 =	simm.s32 @!p2 $0x0  }
0x16: {  	s3 =	sld [smem:$0x3FDB];
	s0 =	simm.s32 @p2 $0x1  }
0x17: {  	s4 =	simm.s32 $0x1BF5;
	[smem:$0x3FB7] =	sst s0  }
0x18: {  	s0 =	sld [smem:$0x3F9A];
	_ =	swait.ge [sflag:s4], $0x0  }
0x19: {  	s7 =	sld [smem:$0x3F9B]  }
0x1a: {  	s8 =	sadd.s32 $0xFFFFE003, lr  }
0x1b: {  	s9 =	sadd.s32 $0xFFFFFEF7, lr;
	s5 =	simm.s32 $0xFFFFFFFF;
	p2 =	slt.u32 s8, $0xFFFFF086  }
0x1c: {  	p1 =	slt.u32 s9, $0xF7A;
	s5 =	simm.s32 @!p2 $0x0  }
0x1d: {  	s5 =	simm.s32 @p1 $0x1;
	p0 =	seq.s32 s7, s2  }
0x1e: {  	s7 =	smul.u32 @!p0 $0xF7A, s2;
	p2 =	seq.s32 @!p0 s5, $0x0  }
0x1f: {  	s9 =	smul.u32 $0xF7A, s1;
	s8 =	simm.s32 @!p0 $0x1BF5;
	p2 =	por !p2, p0  }
0x20: {  	[sflag:s8] =	ssyncset.s32 @!p0 $0xFFFFF086;
	s6 =	sadd.s32 @!p0 s3, s7;
	s7 =	simm.s32 @!p0 $0x108  }
0x21: {  	s3 =	sadd.s32 s3, s9;
	s6 =	sadd.s32 @!p0 $0x88, s6;
	s7 =	simm.s32 @p2 $0x1082  }
0x22: {  	[simem:s7], [sflag:s8] =	dma.local @!p0 [hbm:s6], $0xF7A  }
0x23: {  	s9 =	sor.u32 $0xD0000000, s2;
	s6 =	simm.s32 $0x108;
	_ =	swait.ge @!p0 [sflag:s8], $0x0  }
0x24: {  	s3 =	sadd.s32 $0x88, s3;
	s6 =	simm.s32 @!p1 $0x1082;
	[sflag:s4] =	ssyncset.s32 $0xFFFFF086  }
0x25: {  	[simem:s6], [sflag:s4] =	dma.local [hbm:s3], $0xF7A  }
0x26: {  	[smem:$0x3F9B] =	sst s1;
	(tag) =	ssettag s2;
	_ =	strace s9  }
0x27: {  	s1 =	sld [smem:$0x3FAB]  }
0x28: {  	s2 =	sld [smem:$0x3FAC]  }
0x29: {  	s4 =	sld [smem:$0x3FAE]  }
0x2a: {  	p0 =	seq.s32 s5, $0x0;
	s5 =	sld [smem:$0x3FAF]  }
0x2b: {  	s6 =	sld [smem:$0x3FB0]  }
0x2c: {  	s7 =	sld [smem:$0x3FB1]  }
0x2d: {  	s3 =	simm.s32 $0x108;
	s8 =	sld [smem:$0x3FB2]  }
0x2e: {  	s3 =	simm.s32 @!p0 $0x1082;
	s9 =	sld [smem:$0x3FB3]  }
0x2f: {  	lr =	sadd.s32 s0, s3;
	s0 =	sld [smem:$0x3FAA]  }
0x30: {  	s3 =	sld [smem:$0x3FAD]  }
0x31: {  	[smem:$0x3FB6] =	sst s10  }
0x32: {  	s10 =	sld [smem:$0x3FB4];
	_ =	sdelay $0x3  }
0x33: {  	p0 =	seq.s32 s10, $0x1;
	s10 =	sld [smem:$0x3FB6];
	_ =	sdelay $0x3  }
0x34: {  	[smem:$0x3FB6] =	sst s10  }
0x35: {  	s10 =	sld [smem:$0x3FB5];
	_ =	sdelay $0x3  }
0x36: {  	p1 =	seq.s32 s10, $0x1;
	s10 =	sld [smem:$0x3FB6];
	_ =	sdelay $0x3  }
0x37: {  	[smem:$0x3FB6] =	sst s10  }
0x38: {  	s10 =	sld [smem:$0x3FB7]  }
0x39: {  	_ = 	snop;
	(pc) =	sbr.ind lr, $3  }
0x3a: {  	_ = 	snop  }
0x3b: {  	_ = 	snop  }
0x3c: {  	p2 =	seq.s32 s10, $0x1;
	s10 =	sld [smem:$0x3FB6]  }
0x3d: {  	_ =	shalt  }
0x3e: {  	_ =	shalt  }
0x3f: {  	_ =	shalt  }
0x40: {  	_ =	shalt  }
0x41: {  	_ =	shalt  }
0x42: {  	_ =	shalt  }
0x43: {  	_ =	shalt  }
0x44: {  	_ =	shalt  }
0x45: {  	_ =	shalt  }
0x46: {  	_ =	shalt  }
0x47: {  	_ =	shalt  }
0x48: {  	_ =	shalt  }
0x49: {  	_ =	shalt  }
0x4a: {  	_ =	shalt  }
0x4b: {  	_ =	shalt  }
0x4c: {  	_ =	shalt  }
0x4d: {  	_ =	shalt  }
0x4e: {  	_ =	shalt  }
0x4f: {  	_ =	shalt  }
0x50: {  	_ =	shalt  }
0x51: {  	_ =	shalt  }
0x52: {  	_ =	shalt  }
0x53: {  	_ =	shalt  }
0x54: {  	_ =	shalt  }
0x55: {  	_ =	shalt  }
0x56: {  	_ =	shalt  }
0x57: {  	_ =	shalt  }
0x58: {  	_ =	shalt  }
0x59: {  	_ =	shalt  }
0x5a: {  	_ =	shalt  }
0x5b: {  	_ =	shalt  }
0x5c: {  	_ =	shalt  }
0x5d: {  	_ =	shalt  }
0x5e: {  	_ =	shalt  }
0x5f: {  	_ =	shalt  }
0x60: {  	_ =	shalt  }
0x61: {  	_ =	shalt  }
0x62: {  	_ =	shalt  }
0x63: {  	_ =	shalt  }
0x64: {  	_ =	shalt  }
0x65: {  	_ =	shalt  }
0x66: {  	_ =	shalt  }
0x67: {  	_ =	shalt  }
0x68: {  	_ =	shalt  }
0x69: {  	_ =	shalt  }
0x6a: {  	_ =	shalt  }
0x6b: {  	_ =	shalt  }
0x6c: {  	_ =	shalt  }
0x6d: {  	_ =	shalt  }
0x6e: {  	_ =	shalt  }
0x6f: {  	_ =	shalt  }
0x70: {  	_ =	shalt  }
0x71: {  	_ =	shalt  }
0x72: {  	_ =	shalt  }
0x73: {  	_ =	shalt  }
0x74: {  	_ =	shalt  }
0x75: {  	_ =	shalt  }
0x76: {  	_ =	shalt  }
0x77: {  	_ =	shalt  }
0x78: {  	_ =	shalt  }
0x79: {  	_ =	shalt  }
0x7a: {  	_ =	shalt  }
0x7b: {  	_ =	shalt  }
0x7c: {  	_ =	shalt  }
0x7d: {  	_ =	shalt  }
0x7e: {  	_ =	shalt  }
0x7f: {  	_ =	shalt  }
0x80: {  	_ =	shalt  }
0x81: {  	_ =	shalt  }
0x82: {  	_ =	shalt  }
0x83: {  	_ =	shalt  }
0x84: {  	_ =	shalt  }
0x85: {  	_ =	shalt  }
0x86: {  	_ =	shalt  }
0x87: {  	_ =	shalt  }
.Lfunc_end0:
.L_simem_size_0:
called_computation_lowered:
.L_overlay_start_0:
0x88: {  	s2 =	sld [smem:$0x3FD9]  }
0x89: {  	s3 =	sld [smem:$0x3FFE];
	_ =	sdelay $0x1  }
0x8a: {  	s1 =	srdreg.scid  }
0x8b: {  	s0 =	sand.u32 $0x1, s1  }
0x8c: {  	s17 =	sshll.u32 s0, $0xA;
	s2 =	sadd.s32 s3, s2  }
0x8d: {  	s2 =	sadd.s32 s2, s17  }
0x8e: {  	[smem:$0x3FC2] =	sst s2  }
0x8f: {  	_ = 	snop  }
0x90: {  	s2 =	sld [smem:$0x3FC9]  }
0x91: {  	s18 =	sld [smem:$0x3FD0];
	(tm) =	ssettm $0x1  }
0x92: {  	s4 =	sld [smem:$0x3FFB];
	_ =	sdelay $0x3  }
0x93: {  	_ =	strace s4  }
0x94: {  	s4 =	sld [smem:$0x3FFC];
	_ =	sdelay $0x3  }
0x95: {  	_ =	strace s4  }
0x96: {  	s4 =	sld [smem:$0x3FFD];
	_ =	sdelay $0x3  }
0x97: {  	_ =	strace s4  }
0x98: {  	_ =	strace $0x8FFFFFFF  }
0x99: {  	s19 =	sld [smem:$0x3FDB];
	_ =	sdelay $0x1  }
0x9a: {  	s5 =	simm.s32 $_scs_section_size  }
0x9b: {  	s6 =	simm.s32 $_size__tile_overlayer_lowered;
	s7 =	simm.s32 $_tile_overlayer_lowered  }
0x9c: {  	s22 =	simm.s32 $0x1BFF;
	s21 =	sshll.u32 s7, $0x1;
	s4 =	sadd.s32 s5, s19  }
0x9d: {  	s8 =	simm.s32 $0x0;
	s20 =	sshll.u32 s6, $0x1;
	s6 =	sadd.s32 s21, s4  }
0x9e: {  	[timem:s8], [sflag:s22] =	dma.local [hbm:s6], s20  }
0x9f: {  	_ =	swait.ge [sflag:s22], s20  }
0xa0: {  	s5 =	ssub.s32 $0x0, s20;
	[sflag:s22] =	ssyncset.done $0x0  }
0xa1: {  	[sflag:s22] =	ssyncadd.s32 s5;
	_ =	sdelay $0x1  }
0xa2: {  	s23 =	simm.s32 $0x1B8B  }
0xa3: {  	_ =	swait.ge [sflag:s23], $0x1  }
0xa4: {  	[sflag:s23] =	ssyncset.done $0x0  }
0xa5: {  	s25 =	simm.s32 $0x1B8E;
	s24 =	sld [smem:$0x3FFE];
	[sflag:s23] =	ssyncadd.s32 $0xFFFFFFFF  }
0xa6: {  	s26 =	simm.s32 $execute0_lowered;
	[smem:$0x3FD2] =	sst s25  }
0xa7: {  	s6 =	sshll.u32 s26, $0x1;
	_ =	strace $0x80000046;
	[dreg:$0x1] =	wrdreg $0xFFFFFFFF  }
0xa8: {  	s28 =	simm.s32 $_size_execute0_lowered;
	s4 =	sadd.s32 s4, s6;
	[dreg:$0x0] =	wrdreg $0x0  }
0xa9: {  	s6 =	sshll.u32 s28, $0x1;
	[dreg:$0x2] =	wrdreg s4  }
0xaa: {  	[dreg:$0x3] =	wrdreg s6  }
0xab: {  	[dreg:$0x4] =	wrdreg $0xC0  }
0xac: {  	_ =	task [dreg:s8], $0x5FFFF  }
0xad: {  	[dreg:$0x1] =	wrdreg $0xFFFFFFFF  }
0xae: {  	[dreg:$0x0] =	wrdreg $0x60  }
0xaf: {  	[dreg:$0x2] =	wrdreg s2  }
0xb0: {  	[dreg:$0x3] =	wrdreg s18  }
0xb1: {  	[dreg:$0x4] =	wrdreg s24  }
0xb2: {  	[dreg:$0x5] =	wrdreg $0xA8000  }
0xb3: {  	[dreg:$0x6] =	wrdreg $0x9  }
0xb4: {  	_ =	task.clear_ibuf [dreg:s8], $0x7FFFF;
	_ =	strace $0x90000046  }
0xb5: {  	s29 =	simm.s32 $0x9;
	_ =	strace $0x8000004B  }
0xb6: {  	_ =	swait.ge [sflag:s29], $0x1  }
0xb7: {  	[sflag:s29] =	ssyncadd.s32 $0xFFFFFFFF  }
0xb8: {  	_ =	strace $0x9000004B  }
0xb9: {  	_ =	sfence  }
0xba: {  	s30 =	sld [smem:$0x0];
	_ =	sdelay $0x2  }
0xbb: {  	s31 =	sshll.u32 s1, $0xD;
	s1 =	sshrl.u32 s1, $0x2  }
0xbc: {  	s3 =	sand.u32 $0x4000, s31;
	s1 =	sadd.s32 s1, s30  }
0xbd: {  	s0 =	sor.u32 s3, s0;
	s1 =	sshll.u32 s1, $0x11  }
0xbe: {  	s0 =	sor.u32 s1, s0  }
0xbf: {  	s0 =	sadd.s32 $0x8F2B, s0  }
0xc0: {  	[sflag:s0] =	ssyncadd.remote.s32 $0x1  }
0xc1: {  	_ =	sfence.sel $0xFFFF  }
0xc2: {  	[dreg:$0x0] =	wrdreg $0xFFFFFFFF;
	(pc) =	sbr.abs _section_cstart, $3  }
0xc3: {  	[dreg:$0x1] =	wrdreg $0xFFFFFFFF  }
0xc4: {  	_ =	task.clear_ibuf [dreg:s8], $0x2FFFF;
	_ =	strace $0x9FFFFFFF  }
0xc5: {  	(tm) =	ssettm $0x7FFFFFFF  }
tec
execute0_lowered:
.L_overlay_start_1:
0x0: {  	(tag) =	ssettag $0x1  }
0x1: {  	s0 =	srdreg.scid;
	s2 =	rddreg [dreg:$0x1]  }
0x2: {  	s3 =	rddreg [dreg:$0x2];
	s17 =	stileid.u32;
	s1 =	simm.s32 $0x0  }
0x3: {  	s28 =	simm.s32 $0x2;
	s29 =	simm.s32 $0x3;
	s30 =	simm.s32 $0x4  }
0x4: {  	s31 =	simm.s32 $0x2600;
	s0 =	sand.u32 $0x1, s0;
	s22 =	smul.u32 $0x280, s17  }
0x5: {  	[smem:$0x7FF] =	sst s1;
	s7 =	sadd.s32 $0x800, s3;
	s24 =	smul.u32 $0x2800, s17  }
0x6: {  	s4 =	sshll.u32 s0, $0x4;
	s5 =	smul.u32 $0x28000, s0;
	s0 =	ssub.s32 $0x2, s0  }
0x7: {  	s4 =	sor.u32 s17, s4;
	s14 =	sshrl.u32 s0, $0x1;
	s9 =	sadd.s32 $0xC0, s22  }
0x8: {  	s10 =	sadd.s32 $0x100, s22;
	s13 =	sadd.s32 $0x140, s22;
	s6 =	smul.u32 $0x5000, s4  }
0x9: {  	s4 =	smul.u32 $0xA00, s4;
	s3 =	sadd.s32 s5, s3;
	s0 =	ssub.s32 s0, s14  }
0xa: {  	s11 =	sshll.u32 s9, $0x4;
	s12 =	sshll.u32 s10, $0x4;
	s14 =	sadd.s32 $0x180, s22  }
0xb: {  	s0 =	smax.u32 s0, $0x1;
	s6 =	sshrl.u32 s6, $0x3;
	s15 =	sadd.s32 s2, s4  }
0xc: {  	s4 =	sadd.s32 s7, s4;
	[dreg:$0x5] =	wrdreg s15;
	s16 =	sadd.s32 $0x280, s6  }
0xd: {  	[dreg:$0x6] =	wrdreg s4;
	s20 =	sadd.s32 $0x500, s6;
	s18 =	sadd.s32 s2, s16  }
0xe: {  	s21 =	sadd.s32 $0x780, s6;
	s19 =	sadd.s32 s7, s16;
	[dreg:$0x7] =	wrdreg s18  }
0xf: {  	s15 =	sadd.s32 $0x1C0, s22;
	s8 =	sadd.s32 s2, s20;
	[dreg:$0x8] =	wrdreg s19  }
0x10: {  	s6 =	sadd.s32 $0x240, s22;
	s4 =	sadd.s32 s7, s20;
	[dreg:$0x9] =	wrdreg s8  }
0x11: {  	s2 =	sadd.s32 s2, s21;
	s23 =	sadd.s32 s7, s21;
	[dreg:$0xa] =	wrdreg s4  }
0x12: {  	s7 =	sadd.s32 $0x80, s22;
	[dreg:$0xb] =	wrdreg s2;
	s2 =	sadd.s32 $0x14800, s3  }
0x13: {  	[dreg:$0xc] =	wrdreg s23;
	s26 =	sshll.u32 s7, $0x4;
	s4 =	sadd.s32 s24, s2  }
0x14: {  	s16 =	sadd.s32 $0x200, s22;
	s8 =	sadd.s32 s26, s2;
	[dreg:$0xd] =	wrdreg s4  }
0x15: {  	s20 =	sshll.u32 s15, $0x4;
	s11 =	sadd.s32 s11, s2;
	[dreg:$0xf] =	wrdreg s8  }
0x16: {  	s19 =	sshll.u32 s14, $0x4;
	s12 =	sadd.s32 s12, s2;
	[dreg:$0x10] =	wrdreg s11  }
0x17: {  	s3 =	sor.u32 $0x40, s22;
	s21 =	sadd.s32 s19, s2;
	[dreg:$0x11] =	wrdreg s12  }
0x18: {  	s18 =	sshll.u32 s13, $0x4;
	s22 =	sadd.s32 s20, s2;
	[dreg:$0x13] =	wrdreg s21  }
0x19: {  	s23 =	smul.u32 $0x50000, s17;
	s25 =	sshll.u32 s3, $0x4;
	[dreg:$0x14] =	wrdreg s22  }
0x1a: {  	s24 =	sshll.u32 s16, $0x4;
	s4 =	sadd.s32 s18, s2;
	s18 =	rddreg [dreg:$0x0]  }
0x1b: {  	s5 =	sadd.s32 s25, s2;
	s21 =	rddreg [dreg:$0x3];
	s25 =	sshll.u32 s6, $0x4  }
0x1c: {  	s26 =	sshrl.u32 s23, $0x2;
	s8 =	sshll.u32 s10, $0x7;
	s10 =	sshll.u32 s14, $0x7  }
0x1d: {  	s11 =	sshll.u32 s15, $0x7;
	s12 =	sshll.u32 s16, $0x7;
	[dreg:$0xe] =	wrdreg s5  }
0x1e: {  	s6 =	sshll.u32 s6, $0x7;
	[dreg:$0x12] =	wrdreg s4;
	s5 =	sadd.s32 s24, s2  }
0x1f: {  	s2 =	sadd.s32 s25, s2;
	s23 =	sadd.s32 s26, s21;
	[dreg:$0x15] =	wrdreg s5  }
0x20: {  	s4 =	sshll.u32 s3, $0x7;
	s6 =	sadd.s32 s6, s21;
	[dreg:$0x16] =	wrdreg s2  }
0x21: {  	s5 =	sshll.u32 s7, $0x7;
	s7 =	sshll.u32 s9, $0x7;
	s9 =	sshll.u32 s13, $0x7  }
0x22: {  	s22 =	sshrl.u32 s6, $0x3;
	s24 =	sadd.s32 $0x2000, s23;
	s25 =	sadd.s32 $0x4000, s23  }
0x23: {  	s26 =	sadd.s32 $0x6000, s23;
	s6 =	sadd.s32 $0x8000, s23;
	_ =	strace $0x80000047  }
0x24: {  	[dreg:$0x17] =	wrdreg s0;
	s0 =	sadd.s32 s4, s21;
	s2 =	sadd.s32 s5, s21  }
0x25: {  	s3 =	sadd.s32 s7, s21;
	s4 =	sadd.s32 s8, s21;
	[smem:$0x7FA] =	sst s22  }
0x26: {  	s5 =	sadd.s32 s9, s21;
	s7 =	sadd.s32 s10, s21;
	[smem:$0x7FB] =	sst s24  }
0x27: {  	s8 =	sadd.s32 s11, s21;
	s9 =	sadd.s32 s12, s21;
	[smem:$0x7FC] =	sst s25  }
0x28: {  	[smem:$0x7FD] =	sst s26;
	s10 =	sadd.s32 $0x10000, s23;
	s11 =	sadd.s32 $0x12000, s23  }
0x29: {  	s12 =	simm.s32 $0x2800;
	s22 =	simm.s32 $0x6800;
	s0 =	sshrl.u32 s0, $0x3  }
0x2a: {  	s24 =	simm.s32 $0x180;
	s13 =	sshrl.u32 s2, $0x3;
	[dreg:$0x18] =	wrdreg s0  }
0x2b: {  	s25 =	simm.s32 $0x8800;
	s14 =	sshrl.u32 s3, $0x3;
	[dreg:$0x19] =	wrdreg s13  }
0x2c: {  	s26 =	simm.s32 $0x1;
	s15 =	sshrl.u32 s4, $0x3;
	[dreg:$0x1a] =	wrdreg s14  }
0x2d: {  	s16 =	sshrl.u32 s5, $0x3;
	s17 =	sshrl.u32 s7, $0x3;
	[dreg:$0x1b] =	wrdreg s15  }
0x2e: {  	s19 =	sshrl.u32 s8, $0x3;
	s20 =	sshrl.u32 s9, $0x3;
	[dreg:$0x1c] =	wrdreg s16  }
0x2f: {  	s7 =	sadd.s32 $0xA000, s23;
	s8 =	sadd.s32 $0xC000, s23;
	[dreg:$0x1d] =	wrdreg s17  }
0x30: {  	s9 =	sadd.s32 $0xE000, s23;
	s2 =	simm.s32 $0x2780;
	[dreg:$0x1e] =	wrdreg s19  }
0x31: {  	[dreg:$0x1f] =	wrdreg s20;
	s13 =	simm.s32 $0x5;
	s14 =	simm.s32 $0x1400  }
0x32: {  	s15 =	simm.s32 $0x40;
	s16 =	simm.s32 $0x80;
	s17 =	simm.s32 $0x4800  }
0x33: {  	v0 =	vimm.f32 $0.0e+00;
	s20 =	simm.s32 $0x100;
	s19 =	simm.s32 $0x2680;
	s0 =	simm.s32 $0x2700  }
.LBB2_1:
0x34: {  	_ =	strace $0x80000048;
	s3 =	simm.s32 $0x0;
	s4 =	simm.s32 $0x200  }
.LBB2_2:
0x35: {  	p0 =	seq.s32 s4, $0x7E00;
	[tilespmem:s3+$0x2870] =	vst v0  }
0x36: {  	[tilespmem:s3+$0x2800] =	vst v0  }
0x37: {  	[tilespmem:s3+$0x2810] =	vst v0  }
.Ltmp0:
0x38: {  	[tilespmem:s3+$0x2820] =	vst v0;
	(pc) =	sbr.rel @!p0 .LBB2_2-.Ltmp0, $4  }
0x39: {  	[tilespmem:s3+$0x2830] =	vst v0  }
0x3a: {  	[tilespmem:s3+$0x2840] =	vst v0  }
0x3b: {  	[tilespmem:s3+$0x2850] =	vst v0  }
0x3c: {  	[tilespmem:s3+$0x2860] =	vst v0;
	s3 =	sshra.s32 s4, $0x2;
	s4 =	sadd.s32 $0x200, s4  }
0x3d: {  	[tilespmem:s3+$0x2870] =	vst v0  }
0x3e: {  	[tilespmem:s3+$0x2800] =	vst v0  }
0x3f: {  	[tilespmem:s3+$0x2810] =	vst v0  }
0x40: {  	[tilespmem:s3+$0x2820] =	vst v0  }
0x41: {  	[tilespmem:s3+$0x2830] =	vst v0  }
0x42: {  	[tilespmem:s3+$0x2840] =	vst v0  }
0x43: {  	[tilespmem:s3+$0x2850] =	vst v0  }
0x44: {  	[tilespmem:s3+$0x2860] =	vst v0  }
0x45: {  	[spmem:s23] =	stream.linear.scatter [tilespmem:s12], [sflag:$0x5], $0x2000, $0x200038;
	[tilespmem:$0x1E800] =	vst v63  }
0x46: {  	_ =	swait.ge [sflag:s13], $0x2000  }
0x47: {  	s4 =	sld [smem:$0x7FB]  }
0x48: {  	[sflag:s13] =	ssyncset.done $0x0  }
0x49: {  	[sflag:s13] =	ssyncadd.s32 $0xFFFFE000  }
0x4a: {  	[spmem:s4] =	stream.linear.scatter [tilespmem:s12], [sflag:$0x5], $0x2000, $0x200038;
	[tilespmem:$0x1E800] =	vst v63  }
0x4b: {  	_ =	swait.ge [sflag:s13], $0x2000  }
0x4c: {  	s5 =	sld [smem:$0x7FC]  }
0x4d: {  	[sflag:s13] =	ssyncset.done $0x0  }
0x4e: {  	[sflag:s13] =	ssyncadd.s32 $0xFFFFE000  }
0x4f: {  	[spmem:s5] =	stream.linear.scatter [tilespmem:s12], [sflag:$0x5], $0x2000, $0x200038;
	[tilespmem:$0x1E800] =	vst v63  }
0x50: {  	_ =	swait.ge [sflag:s13], $0x2000  }
0x51: {  	s4 =	sld [smem:$0x7FD]  }
0x52: {  	[sflag:s13] =	ssyncset.done $0x0  }
0x53: {  	[sflag:s13] =	ssyncadd.s32 $0xFFFFE000  }
0x54: {  	[spmem:s4] =	stream.linear.scatter [tilespmem:s12], [sflag:$0x5], $0x2000, $0x200038;
	[tilespmem:$0x1E800] =	vst v63  }
0x55: {  	_ =	swait.ge [sflag:s13], $0x2000  }
0x56: {  	[sflag:s13] =	ssyncset.done $0x0  }
0x57: {  	[sflag:s13] =	ssyncadd.s32 $0xFFFFE000  }
0x58: {  	[spmem:s6] =	stream.linear.scatter [tilespmem:s12], [sflag:$0x5], $0x2000, $0x200038;
	[tilespmem:$0x1E800] =	vst v63  }
0x59: {  	_ =	swait.ge [sflag:s13], $0x2000  }
0x5a: {  	[sflag:s13] =	ssyncset.done $0x0  }
0x5b: {  	[sflag:s13] =	ssyncadd.s32 $0xFFFFE000  }
0x5c: {  	[spmem:s7] =	stream.linear.scatter [tilespmem:s12], [sflag:$0x5], $0x2000, $0x200038;
	[tilespmem:$0x1E800] =	vst v63  }
0x5d: {  	_ =	swait.ge [sflag:s13], $0x2000  }
0x5e: {  	[sflag:s13] =	ssyncset.done $0x0  }
0x5f: {  	[sflag:s13] =	ssyncadd.s32 $0xFFFFE000  }
0x60: {  	[spmem:s8] =	stream.linear.scatter [tilespmem:s12], [sflag:$0x5], $0x2000, $0x200038;
	[tilespmem:$0x1E800] =	vst v63  }
0x61: {  	_ =	swait.ge [sflag:s13], $0x2000  }
0x62: {  	[sflag:s13] =	ssyncset.done $0x0  }
0x63: {  	[sflag:s13] =	ssyncadd.s32 $0xFFFFE000  }
0x64: {  	[spmem:s9] =	stream.linear.scatter [tilespmem:s12], [sflag:$0x5], $0x2000, $0x200038;
	[tilespmem:$0x1E800] =	vst v63  }
0x65: {  	_ =	swait.ge [sflag:s13], $0x2000  }
0x66: {  	[sflag:s13] =	ssyncset.done $0x0  }
0x67: {  	[sflag:s13] =	ssyncadd.s32 $0xFFFFE000  }
0x68: {  	[spmem:s10] =	stream.linear.scatter [tilespmem:s12], [sflag:$0x5], $0x2000, $0x200038;
	[tilespmem:$0x1E800] =	vst v63  }
0x69: {  	_ =	swait.ge [sflag:s13], $0x2000  }
0x6a: {  	[sflag:s13] =	ssyncset.done $0x0  }
0x6b: {  	[sflag:s13] =	ssyncadd.s32 $0xFFFFE000  }
0x6c: {  	[spmem:s11] =	stream.linear.scatter [tilespmem:s12], [sflag:$0x5], $0x2000, $0x200038;
	[tilespmem:$0x1E800] =	vst v63  }
0x6d: {  	_ =	swait.ge [sflag:s13], $0x2000  }
0x6e: {  	[sflag:s13] =	ssyncset.done $0x0  }
0x6f: {  	[sflag:s13] =	ssyncadd.s32 $0xFFFFE000  }
0x70: {  	[bflag:$0x0] =	sbarrier.arrive $0xFFFF  }
0x71: {  	_ =	strace $0x90000048  }
0x72: {  	_ =	strace $0x80000049  }
0x73: {  	s3 =	simm.s32 $0x0;
	s4 =	rddreg [dreg:$0x5]  }
0x74: {  	[tilespmem:s3], [sflag:$0x5] =	stream.linear.gather [hbm4b:s4+s3], $0x1400, $0x200038;
	[tilespmem:$0x1E800] =	vst v63  }
0x75: {  	_ =	swait.ge [sflag:s13], $0x1400  }
0x76: {  	[sflag:s13] =	ssyncset.done $0x0  }
0x77: {  	s5 =	rddreg [dreg:$0x6];
	[sflag:s13] =	ssyncadd.s32 $0xFFFFEC00  }
0x78: {  	[tilespmem:s14], [sflag:$0x5] =	stream.linear.gather [hbm4b:s5+s3], $0x1400, $0x200038;
	[tilespmem:$0x1E800] =	vst v63  }
0x79: {  	_ =	swait.ge [sflag:s13], $0x1400  }
0x7a: {  	[sflag:s13] =	ssyncset.done $0x0  }
0x7b: {  	[sflag:s13] =	ssyncadd.s32 $0xFFFFEC00  }
0x7c: {  	[tilespmem:s12], [sflag:$0x1] =	stream.indirect.gather [hbm4b:s18+s15], $0x80, s3, s15, $0x2000b8;
	[tilespmem:$0x1E800] =	vst v63  }
0x7d: {  	_ = 	snop  }
0x7e: {  	[tilespmem:s17], [sflag:$0x2] =	stream.indirect.gather [hbm4b:s18+s15], $0x80, s16, s15, $0x2000b8;
	[tilespmem:$0x1E800] =	vst v63  }
0x7f: {  	_ = 	snop  }
0x80: {  	[tilespmem:s22], [sflag:$0x3] =	stream.indirect.gather [hbm4b:s18+s15], $0x80, s20, s15, $0x2000b8;
	[tilespmem:$0x1E800] =	vst v63  }
0x81: {  	_ = 	snop  }
0x82: {  	[tilespmem:s25], [sflag:$0x4] =	stream.indirect.gather [hbm4b:s18+s15], $0x80, s24, s15, $0x2000b8;
	[tilespmem:$0x1E800] =	vst v63  }
0x83: {  	_ =	swait.ge [sflag:s26], $0x2000  }
0x84: {  	[sflag:s26] =	ssyncset.done $0x0  }
0x85: {  	s5 =	simm.s32 $0x1400;
	[sflag:s26] =	ssyncadd.s32 $0xFFFFE000  }
0x86: {  	[spmem:s21] =	stream.indirect.scatter.add.f32 [tilespmem:s12], [sflag:$0x5], $0x80, s5, s15, $0x2000b8;
	[tilespmem:$0x1E800] =	vst v63  }
0x87: {  	_ =	swait.ge [sflag:s13], $0x2000  }
0x88: {  	[sflag:s13] =	ssyncset.done $0x0  }
0x89: {  	s4 =	simm.s32 $0x200;
	[sflag:s13] =	ssyncadd.s32 $0xFFFFE000  }
0x8a: {  	[tilespmem:s12], [sflag:$0x1] =	stream.indirect.gather [hbm4b:s18+s15], $0x80, s4, s15, $0x2000b8;
	[tilespmem:$0x1E800] =	vst v63  }
0x8b: {  	_ =	swait.ge [sflag:s28], $0x2000  }
0x8c: {  	[sflag:s28] =	ssyncset.done $0x0  }
0x8d: {  	s5 =	simm.s32 $0x1480;
	[sflag:s28] =	ssyncadd.s32 $0xFFFFE000  }
0x8e: {  	[spmem:s21] =	stream.indirect.scatter.add.f32 [tilespmem:s17], [sflag:$0x5], $0x80, s5, s15, $0x2000b8;
	[tilespmem:$0x1E800] =	vst v63  }
0x8f: {  	_ =	swait.ge [sflag:s13], $0x2000  }
0x90: {  	[sflag:s13] =	ssyncset.done $0x0  }
0x91: {  	s4 =	simm.s32 $0x280;
	[sflag:s13] =	ssyncadd.s32 $0xFFFFE000  }
0x92: {  	[tilespmem:s17], [sflag:$0x2] =	stream.indirect.gather [hbm4b:s18+s15], $0x80, s4, s15, $0x2000b8;
	[tilespmem:$0x1E800] =	vst v63  }
0x93: {  	_ =	swait.ge [sflag:s29], $0x2000  }
0x94: {  	[sflag:s29] =	ssyncset.done $0x0  }
0x95: {  	s5 =	simm.s32 $0x1500;
	[sflag:s29] =	ssyncadd.s32 $0xFFFFE000  }
0x96: {  	[spmem:s21] =	stream.indirect.scatter.add.f32 [tilespmem:s22], [sflag:$0x5], $0x80, s5, s15, $0x2000b8;
	[tilespmem:$0x1E800] =	vst v63  }
0x97: {  	_ =	swait.ge [sflag:s13], $0x2000  }
0x98: {  	[sflag:s13] =	ssyncset.done $0x0  }
0x99: {  	s4 =	simm.s32 $0x300;
	[sflag:s13] =	ssyncadd.s32 $0xFFFFE000  }
0x9a: {  	[tilespmem:s22], [sflag:$0x3] =	stream.indirect.gather [hbm4b:s18+s15], $0x80, s4, s15, $0x2000b8;
	[tilespmem:$0x1E800] =	vst v63  }
0x9b: {  	_ =	swait.ge [sflag:s30], $0x2000  }
0x9c: {  	[sflag:s30] =	ssyncset.done $0x0  }
0x9d: {  	s5 =	simm.s32 $0x1580;
	[sflag:s30] =	ssyncadd.s32 $0xFFFFE000  }
0x9e: {  	[spmem:s21] =	stream.indirect.scatter.add.f32 [tilespmem:s25], [sflag:$0x5], $0x80, s5, s15, $0x2000b8;
	[tilespmem:$0x1E800] =	vst v63  }
0x9f: {  	_ =	swait.ge [sflag:s13], $0x2000  }
0xa0: {  	[sflag:s13] =	ssyncset.done $0x0  }
0xa1: {  	s3 =	simm.s32 $0x800;
	s4 =	simm.s32 $0x380;
	[sflag:s13] =	ssyncadd.s32 $0xFFFFE000  }
.LBB2_4:
0xa2: {  	[tilespmem:s25], [sflag:$0x4] =	stream.indirect.gather [hbm4b:s18+s15], $0x80, s4, s15, $0x2000b8;
	[tilespmem:$0x1E800] =	vst v63  }
0xa3: {  	s4 =	smov.u32 s3  }
0xa4: {  	p0 =	sne.s32 s3, $0x4000;
	s3 =	sadd.s32 $0x800, s3;
	_ =	swait.ge [sflag:s26], $0x2000  }
0xa5: {  	s4 =	sshra.s32 s4, $0x2;
	[sflag:s26] =	ssyncset.done $0x0  }
0xa6: {  	s5 =	sadd.s32 $0x1400, s4;
	[sflag:s26] =	ssyncadd.s32 $0xFFFFE000  }
0xa7: {  	[spmem:s21] =	stream.indirect.scatter.add.f32 [tilespmem:s12], [sflag:$0x5], $0x80, s5, s15, $0x2000b8;
	[tilespmem:$0x1E800] =	vst v63  }
0xa8: {  	_ =	swait.ge [sflag:s13], $0x2000  }
0xa9: {  	[sflag:s13] =	ssyncset.done $0x0  }
0xaa: {  	s5 =	sadd.s32 $0x200, s4;
	[sflag:s13] =	ssyncadd.s32 $0xFFFFE000  }
0xab: {  	[tilespmem:s12], [sflag:$0x1] =	stream.indirect.gather [hbm4b:s18+s15], $0x80, s5, s15, $0x2000b8;
	[tilespmem:$0x1E800] =	vst v63  }
0xac: {  	_ =	swait.ge [sflag:s28], $0x2000  }
0xad: {  	[sflag:s28] =	ssyncset.done $0x0  }
0xae: {  	s5 =	sadd.s32 $0x1480, s4;
	[sflag:s28] =	ssyncadd.s32 $0xFFFFE000  }
0xaf: {  	[spmem:s21] =	stream.indirect.scatter.add.f32 [tilespmem:s17], [sflag:$0x5], $0x80, s5, s15, $0x2000b8;
	[tilespmem:$0x1E800] =	vst v63  }
0xb0: {  	_ =	swait.ge [sflag:s13], $0x2000  }
0xb1: {  	[sflag:s13] =	ssyncset.done $0x0  }
0xb2: {  	s5 =	sadd.s32 $0x280, s4;
	[sflag:s13] =	ssyncadd.s32 $0xFFFFE000  }
0xb3: {  	[tilespmem:s17], [sflag:$0x2] =	stream.indirect.gather [hbm4b:s18+s15], $0x80, s5, s15, $0x2000b8;
	[tilespmem:$0x1E800] =	vst v63  }
0xb4: {  	_ =	swait.ge [sflag:s29], $0x2000  }
0xb5: {  	[sflag:s29] =	ssyncset.done $0x0  }
0xb6: {  	s5 =	sadd.s32 $0x1500, s4;
	[sflag:s29] =	ssyncadd.s32 $0xFFFFE000  }
0xb7: {  	[spmem:s21] =	stream.indirect.scatter.add.f32 [tilespmem:s22], [sflag:$0x5], $0x80, s5, s15, $0x2000b8;
	[tilespmem:$0x1E800] =	vst v63  }
0xb8: {  	_ =	swait.ge [sflag:s13], $0x2000  }
0xb9: {  	[sflag:s13] =	ssyncset.done $0x0  }
0xba: {  	s5 =	sadd.s32 $0x300, s4;
	[sflag:s13] =	ssyncadd.s32 $0xFFFFE000  }
0xbb: {  	[tilespmem:s22], [sflag:$0x3] =	stream.indirect.gather [hbm4b:s18+s15], $0x80, s5, s15, $0x2000b8;
	[tilespmem:$0x1E800] =	vst v63  }
0xbc: {  	_ =	swait.ge [sflag:s30], $0x2000  }
0xbd: {  	[sflag:s30] =	ssyncset.done $0x0  }
.Ltmp1:
0xbe: {  	s5 =	sadd.s32 $0x1580, s4;
	[sflag:s30] =	ssyncadd.s32 $0xFFFFE000;
	(pc) =	sbr.rel @p0 .LBB2_4-.Ltmp1, $4  }
0xbf: {  	[spmem:s21] =	stream.indirect.scatter.add.f32 [tilespmem:s25], [sflag:$0x5], $0x80, s5, s15, $0x2000b8;
	[tilespmem:$0x1E800] =	vst v63  }
0xc0: {  	_ =	swait.ge [sflag:s13], $0x2000  }
0xc1: {  	[sflag:s13] =	ssyncset.done $0x0  }
0xc2: {  	s4 =	sadd.s32 $0x380, s4;
	[sflag:s13] =	ssyncadd.s32 $0xFFFFE000  }
0xc3: {  	[tilespmem:s25], [sflag:$0x4] =	stream.indirect.gather [hbm4b:s18+s15], $0x80, s4, s15, $0x2000b8;
	[tilespmem:$0x1E800] =	vst v63  }
0xc4: {  	_ =	swait.ge [sflag:s26], $0x2000  }
0xc5: {  	[sflag:s26] =	ssyncset.done $0x0  }
0xc6: {  	[sflag:s26] =	ssyncadd.s32 $0xFFFFE000  }
0xc7: {  	[spmem:s21] =	stream.indirect.scatter.add.f32 [tilespmem:s12], [sflag:$0x5], $0x80, s31, s15, $0x2000b8;
	[tilespmem:$0x1E800] =	vst v63  }
0xc8: {  	_ =	swait.ge [sflag:s13], $0x2000  }
0xc9: {  	[sflag:s13] =	ssyncset.done $0x0  }
0xca: {  	[sflag:s13] =	ssyncadd.s32 $0xFFFFE000  }
0xcb: {  	_ =	swait.ge [sflag:s28], $0x2000  }
0xcc: {  	[sflag:s28] =	ssyncset.done $0x0  }
0xcd: {  	[sflag:s28] =	ssyncadd.s32 $0xFFFFE000  }
0xce: {  	[spmem:s21] =	stream.indirect.scatter.add.f32 [tilespmem:s17], [sflag:$0x5], $0x80, s19, s15, $0x2000b8;
	[tilespmem:$0x1E800] =	vst v63  }
0xcf: {  	_ =	swait.ge [sflag:s13], $0x2000  }
0xd0: {  	[sflag:s13] =	ssyncset.done $0x0  }
0xd1: {  	[sflag:s13] =	ssyncadd.s32 $0xFFFFE000  }
0xd2: {  	_ =	swait.ge [sflag:s29], $0x2000  }
0xd3: {  	[sflag:s29] =	ssyncset.done $0x0  }
0xd4: {  	[sflag:s29] =	ssyncadd.s32 $0xFFFFE000  }
0xd5: {  	[spmem:s21] =	stream.indirect.scatter.add.f32 [tilespmem:s22], [sflag:$0x5], $0x80, s0, s15, $0x2000b8;
	[tilespmem:$0x1E800] =	vst v63  }
0xd6: {  	_ =	swait.ge [sflag:s13], $0x2000  }
0xd7: {  	[sflag:s13] =	ssyncset.done $0x0  }
0xd8: {  	[sflag:s13] =	ssyncadd.s32 $0xFFFFE000  }
0xd9: {  	_ =	swait.ge [sflag:s30], $0x2000  }
0xda: {  	[sflag:s30] =	ssyncset.done $0x0  }
0xdb: {  	[sflag:s30] =	ssyncadd.s32 $0xFFFFE000  }
0xdc: {  	[spmem:s21] =	stream.indirect.scatter.add.f32 [tilespmem:s25], [sflag:$0x5], $0x80, s2, s15, $0x2000b8;
	[tilespmem:$0x1E800] =	vst v63  }
0xdd: {  	_ =	swait.ge [sflag:s13], $0x2000  }
0xde: {  	[sflag:s13] =	ssyncset.done $0x0  }
0xdf: {  	s3 =	simm.s32 $0x0;
	s5 =	rddreg [dreg:$0x7];
	[sflag:s13] =	ssyncadd.s32 $0xFFFFE000  }
0xe0: {  	[tilespmem:s3], [sflag:$0x5] =	stream.linear.gather [hbm4b:s5+s3], $0x1400, $0x200038;
	[tilespmem:$0x1E800] =	vst v63  }
0xe1: {  	_ =	swait.ge [sflag:s13], $0x1400  }
0xe2: {  	[sflag:s13] =	ssyncset.done $0x0  }
0xe3: {  	s5 =	rddreg [dreg:$0x8];
	[sflag:s13] =	ssyncadd.s32 $0xFFFFEC00  }
0xe4: {  	[tilespmem:s14], [sflag:$0x5] =	stream.linear.gather [hbm4b:s5+s3], $0x1400, $0x200038;
	[tilespmem:$0x1E800] =	vst v63  }
0xe5: {  	_ =	swait.ge [sflag:s13], $0x1400  }
0xe6: {  	[sflag:s13] =	ssyncset.done $0x0  }
0xe7: {  	[sflag:s13] =	ssyncadd.s32 $0xFFFFEC00  }
0xe8: {  	[tilespmem:s12], [sflag:$0x1] =	stream.indirect.gather [hbm4b:s18+s15], $0x80, s3, s15, $0x2000b8;
	[tilespmem:$0x1E800] =	vst v63  }
0xe9: {  	_ = 	snop  }
0xea: {  	[tilespmem:s17], [sflag:$0x2] =	stream.indirect.gather [hbm4b:s18+s15], $0x80, s16, s15, $0x2000b8;
	[tilespmem:$0x1E800] =	vst v63  }
0xeb: {  	_ = 	snop  }
0xec: {  	[tilespmem:s22], [sflag:$0x3] =	stream.indirect.gather [hbm4b:s18+s15], $0x80, s20, s15, $0x2000b8;
	[tilespmem:$0x1E800] =	vst v63  }
0xed: {  	_ = 	snop  }
0xee: {  	[tilespmem:s25], [sflag:$0x4] =	stream.indirect.gather [hbm4b:s18+s15], $0x80, s24, s15, $0x2000b8;
	[tilespmem:$0x1E800] =	vst v63  }
0xef: {  	_ =	swait.ge [sflag:s26], $0x2000  }
0xf0: {  	[sflag:s26] =	ssyncset.done $0x0  }
0xf1: {  	s5 =	simm.s32 $0x1400;
	[sflag:s26] =	ssyncadd.s32 $0xFFFFE000  }
0xf2: {  	[spmem:s21] =	stream.indirect.scatter.add.f32 [tilespmem:s12], [sflag:$0x5], $0x80, s5, s15, $0x2000b8;
	[tilespmem:$0x1E800] =	vst v63  }
0xf3: {  	_ =	swait.ge [sflag:s13], $0x2000  }
0xf4: {  	[sflag:s13] =	ssyncset.done $0x0  }
0xf5: {  	s4 =	simm.s32 $0x200;
	[sflag:s13] =	ssyncadd.s32 $0xFFFFE000  }
0xf6: {  	[tilespmem:s12], [sflag:$0x1] =	stream.indirect.gather [hbm4b:s18+s15], $0x80, s4, s15, $0x2000b8;
	[tilespmem:$0x1E800] =	vst v63  }
0xf7: {  	_ =	swait.ge [sflag:s28], $0x2000  }
0xf8: {  	[sflag:s28] =	ssyncset.done $0x0  }
0xf9: {  	s5 =	simm.s32 $0x1480;
	[sflag:s28] =	ssyncadd.s32 $0xFFFFE000  }
0xfa: {  	[spmem:s21] =	stream.indirect.scatter.add.f32 [tilespmem:s17], [sflag:$0x5], $0x80, s5, s15, $0x2000b8;
	[tilespmem:$0x1E800] =	vst v63  }
0xfb: {  	_ =	swait.ge [sflag:s13], $0x2000  }
0xfc: {  	[sflag:s13] =	ssyncset.done $0x0  }
0xfd: {  	s4 =	simm.s32 $0x280;
	[sflag:s13] =	ssyncadd.s32 $0xFFFFE000  }
0xfe: {  	[tilespmem:s17], [sflag:$0x2] =	stream.indirect.gather [hbm4b:s18+s15], $0x80, s4, s15, $0x2000b8;
	[tilespmem:$0x1E800] =	vst v63  }
0xff: {  	_ =	swait.ge [sflag:s29], $0x2000  }
0x100: {  	[sflag:s29] =	ssyncset.done $0x0  }
0x101: {  	s5 =	simm.s32 $0x1500;
	[sflag:s29] =	ssyncadd.s32 $0xFFFFE000  }
0x102: {  	[spmem:s21] =	stream.indirect.scatter.add.f32 [tilespmem:s22], [sflag:$0x5], $0x80, s5, s15, $0x2000b8;
	[tilespmem:$0x1E800] =	vst v63  }
0x103: {  	_ =	swait.ge [sflag:s13], $0x2000  }
0x104: {  	[sflag:s13] =	ssyncset.done $0x0  }
0x105: {  	s4 =	simm.s32 $0x300;
	[sflag:s13] =	ssyncadd.s32 $0xFFFFE000  }
0x106: {  	[tilespmem:s22], [sflag:$0x3] =	stream.indirect.gather [hbm4b:s18+s15], $0x80, s4, s15, $0x2000b8;
	[tilespmem:$0x1E800] =	vst v63  }
0x107: {  	_ =	swait.ge [sflag:s30], $0x2000  }
0x108: {  	[sflag:s30] =	ssyncset.done $0x0  }
0x109: {  	s5 =	simm.s32 $0x1580;
	[sflag:s30] =	ssyncadd.s32 $0xFFFFE000  }
0x10a: {  	[spmem:s21] =	stream.indirect.scatter.add.f32 [tilespmem:s25], [sflag:$0x5], $0x80, s5, s15, $0x2000b8;
	[tilespmem:$0x1E800] =	vst v63  }
0x10b: {  	_ =	swait.ge [sflag:s13], $0x2000  }
0x10c: {  	[sflag:s13] =	ssyncset.done $0x0  }
0x10d: {  	s3 =	simm.s32 $0x800;
	s4 =	simm.s32 $0x380;
	[sflag:s13] =	ssyncadd.s32 $0xFFFFE000  }
.LBB2_6:
0x10e: {  	[tilespmem:s25], [sflag:$0x4] =	stream.indirect.gather [hbm4b:s18+s15], $0x80, s4, s15, $0x2000b8;
	[tilespmem:$0x1E800] =	vst v63  }
0x10f: {  	s4 =	smov.u32 s3  }
0x110: {  	p0 =	sne.s32 s3, $0x4000;
	s3 =	sadd.s32 $0x800, s3;
	_ =	swait.ge [sflag:s26], $0x2000  }
0x111: {  	s4 =	sshra.s32 s4, $0x2;
	[sflag:s26] =	ssyncset.done $0x0  }
0x112: {  	s5 =	sadd.s32 $0x1400, s4;
	[sflag:s26] =	ssyncadd.s32 $0xFFFFE000  }
0x113: {  	[spmem:s21] =	stream.indirect.scatter.add.f32 [tilespmem:s12], [sflag:$0x5], $0x80, s5, s15, $0x2000b8;
	[tilespmem:$0x1E800] =	vst v63  }
0x114: {  	_ =	swait.ge [sflag:s13], $0x2000  }
0x115: {  	[sflag:s13] =	ssyncset.done $0x0  }
0x116: {  	s5 =	sadd.s32 $0x200, s4;
	[sflag:s13] =	ssyncadd.s32 $0xFFFFE000  }
0x117: {  	[tilespmem:s12], [sflag:$0x1] =	stream.indirect.gather [hbm4b:s18+s15], $0x80, s5, s15, $0x2000b8;
	[tilespmem:$0x1E800] =	vst v63  }
0x118: {  	_ =	swait.ge [sflag:s28], $0x2000  }
0x119: {  	[sflag:s28] =	ssyncset.done $0x0  }
0x11a: {  	s5 =	sadd.s32 $0x1480, s4;
	[sflag:s28] =	ssyncadd.s32 $0xFFFFE000  }
0x11b: {  	[spmem:s21] =	stream.indirect.scatter.add.f32 [tilespmem:s17], [sflag:$0x5], $0x80, s5, s15, $0x2000b8;
	[tilespmem:$0x1E800] =	vst v63  }
0x11c: {  	_ =	swait.ge [sflag:s13], $0x2000  }
0x11d: {  	[sflag:s13] =	ssyncset.done $0x0  }
0x11e: {  	s5 =	sadd.s32 $0x280, s4;
	[sflag:s13] =	ssyncadd.s32 $0xFFFFE000  }
0x11f: {  	[tilespmem:s17], [sflag:$0x2] =	stream.indirect.gather [hbm4b:s18+s15], $0x80, s5, s15, $0x2000b8;
	[tilespmem:$0x1E800] =	vst v63  }
0x120: {  	_ =	swait.ge [sflag:s29], $0x2000  }
0x121: {  	[sflag:s29] =	ssyncset.done $0x0  }
0x122: {  	s5 =	sadd.s32 $0x1500, s4;
	[sflag:s29] =	ssyncadd.s32 $0xFFFFE000  }
0x123: {  	[spmem:s21] =	stream.indirect.scatter.add.f32 [tilespmem:s22], [sflag:$0x5], $0x80, s5, s15, $0x2000b8;
	[tilespmem:$0x1E800] =	vst v63  }
0x124: {  	_ =	swait.ge [sflag:s13], $0x2000  }
0x125: {  	[sflag:s13] =	ssyncset.done $0x0  }
0x126: {  	s5 =	sadd.s32 $0x300, s4;
	[sflag:s13] =	ssyncadd.s32 $0xFFFFE000  }
0x127: {  	[tilespmem:s22], [sflag:$0x3] =	stream.indirect.gather [hbm4b:s18+s15], $0x80, s5, s15, $0x2000b8;
	[tilespmem:$0x1E800] =	vst v63  }
0x128: {  	_ =	swait.ge [sflag:s30], $0x2000  }
0x129: {  	[sflag:s30] =	ssyncset.done $0x0  }
.Ltmp2:
0x12a: {  	s5 =	sadd.s32 $0x1580, s4;
	[sflag:s30] =	ssyncadd.s32 $0xFFFFE000;
	(pc) =	sbr.rel @p0 .LBB2_6-.Ltmp2, $4  }
0x12b: {  	[spmem:s21] =	stream.indirect.scatter.add.f32 [tilespmem:s25], [sflag:$0x5], $0x80, s5, s15, $0x2000b8;
	[tilespmem:$0x1E800] =	vst v63  }
0x12c: {  	_ =	swait.ge [sflag:s13], $0x2000  }
0x12d: {  	[sflag:s13] =	ssyncset.done $0x0  }
0x12e: {  	s4 =	sadd.s32 $0x380, s4;
	[sflag:s13] =	ssyncadd.s32 $0xFFFFE000  }
0x12f: {  	[tilespmem:s25], [sflag:$0x4] =	stream.indirect.gather [hbm4b:s18+s15], $0x80, s4, s15, $0x2000b8;
	[tilespmem:$0x1E800] =	vst v63  }
0x130: {  	_ =	swait.ge [sflag:s26], $0x2000  }
0x131: {  	[sflag:s26] =	ssyncset.done $0x0  }
0x132: {  	[sflag:s26] =	ssyncadd.s32 $0xFFFFE000  }
0x133: {  	[spmem:s21] =	stream.indirect.scatter.add.f32 [tilespmem:s12], [sflag:$0x5], $0x80, s31, s15, $0x2000b8;
	[tilespmem:$0x1E800] =	vst v63  }
0x134: {  	_ =	swait.ge [sflag:s13], $0x2000  }
0x135: {  	[sflag:s13] =	ssyncset.done $0x0  }
0x136: {  	[sflag:s13] =	ssyncadd.s32 $0xFFFFE000  }
0x137: {  	_ =	swait.ge [sflag:s28], $0x2000  }
0x138: {  	[sflag:s28] =	ssyncset.done $0x0  }
0x139: {  	[sflag:s28] =	ssyncadd.s32 $0xFFFFE000  }
0x13a: {  	[spmem:s21] =	stream.indirect.scatter.add.f32 [tilespmem:s17], [sflag:$0x5], $0x80, s19, s15, $0x2000b8;
	[tilespmem:$0x1E800] =	vst v63  }
0x13b: {  	_ =	swait.ge [sflag:s13], $0x2000  }
0x13c: {  	[sflag:s13] =	ssyncset.done $0x0  }
0x13d: {  	[sflag:s13] =	ssyncadd.s32 $0xFFFFE000  }
0x13e: {  	_ =	swait.ge [sflag:s29], $0x2000  }
0x13f: {  	[sflag:s29] =	ssyncset.done $0x0  }
0x140: {  	[sflag:s29] =	ssyncadd.s32 $0xFFFFE000  }
0x141: {  	[spmem:s21] =	stream.indirect.scatter.add.f32 [tilespmem:s22], [sflag:$0x5], $0x80, s0, s15, $0x2000b8;
	[tilespmem:$0x1E800] =	vst v63  }
0x142: {  	_ =	swait.ge [sflag:s13], $0x2000  }
0x143: {  	[sflag:s13] =	ssyncset.done $0x0  }
0x144: {  	[sflag:s13] =	ssyncadd.s32 $0xFFFFE000  }
0x145: {  	_ =	swait.ge [sflag:s30], $0x2000  }
0x146: {  	[sflag:s30] =	ssyncset.done $0x0  }
0x147: {  	[sflag:s30] =	ssyncadd.s32 $0xFFFFE000  }
0x148: {  	[spmem:s21] =	stream.indirect.scatter.add.f32 [tilespmem:s25], [sflag:$0x5], $0x80, s2, s15, $0x2000b8;
	[tilespmem:$0x1E800] =	vst v63  }
0x149: {  	_ =	swait.ge [sflag:s13], $0x2000  }
0x14a: {  	[sflag:s13] =	ssyncset.done $0x0  }
0x14b: {  	s3 =	simm.s32 $0x0;
	s5 =	rddreg [dreg:$0x9];
	[sflag:s13] =	ssyncadd.s32 $0xFFFFE000  }
0x14c: {  	[tilespmem:s3], [sflag:$0x5] =	stream.linear.gather [hbm4b:s5+s3], $0x1400, $0x200038;
	[tilespmem:$0x1E800] =	vst v63  }
0x14d: {  	_ =	swait.ge [sflag:s13], $0x1400  }
0x14e: {  	[sflag:s13] =	ssyncset.done $0x0  }
0x14f: {  	s5 =	rddreg [dreg:$0xa];
	[sflag:s13] =	ssyncadd.s32 $0xFFFFEC00  }
0x150: {  	[tilespmem:s14], [sflag:$0x5] =	stream.linear.gather [hbm4b:s5+s3], $0x1400, $0x200038;
	[tilespmem:$0x1E800] =	vst v63  }
0x151: {  	_ =	swait.ge [sflag:s13], $0x1400  }
0x152: {  	[sflag:s13] =	ssyncset.done $0x0  }
0x153: {  	[sflag:s13] =	ssyncadd.s32 $0xFFFFEC00  }
0x154: {  	[tilespmem:s12], [sflag:$0x1] =	stream.indirect.gather [hbm4b:s18+s15], $0x80, s3, s15, $0x2000b8;
	[tilespmem:$0x1E800] =	vst v63  }
0x155: {  	_ = 	snop  }
0x156: {  	[tilespmem:s17], [sflag:$0x2] =	stream.indirect.gather [hbm4b:s18+s15], $0x80, s16, s15, $0x2000b8;
	[tilespmem:$0x1E800] =	vst v63  }
0x157: {  	_ = 	snop  }
0x158: {  	[tilespmem:s22], [sflag:$0x3] =	stream.indirect.gather [hbm4b:s18+s15], $0x80, s20, s15, $0x2000b8;
	[tilespmem:$0x1E800] =	vst v63  }
0x159: {  	_ = 	snop  }
0x15a: {  	[tilespmem:s25], [sflag:$0x4] =	stream.indirect.gather [hbm4b:s18+s15], $0x80, s24, s15, $0x2000b8;
	[tilespmem:$0x1E800] =	vst v63  }
0x15b: {  	_ =	swait.ge [sflag:s26], $0x2000  }
0x15c: {  	[sflag:s26] =	ssyncset.done $0x0  }
0x15d: {  	s5 =	simm.s32 $0x1400;
	[sflag:s26] =	ssyncadd.s32 $0xFFFFE000  }
0x15e: {  	[spmem:s21] =	stream.indirect.scatter.add.f32 [tilespmem:s12], [sflag:$0x5], $0x80, s5, s15, $0x2000b8;
	[tilespmem:$0x1E800] =	vst v63  }
0x15f: {  	_ =	swait.ge [sflag:s13], $0x2000  }
0x160: {  	[sflag:s13] =	ssyncset.done $0x0  }
0x161: {  	s4 =	simm.s32 $0x200;
	[sflag:s13] =	ssyncadd.s32 $0xFFFFE000  }
0x162: {  	[tilespmem:s12], [sflag:$0x1] =	stream.indirect.gather [hbm4b:s18+s15], $0x80, s4, s15, $0x2000b8;
	[tilespmem:$0x1E800] =	vst v63  }
0x163: {  	_ =	swait.ge [sflag:s28], $0x2000  }
0x164: {  	[sflag:s28] =	ssyncset.done $0x0  }
0x165: {  	s5 =	simm.s32 $0x1480;
	[sflag:s28] =	ssyncadd.s32 $0xFFFFE000  }
0x166: {  	[spmem:s21] =	stream.indirect.scatter.add.f32 [tilespmem:s17], [sflag:$0x5], $0x80, s5, s15, $0x2000b8;
	[tilespmem:$0x1E800] =	vst v63  }
0x167: {  	_ =	swait.ge [sflag:s13], $0x2000  }
0x168: {  	[sflag:s13] =	ssyncset.done $0x0  }
0x169: {  	s4 =	simm.s32 $0x280;
	[sflag:s13] =	ssyncadd.s32 $0xFFFFE000  }
0x16a: {  	[tilespmem:s17], [sflag:$0x2] =	stream.indirect.gather [hbm4b:s18+s15], $0x80, s4, s15, $0x2000b8;
	[tilespmem:$0x1E800] =	vst v63  }
0x16b: {  	_ =	swait.ge [sflag:s29], $0x2000  }
0x16c: {  	[sflag:s29] =	ssyncset.done $0x0  }
0x16d: {  	s5 =	simm.s32 $0x1500;
	[sflag:s29] =	ssyncadd.s32 $0xFFFFE000  }
0x16e: {  	[spmem:s21] =	stream.indirect.scatter.add.f32 [tilespmem:s22], [sflag:$0x5], $0x80, s5, s15, $0x2000b8;
	[tilespmem:$0x1E800] =	vst v63  }
0x16f: {  	_ =	swait.ge [sflag:s13], $0x2000  }
0x170: {  	[sflag:s13] =	ssyncset.done $0x0  }
0x171: {  	s4 =	simm.s32 $0x300;
	[sflag:s13] =	ssyncadd.s32 $0xFFFFE000  }
0x172: {  	[tilespmem:s22], [sflag:$0x3] =	stream.indirect.gather [hbm4b:s18+s15], $0x80, s4, s15, $0x2000b8;
	[tilespmem:$0x1E800] =	vst v63  }
0x173: {  	_ =	swait.ge [sflag:s30], $0x2000  }
0x174: {  	[sflag:s30] =	ssyncset.done $0x0  }
0x175: {  	s5 =	simm.s32 $0x1580;
	[sflag:s30] =	ssyncadd.s32 $0xFFFFE000  }
0x176: {  	[spmem:s21] =	stream.indirect.scatter.add.f32 [tilespmem:s25], [sflag:$0x5], $0x80, s5, s15, $0x2000b8;
	[tilespmem:$0x1E800] =	vst v63  }
0x177: {  	_ =	swait.ge [sflag:s13], $0x2000  }
0x178: {  	[sflag:s13] =	ssyncset.done $0x0  }
0x179: {  	s3 =	simm.s32 $0x800;
	s4 =	simm.s32 $0x380;
	[sflag:s13] =	ssyncadd.s32 $0xFFFFE000  }
.LBB2_8:
0x17a: {  	[tilespmem:s25], [sflag:$0x4] =	stream.indirect.gather [hbm4b:s18+s15], $0x80, s4, s15, $0x2000b8;
	[tilespmem:$0x1E800] =	vst v63  }
0x17b: {  	s4 =	smov.u32 s3  }
0x17c: {  	p0 =	sne.s32 s3, $0x4000;
	s3 =	sadd.s32 $0x800, s3;
	_ =	swait.ge [sflag:s26], $0x2000  }
0x17d: {  	s4 =	sshra.s32 s4, $0x2;
	[sflag:s26] =	ssyncset.done $0x0  }
0x17e: {  	s5 =	sadd.s32 $0x1400, s4;
	[sflag:s26] =	ssyncadd.s32 $0xFFFFE000  }
0x17f: {  	[spmem:s21] =	stream.indirect.scatter.add.f32 [tilespmem:s12], [sflag:$0x5], $0x80, s5, s15, $0x2000b8;
	[tilespmem:$0x1E800] =	vst v63  }
0x180: {  	_ =	swait.ge [sflag:s13], $0x2000  }
0x181: {  	[sflag:s13] =	ssyncset.done $0x0  }
0x182: {  	s5 =	sadd.s32 $0x200, s4;
	[sflag:s13] =	ssyncadd.s32 $0xFFFFE000  }
0x183: {  	[tilespmem:s12], [sflag:$0x1] =	stream.indirect.gather [hbm4b:s18+s15], $0x80, s5, s15, $0x2000b8;
	[tilespmem:$0x1E800] =	vst v63  }
0x184: {  	_ =	swait.ge [sflag:s28], $0x2000  }
0x185: {  	[sflag:s28] =	ssyncset.done $0x0  }
0x186: {  	s5 =	sadd.s32 $0x1480, s4;
	[sflag:s28] =	ssyncadd.s32 $0xFFFFE000  }
0x187: {  	[spmem:s21] =	stream.indirect.scatter.add.f32 [tilespmem:s17], [sflag:$0x5], $0x80, s5, s15, $0x2000b8;
	[tilespmem:$0x1E800] =	vst v63  }
0x188: {  	_ =	swait.ge [sflag:s13], $0x2000  }
0x189: {  	[sflag:s13] =	ssyncset.done $0x0  }
0x18a: {  	s5 =	sadd.s32 $0x280, s4;
	[sflag:s13] =	ssyncadd.s32 $0xFFFFE000  }
0x18b: {  	[tilespmem:s17], [sflag:$0x2] =	stream.indirect.gather [hbm4b:s18+s15], $0x80, s5, s15, $0x2000b8;
	[tilespmem:$0x1E800] =	vst v63  }
0x18c: {  	_ =	swait.ge [sflag:s29], $0x2000  }
0x18d: {  	[sflag:s29] =	ssyncset.done $0x0  }
0x18e: {  	s5 =	sadd.s32 $0x1500, s4;
	[sflag:s29] =	ssyncadd.s32 $0xFFFFE000  }
0x18f: {  	[spmem:s21] =	stream.indirect.scatter.add.f32 [tilespmem:s22], [sflag:$0x5], $0x80, s5, s15, $0x2000b8;
	[tilespmem:$0x1E800] =	vst v63  }
0x190: {  	_ =	swait.ge [sflag:s13], $0x2000  }
0x191: {  	[sflag:s13] =	ssyncset.done $0x0  }
0x192: {  	s5 =	sadd.s32 $0x300, s4;
	[sflag:s13] =	ssyncadd.s32 $0xFFFFE000  }
0x193: {  	[tilespmem:s22], [sflag:$0x3] =	stream.indirect.gather [hbm4b:s18+s15], $0x80, s5, s15, $0x2000b8;
	[tilespmem:$0x1E800] =	vst v63  }
0x194: {  	_ =	swait.ge [sflag:s30], $0x2000  }
0x195: {  	[sflag:s30] =	ssyncset.done $0x0  }
.Ltmp3:
0x196: {  	s5 =	sadd.s32 $0x1580, s4;
	[sflag:s30] =	ssyncadd.s32 $0xFFFFE000;
	(pc) =	sbr.rel @p0 .LBB2_8-.Ltmp3, $4  }
0x197: {  	[spmem:s21] =	stream.indirect.scatter.add.f32 [tilespmem:s25], [sflag:$0x5], $0x80, s5, s15, $0x2000b8;
	[tilespmem:$0x1E800] =	vst v63  }
0x198: {  	_ =	swait.ge [sflag:s13], $0x2000  }
0x199: {  	[sflag:s13] =	ssyncset.done $0x0  }
0x19a: {  	s4 =	sadd.s32 $0x380, s4;
	[sflag:s13] =	ssyncadd.s32 $0xFFFFE000  }
0x19b: {  	[tilespmem:s25], [sflag:$0x4] =	stream.indirect.gather [hbm4b:s18+s15], $0x80, s4, s15, $0x2000b8;
	[tilespmem:$0x1E800] =	vst v63  }
0x19c: {  	_ =	swait.ge [sflag:s26], $0x2000  }
0x19d: {  	[sflag:s26] =	ssyncset.done $0x0  }
0x19e: {  	[sflag:s26] =	ssyncadd.s32 $0xFFFFE000  }
0x19f: {  	[spmem:s21] =	stream.indirect.scatter.add.f32 [tilespmem:s12], [sflag:$0x5], $0x80, s31, s15, $0x2000b8;
	[tilespmem:$0x1E800] =	vst v63  }
0x1a0: {  	_ =	swait.ge [sflag:s13], $0x2000  }
0x1a1: {  	[sflag:s13] =	ssyncset.done $0x0  }
0x1a2: {  	[sflag:s13] =	ssyncadd.s32 $0xFFFFE000  }
0x1a3: {  	_ =	swait.ge [sflag:s28], $0x2000  }
0x1a4: {  	[sflag:s28] =	ssyncset.done $0x0  }
0x1a5: {  	[sflag:s28] =	ssyncadd.s32 $0xFFFFE000  }
0x1a6: {  	[spmem:s21] =	stream.indirect.scatter.add.f32 [tilespmem:s17], [sflag:$0x5], $0x80, s19, s15, $0x2000b8;
	[tilespmem:$0x1E800] =	vst v63  }
0x1a7: {  	_ =	swait.ge [sflag:s13], $0x2000  }
0x1a8: {  	[sflag:s13] =	ssyncset.done $0x0  }
0x1a9: {  	[sflag:s13] =	ssyncadd.s32 $0xFFFFE000  }
0x1aa: {  	_ =	swait.ge [sflag:s29], $0x2000  }
0x1ab: {  	[sflag:s29] =	ssyncset.done $0x0  }
0x1ac: {  	[sflag:s29] =	ssyncadd.s32 $0xFFFFE000  }
0x1ad: {  	[spmem:s21] =	stream.indirect.scatter.add.f32 [tilespmem:s22], [sflag:$0x5], $0x80, s0, s15, $0x2000b8;
	[tilespmem:$0x1E800] =	vst v63  }
0x1ae: {  	_ =	swait.ge [sflag:s13], $0x2000  }
0x1af: {  	[sflag:s13] =	ssyncset.done $0x0  }
0x1b0: {  	[sflag:s13] =	ssyncadd.s32 $0xFFFFE000  }
0x1b1: {  	_ =	swait.ge [sflag:s30], $0x2000  }
0x1b2: {  	[sflag:s30] =	ssyncset.done $0x0  }
0x1b3: {  	[sflag:s30] =	ssyncadd.s32 $0xFFFFE000  }
0x1b4: {  	[spmem:s21] =	stream.indirect.scatter.add.f32 [tilespmem:s25], [sflag:$0x5], $0x80, s2, s15, $0x2000b8;
	[tilespmem:$0x1E800] =	vst v63  }
0x1b5: {  	_ =	swait.ge [sflag:s13], $0x2000  }
0x1b6: {  	[sflag:s13] =	ssyncset.done $0x0  }
0x1b7: {  	s3 =	simm.s32 $0x0;
	s5 =	rddreg [dreg:$0xb];
	[sflag:s13] =	ssyncadd.s32 $0xFFFFE000  }
0x1b8: {  	[tilespmem:s3], [sflag:$0x5] =	stream.linear.gather [hbm4b:s5+s3], $0x1400, $0x200038;
	[tilespmem:$0x1E800] =	vst v63  }
0x1b9: {  	_ =	swait.ge [sflag:s13], $0x1400  }
0x1ba: {  	[sflag:s13] =	ssyncset.done $0x0  }
0x1bb: {  	s5 =	rddreg [dreg:$0xc];
	[sflag:s13] =	ssyncadd.s32 $0xFFFFEC00  }
0x1bc: {  	[tilespmem:s14], [sflag:$0x5] =	stream.linear.gather [hbm4b:s5+s3], $0x1400, $0x200038;
	[tilespmem:$0x1E800] =	vst v63  }
0x1bd: {  	_ =	swait.ge [sflag:s13], $0x1400  }
0x1be: {  	[sflag:s13] =	ssyncset.done $0x0  }
0x1bf: {  	[sflag:s13] =	ssyncadd.s32 $0xFFFFEC00  }
0x1c0: {  	[tilespmem:s12], [sflag:$0x1] =	stream.indirect.gather [hbm4b:s18+s15], $0x80, s3, s15, $0x2000b8;
	[tilespmem:$0x1E800] =	vst v63  }
0x1c1: {  	_ = 	snop  }
0x1c2: {  	[tilespmem:s17], [sflag:$0x2] =	stream.indirect.gather [hbm4b:s18+s15], $0x80, s16, s15, $0x2000b8;
	[tilespmem:$0x1E800] =	vst v63  }
0x1c3: {  	_ = 	snop  }
0x1c4: {  	[tilespmem:s22], [sflag:$0x3] =	stream.indirect.gather [hbm4b:s18+s15], $0x80, s20, s15, $0x2000b8;
	[tilespmem:$0x1E800] =	vst v63  }
0x1c5: {  	_ = 	snop  }
0x1c6: {  	[tilespmem:s25], [sflag:$0x4] =	stream.indirect.gather [hbm4b:s18+s15], $0x80, s24, s15, $0x2000b8;
	[tilespmem:$0x1E800] =	vst v63  }
0x1c7: {  	_ =	swait.ge [sflag:s26], $0x2000  }
0x1c8: {  	[sflag:s26] =	ssyncset.done $0x0  }
0x1c9: {  	s5 =	simm.s32 $0x1400;
	[sflag:s26] =	ssyncadd.s32 $0xFFFFE000  }
0x1ca: {  	[spmem:s21] =	stream.indirect.scatter.add.f32 [tilespmem:s12], [sflag:$0x5], $0x80, s5, s15, $0x2000b8;
	[tilespmem:$0x1E800] =	vst v63  }
0x1cb: {  	_ =	swait.ge [sflag:s13], $0x2000  }
0x1cc: {  	[sflag:s13] =	ssyncset.done $0x0  }
0x1cd: {  	s4 =	simm.s32 $0x200;
	[sflag:s13] =	ssyncadd.s32 $0xFFFFE000  }
0x1ce: {  	[tilespmem:s12], [sflag:$0x1] =	stream.indirect.gather [hbm4b:s18+s15], $0x80, s4, s15, $0x2000b8;
	[tilespmem:$0x1E800] =	vst v63  }
0x1cf: {  	_ =	swait.ge [sflag:s28], $0x2000  }
0x1d0: {  	[sflag:s28] =	ssyncset.done $0x0  }
0x1d1: {  	s5 =	simm.s32 $0x1480;
	[sflag:s28] =	ssyncadd.s32 $0xFFFFE000  }
0x1d2: {  	[spmem:s21] =	stream.indirect.scatter.add.f32 [tilespmem:s17], [sflag:$0x5], $0x80, s5, s15, $0x2000b8;
	[tilespmem:$0x1E800] =	vst v63  }
0x1d3: {  	_ =	swait.ge [sflag:s13], $0x2000  }
0x1d4: {  	[sflag:s13] =	ssyncset.done $0x0  }
0x1d5: {  	s4 =	simm.s32 $0x280;
	[sflag:s13] =	ssyncadd.s32 $0xFFFFE000  }
0x1d6: {  	[tilespmem:s17], [sflag:$0x2] =	stream.indirect.gather [hbm4b:s18+s15], $0x80, s4, s15, $0x2000b8;
	[tilespmem:$0x1E800] =	vst v63  }
0x1d7: {  	_ =	swait.ge [sflag:s29], $0x2000  }
0x1d8: {  	[sflag:s29] =	ssyncset.done $0x0  }
0x1d9: {  	s5 =	simm.s32 $0x1500;
	[sflag:s29] =	ssyncadd.s32 $0xFFFFE000  }
0x1da: {  	[spmem:s21] =	stream.indirect.scatter.add.f32 [tilespmem:s22], [sflag:$0x5], $0x80, s5, s15, $0x2000b8;
	[tilespmem:$0x1E800] =	vst v63  }
0x1db: {  	_ =	swait.ge [sflag:s13], $0x2000  }
0x1dc: {  	[sflag:s13] =	ssyncset.done $0x0  }
0x1dd: {  	s4 =	simm.s32 $0x300;
	[sflag:s13] =	ssyncadd.s32 $0xFFFFE000  }
0x1de: {  	[tilespmem:s22], [sflag:$0x3] =	stream.indirect.gather [hbm4b:s18+s15], $0x80, s4, s15, $0x2000b8;
	[tilespmem:$0x1E800] =	vst v63  }
0x1df: {  	_ =	swait.ge [sflag:s30], $0x2000  }
0x1e0: {  	[sflag:s30] =	ssyncset.done $0x0  }
0x1e1: {  	s5 =	simm.s32 $0x1580;
	[sflag:s30] =	ssyncadd.s32 $0xFFFFE000  }
0x1e2: {  	[spmem:s21] =	stream.indirect.scatter.add.f32 [tilespmem:s25], [sflag:$0x5], $0x80, s5, s15, $0x2000b8;
	[tilespmem:$0x1E800] =	vst v63  }
0x1e3: {  	_ =	swait.ge [sflag:s13], $0x2000  }
0x1e4: {  	[sflag:s13] =	ssyncset.done $0x0  }
0x1e5: {  	s3 =	simm.s32 $0x800;
	s4 =	simm.s32 $0x380;
	[sflag:s13] =	ssyncadd.s32 $0xFFFFE000  }
.LBB2_10:
0x1e6: {  	[tilespmem:s25], [sflag:$0x4] =	stream.indirect.gather [hbm4b:s18+s15], $0x80, s4, s15, $0x2000b8;
	[tilespmem:$0x1E800] =	vst v63  }
0x1e7: {  	s4 =	smov.u32 s3  }
0x1e8: {  	p0 =	sne.s32 s3, $0x4000;
	s3 =	sadd.s32 $0x800, s3;
	_ =	swait.ge [sflag:s26], $0x2000  }
0x1e9: {  	s4 =	sshra.s32 s4, $0x2;
	[sflag:s26] =	ssyncset.done $0x0  }
0x1ea: {  	s5 =	sadd.s32 $0x1400, s4;
	[sflag:s26] =	ssyncadd.s32 $0xFFFFE000  }
0x1eb: {  	[spmem:s21] =	stream.indirect.scatter.add.f32 [tilespmem:s12], [sflag:$0x5], $0x80, s5, s15, $0x2000b8;
	[tilespmem:$0x1E800] =	vst v63  }
0x1ec: {  	_ =	swait.ge [sflag:s13], $0x2000  }
0x1ed: {  	[sflag:s13] =	ssyncset.done $0x0  }
0x1ee: {  	s5 =	sadd.s32 $0x200, s4;
	[sflag:s13] =	ssyncadd.s32 $0xFFFFE000  }
0x1ef: {  	[tilespmem:s12], [sflag:$0x1] =	stream.indirect.gather [hbm4b:s18+s15], $0x80, s5, s15, $0x2000b8;
	[tilespmem:$0x1E800] =	vst v63  }
0x1f0: {  	_ =	swait.ge [sflag:s28], $0x2000  }
0x1f1: {  	[sflag:s28] =	ssyncset.done $0x0  }
0x1f2: {  	s5 =	sadd.s32 $0x1480, s4;
	[sflag:s28] =	ssyncadd.s32 $0xFFFFE000  }
0x1f3: {  	[spmem:s21] =	stream.indirect.scatter.add.f32 [tilespmem:s17], [sflag:$0x5], $0x80, s5, s15, $0x2000b8;
	[tilespmem:$0x1E800] =	vst v63  }
0x1f4: {  	_ =	swait.ge [sflag:s13], $0x2000  }
0x1f5: {  	[sflag:s13] =	ssyncset.done $0x0  }
0x1f6: {  	s5 =	sadd.s32 $0x280, s4;
	[sflag:s13] =	ssyncadd.s32 $0xFFFFE000  }
0x1f7: {  	[tilespmem:s17], [sflag:$0x2] =	stream.indirect.gather [hbm4b:s18+s15], $0x80, s5, s15, $0x2000b8;
	[tilespmem:$0x1E800] =	vst v63  }
0x1f8: {  	_ =	swait.ge [sflag:s29], $0x2000  }
0x1f9: {  	[sflag:s29] =	ssyncset.done $0x0  }
0x1fa: {  	s5 =	sadd.s32 $0x1500, s4;
	[sflag:s29] =	ssyncadd.s32 $0xFFFFE000  }
0x1fb: {  	[spmem:s21] =	stream.indirect.scatter.add.f32 [tilespmem:s22], [sflag:$0x5], $0x80, s5, s15, $0x2000b8;
	[tilespmem:$0x1E800] =	vst v63  }
0x1fc: {  	_ =	swait.ge [sflag:s13], $0x2000  }
0x1fd: {  	[sflag:s13] =	ssyncset.done $0x0  }
0x1fe: {  	s5 =	sadd.s32 $0x300, s4;
	[sflag:s13] =	ssyncadd.s32 $0xFFFFE000  }
0x1ff: {  	[tilespmem:s22], [sflag:$0x3] =	stream.indirect.gather [hbm4b:s18+s15], $0x80, s5, s15, $0x2000b8;
	[tilespmem:$0x1E800] =	vst v63  }
0x200: {  	_ =	swait.ge [sflag:s30], $0x2000  }
0x201: {  	[sflag:s30] =	ssyncset.done $0x0  }
.Ltmp4:
0x202: {  	s5 =	sadd.s32 $0x1580, s4;
	[sflag:s30] =	ssyncadd.s32 $0xFFFFE000;
	(pc) =	sbr.rel @p0 .LBB2_10-.Ltmp4, $4  }
0x203: {  	[spmem:s21] =	stream.indirect.scatter.add.f32 [tilespmem:s25], [sflag:$0x5], $0x80, s5, s15, $0x2000b8;
	[tilespmem:$0x1E800] =	vst v63  }
0x204: {  	_ =	swait.ge [sflag:s13], $0x2000  }
0x205: {  	[sflag:s13] =	ssyncset.done $0x0  }
0x206: {  	s4 =	sadd.s32 $0x380, s4;
	[sflag:s13] =	ssyncadd.s32 $0xFFFFE000  }
0x207: {  	[tilespmem:s25], [sflag:$0x4] =	stream.indirect.gather [hbm4b:s18+s15], $0x80, s4, s15, $0x2000b8;
	[tilespmem:$0x1E800] =	vst v63  }
0x208: {  	_ =	swait.ge [sflag:s26], $0x2000  }
0x209: {  	[sflag:s26] =	ssyncset.done $0x0  }
0x20a: {  	[sflag:s26] =	ssyncadd.s32 $0xFFFFE000  }
0x20b: {  	[spmem:s21] =	stream.indirect.scatter.add.f32 [tilespmem:s12], [sflag:$0x5], $0x80, s31, s15, $0x2000b8;
	[tilespmem:$0x1E800] =	vst v63  }
0x20c: {  	_ =	swait.ge [sflag:s13], $0x2000  }
0x20d: {  	[sflag:s13] =	ssyncset.done $0x0  }
0x20e: {  	[sflag:s13] =	ssyncadd.s32 $0xFFFFE000  }
0x20f: {  	_ =	swait.ge [sflag:s28], $0x2000  }
0x210: {  	[sflag:s28] =	ssyncset.done $0x0  }
0x211: {  	[sflag:s28] =	ssyncadd.s32 $0xFFFFE000  }
0x212: {  	[spmem:s21] =	stream.indirect.scatter.add.f32 [tilespmem:s17], [sflag:$0x5], $0x80, s19, s15, $0x2000b8;
	[tilespmem:$0x1E800] =	vst v63  }
0x213: {  	_ =	swait.ge [sflag:s13], $0x2000  }
0x214: {  	[sflag:s13] =	ssyncset.done $0x0  }
0x215: {  	[sflag:s13] =	ssyncadd.s32 $0xFFFFE000  }
0x216: {  	_ =	swait.ge [sflag:s29], $0x2000  }
0x217: {  	[sflag:s29] =	ssyncset.done $0x0  }
0x218: {  	[sflag:s29] =	ssyncadd.s32 $0xFFFFE000  }
0x219: {  	[spmem:s21] =	stream.indirect.scatter.add.f32 [tilespmem:s22], [sflag:$0x5], $0x80, s0, s15, $0x2000b8;
	[tilespmem:$0x1E800] =	vst v63  }
0x21a: {  	_ =	swait.ge [sflag:s13], $0x2000  }
0x21b: {  	[sflag:s13] =	ssyncset.done $0x0  }
0x21c: {  	[sflag:s13] =	ssyncadd.s32 $0xFFFFE000  }
0x21d: {  	_ =	swait.ge [sflag:s30], $0x2000  }
0x21e: {  	[sflag:s30] =	ssyncset.done $0x0  }
0x21f: {  	[sflag:s30] =	ssyncadd.s32 $0xFFFFE000  }
0x220: {  	[spmem:s21] =	stream.indirect.scatter.add.f32 [tilespmem:s25], [sflag:$0x5], $0x80, s2, s15, $0x2000b8;
	[tilespmem:$0x1E800] =	vst v63  }
0x221: {  	_ =	swait.ge [sflag:s13], $0x2000  }
0x222: {  	[sflag:s13] =	ssyncset.done $0x0  }
0x223: {  	[sflag:s13] =	ssyncadd.s32 $0xFFFFE000  }
0x224: {  	[bflag:$0x0] =	sbarrier.arrive $0xFFFF  }
0x225: {  	s3 =	stileid.u32;
	_ =	strace $0x90000049  }
0x226: {  	s3 =	sshll.u32 s3, $0x6;
	_ =	strace $0x8000004A  }
0x227: {  	s4 =	sshrl.u32 s23, $0x3;
	s3 =	sor.u32 $0x1C05, s3;
	s5 =	rddreg [dreg:$0xd]  }
0x228: {  	[hbm:s5], [sflag:s3] =	dma.local [spmem:s4], $0x400  }
0x229: {  	_ =	swait.ge [sflag:s13], $0x400  }
0x22a: {  	[sflag:s13] =	ssyncset.done $0x0;
	s4 =	rddreg [dreg:$0xe]  }
0x22b: {  	s5 =	rddreg [dreg:$0x18];
	[sflag:s13] =	ssyncadd.s32 $0xFFFFFC00  }
0x22c: {  	[hbm:s4], [sflag:s3] =	dma.local [spmem:s5], $0x400  }
0x22d: {  	_ =	swait.ge [sflag:s13], $0x400  }
0x22e: {  	[sflag:s13] =	ssyncset.done $0x0;
	s4 =	rddreg [dreg:$0xf]  }
0x22f: {  	s5 =	rddreg [dreg:$0x19];
	[sflag:s13] =	ssyncadd.s32 $0xFFFFFC00  }
0x230: {  	[hbm:s4], [sflag:s3] =	dma.local [spmem:s5], $0x400  }
0x231: {  	_ =	swait.ge [sflag:s13], $0x400  }
0x232: {  	[sflag:s13] =	ssyncset.done $0x0;
	s4 =	rddreg [dreg:$0x10]  }
0x233: {  	s5 =	rddreg [dreg:$0x1a];
	[sflag:s13] =	ssyncadd.s32 $0xFFFFFC00  }
0x234: {  	[hbm:s4], [sflag:s3] =	dma.local [spmem:s5], $0x400  }
0x235: {  	_ =	swait.ge [sflag:s13], $0x400  }
0x236: {  	[sflag:s13] =	ssyncset.done $0x0;
	s4 =	rddreg [dreg:$0x11]  }
0x237: {  	s5 =	rddreg [dreg:$0x1b];
	[sflag:s13] =	ssyncadd.s32 $0xFFFFFC00  }
0x238: {  	[hbm:s4], [sflag:s3] =	dma.local [spmem:s5], $0x400  }
0x239: {  	_ =	swait.ge [sflag:s13], $0x400  }
0x23a: {  	[sflag:s13] =	ssyncset.done $0x0;
	s4 =	rddreg [dreg:$0x12]  }
0x23b: {  	s5 =	rddreg [dreg:$0x1c];
	[sflag:s13] =	ssyncadd.s32 $0xFFFFFC00  }
0x23c: {  	[hbm:s4], [sflag:s3] =	dma.local [spmem:s5], $0x400  }
0x23d: {  	_ =	swait.ge [sflag:s13], $0x400  }
0x23e: {  	[sflag:s13] =	ssyncset.done $0x0;
	s4 =	rddreg [dreg:$0x13]  }
0x23f: {  	s5 =	rddreg [dreg:$0x1d];
	[sflag:s13] =	ssyncadd.s32 $0xFFFFFC00  }
0x240: {  	[hbm:s4], [sflag:s3] =	dma.local [spmem:s5], $0x400  }
0x241: {  	_ =	swait.ge [sflag:s13], $0x400  }
0x242: {  	[sflag:s13] =	ssyncset.done $0x0;
	s4 =	rddreg [dreg:$0x14]  }
0x243: {  	s5 =	rddreg [dreg:$0x1e];
	[sflag:s13] =	ssyncadd.s32 $0xFFFFFC00  }
0x244: {  	[hbm:s4], [sflag:s3] =	dma.local [spmem:s5], $0x400  }
0x245: {  	_ =	swait.ge [sflag:s13], $0x400  }
0x246: {  	[sflag:s13] =	ssyncset.done $0x0;
	s4 =	rddreg [dreg:$0x15]  }
0x247: {  	s5 =	rddreg [dreg:$0x1f];
	[sflag:s13] =	ssyncadd.s32 $0xFFFFFC00  }
0x248: {  	[hbm:s4], [sflag:s3] =	dma.local [spmem:s5], $0x400  }
0x249: {  	_ =	swait.ge [sflag:s13], $0x400  }
0x24a: {  	s5 =	sld [smem:$0x7FA]  }
0x24b: {  	[sflag:s13] =	ssyncset.done $0x0  }
0x24c: {  	s4 =	rddreg [dreg:$0x16];
	[sflag:s13] =	ssyncadd.s32 $0xFFFFFC00  }
0x24d: {  	[hbm:s4], [sflag:s3] =	dma.local [spmem:s5], $0x400  }
0x24e: {  	_ =	swait.ge [sflag:s13], $0x400  }
0x24f: {  	s1 =	sadd.s32 $0x1, s1;
	s5 =	rddreg [dreg:$0x17]  }
0x250: {  	p0 =	sne.s32 s1, s5  }
.Ltmp5:
0x251: {  	_ = 	snop;
	(pc) =	sbr.rel @p0 .LBB2_1-.Ltmp5, $4  }
0x252: {  	_ = 	snop  }
0x253: {  	[sflag:s13] =	ssyncset.done $0x0  }
0x254: {  	[sflag:s13] =	ssyncadd.s32 $0xFFFFFC00  }
0x255: {  	_ =	strace $0x9000004A  }
0x256: {  	_ =	sfence.sel $0x180000  }
0x257: {  	[bflag:$0x0] =	sbarrier.arrive $0xFFFF  }
0x258: {  	_ =	strace $0x90000047  }
0x259: {  	s0 =	stileid.u32;
	[bflag:$0x2] =	sbarrier.arrive $0xFFFF  }
0x25a: {  	p0 =	sne.s32 s0, $0x0;
	s0 =	rddreg [dreg:$0x4]  }
0x25b: {  	s0 =	sadd.s32 @!p0 $0x100000, s0  }
0x25c: {  	[sflag:s0] =	ssyncadd.tile.s32 @!p0 $0x1;
	_ =	shalt  }
.Lfunc_end2:
_tile_overlayer_lowered:
.L_overlay_start_2:
0x25d: {  	(tag) =	ssettag $0x2  }
0x25e: {  	s0 =	rddreg [dreg:$0x0];
	s2 =	stileid.u32  }
0x25f: {  	s1 =	rddreg [dreg:$0x1];
	p0 =	sne.s32 s2, $0x0  }
0x260: {  	s3 =	rddreg [dreg:$0x2];
	[bflag:$0x3] =	sbarrier.arrive $0xFFFF;
	s2 =	simm.s32 @!p0 $0x1C05  }
0x261: {  	[timem:s3], [sflag:s2] =	dma.local @!p0 [hbm:s0], s1  }
0x262: {  	s0 =	simm.s32 @!p0 $0x5  }
0x263: {  	_ =	swait.ge @!p0 [sflag:s0], s1  }
0x264: {  	s1 =	ssub.s32 @!p0 $0x0, s1;
	[sflag:s0] =	ssyncset.done @!p0 $0x0  }
0x265: {  	[sflag:s0] =	ssyncadd.s32 @!p0 s1  }
0x266: {  	[bflag:$0x3] =	sbarrier.arrive $0xFFFF  }
0x267: {  	_ =	shalt  }

</sc_bundles>
